<compile_context>
chip_gen: v7x
topology: tpu7x:2x2x1
jax: 0.10.2.dev20260603
libtpu: 0.0.44.dev20260713+nightly
codegen_flags: <defaults>
</compile_context>

<pallas_src>
import functools

import jax
import jax.numpy as jnp
from jax import lax
from jax.experimental import pallas as pl
from jax.experimental.pallas import tpu as pltpu
from jax.experimental.pallas import tpu_sc as plsc

N_PMTS = 12
N_TICKS = 550
TP = 560
T = 8192
B = 8
NC = 2
NS = 16
NW = NC * NS
CHUNK = T // NW
W = 6
ACC = B * 16 * TP


def _mlp_body(e_ref, u_ref, w1_ref, b1_ref, w2_ref, b2_ref, sc_ref, nl_ref,
              out_ref):
    z = e_ref[:, 2:3]
    h = jax.nn.sigmoid(
        jnp.dot(e_ref[...], w1_ref[...], preferred_element_type=jnp.float32)
        + b1_ref[...])
    pmt = jax.nn.sigmoid(
        jnp.dot(h, w2_ref[...], preferred_element_type=jnp.float32)
        + b2_ref[...])
    prob = 1.0 - jnp.exp(z * nl_ref[...])
    mask = (prob > u_ref[...]).astype(jnp.float32)
    out_ref[...] = pmt * sc_ref[...] * mask


def _mlp_pmt(electrons, u2, w1, b1, w2p, b2p, scale16, neg_inv_lt):
    return pl.pallas_call(
        _mlp_body,
        out_shape=jax.ShapeDtypeStruct((T, 16), jnp.float32),
    )(electrons, u2, w1, b1, w2p, b2p, scale16, neg_inv_lt)


CPAD = CHUNK + 16


def _sc_scatter_body(z_hbm, pmt_hbm, cu_hbm, zero_hbm, out_hbm,
                     z_v, pmt_v, cu_v, ib_v, gw_v, acc_v, sem):
    wid = lax.axis_index("s") * NC + lax.axis_index("c")
    base = wid * CHUNK
    pltpu.sync_copy(z_hbm.at[pl.ds(base, CHUNK)], z_v.at[pl.ds(0, CHUNK)])
    pltpu.sync_copy(pmt_hbm.at[pl.ds(base, CHUNK)], pmt_v)
    pltpu.sync_copy(cu_hbm, cu_v)
    pltpu.sync_copy(zero_hbm, acc_v)

    iota_i = lax.iota(jnp.int32, 16)
    iota560 = iota_i * TP

    cuts = [plsc.load_gather(cu_v, [jnp.full((16,), s, dtype=jnp.int32)])
            for s in range(1, B)]

    for g in range(CHUNK // 16):
        sl = pl.ds(g * 16, 16)
        zg = z_v[sl]
        t0i = jnp.clip(zg.astype(jnp.int32) - 2, 0, TP - W)
        c0 = t0i.astype(jnp.float32) + (0.5 - zg)
        for w in range(W):
            dw = c0 + jnp.float32(w)
            gw_v[pl.ds(w * CPAD + g * 16, 16)] = jnp.exp(dw * dw * -10.0)
        tvec = jnp.full((16,), base + g * 16, dtype=jnp.int32) + iota_i
        seg = jnp.zeros((16,), dtype=jnp.int32)
        for c in cuts:
            seg = seg + (tvec >= c).astype(jnp.int32)
        ib_v[sl] = seg * (16 * TP) + t0i

    def body(e, _):
        efull = jnp.full((16,), e, dtype=jnp.int32)
        ib = plsc.load_gather(ib_v, [efull])
        pm = plsc.load_gather(pmt_v, [efull, iota_i])
        idxv = ib + iota560
        for w in range(W):
            gw = plsc.load_gather(gw_v, [efull + (w * CPAD)])
            plsc.addupdate_scatter(acc_v, [idxv + w], pm * gw)
        return ()

    lax.fori_loop(0, CHUNK, body, (), unroll=4)
    pltpu.sync_copy(acc_v, out_hbm.at[wid])


@functools.partial(jax.jit, static_argnames=())
def _sc_scatter(zs, pmt16, cu16, zero_acc):
    mesh = plsc.VectorSubcoreMesh(core_axis_name="c", subcore_axis_name="s")
    kfn = pl.kernel(
        _sc_scatter_body,
        out_type=jax.ShapeDtypeStruct((NW, ACC), jnp.float32),
        mesh=mesh,
        scratch_types=[
            pltpu.VMEM((CPAD,), jnp.float32),
            pltpu.VMEM((CHUNK, 16), jnp.float32),
            pltpu.VMEM((16,), jnp.int32),
            pltpu.VMEM((CPAD,), jnp.int32),
            pltpu.VMEM((W * CPAD,), jnp.float32),
            pltpu.VMEM((ACC,), jnp.float32),
            pltpu.SemaphoreType.DMA,
        ],
        compiler_params=pltpu.CompilerParams(needs_layout_passes=False),
    )
    return kfn(zs, pmt16, cu16, zero_acc)


def kernel(electrons, u, W1, b1, W2, b2, pmt_response_scale, lifetime,
           cu_seqlens):
    gauss_norm = 1.0 / (0.1 * 2.5066282746)
    w1a = jnp.concatenate([W1, jnp.zeros((1, 28), jnp.float32)], axis=0)
    w2p = jnp.concatenate([W2, jnp.zeros((28, 4), jnp.float32)], axis=1)
    b2p = jnp.concatenate([b2, jnp.full((4,), -40.0, jnp.float32)])
    sc16 = jnp.concatenate(
        [pmt_response_scale**2 * gauss_norm, jnp.zeros((4,), jnp.float32)])
    scale16 = sc16.reshape(1, 16)
    neg_inv_lt = (-1.0 / lifetime).reshape(1, 1).astype(jnp.float32)
    u2 = u.reshape(T, 1)

    pmt16 = _mlp_pmt(electrons, u2, w1a, b1, w2p, b2p, scale16, neg_inv_lt)

    zs = electrons[:, 2]
    cu16 = jnp.concatenate(
        [cu_seqlens, jnp.full((16 - B - 1,), T, jnp.int32)]).astype(jnp.int32)
    zero_acc = jnp.zeros((ACC,), jnp.float32)

    partials = _sc_scatter(zs, pmt16, cu16, zero_acc)
    out = partials.sum(axis=0).reshape(B, 16, TP)
    return out[:, :N_PMTS, :N_TICKS]

# --- scband reference (transcript-rebuilt; emitter-appended) ---
"""Pipeline reference for scband-next-simulator-29678224015913 (READ-ONLY COPY).

The authoritative reference and input builder live on the scoring server;
editing this copy changes nothing except your own understanding.
"""

import jax, jax.numpy as jnp
import numpy as np

N_PMTS = 12
N_TICKS = 550
BIN_SIGMA = 0.1
GAUSS_NORM = 1.0 / (BIN_SIGMA * 2.5066282746)
T = 8192
B = 8


def setup_inputs(seed: int = 0) -> dict:
    key = jax.random.key(seed)
    ks = jax.random.split(key, 8)
    # diffused electron positions (x, y in mm; z in tick units within [0, 550))
    electrons = jax.random.uniform(ks[0], (T, 3), dtype=jnp.float32) * jnp.array([400.0, 400.0, 550.0], dtype=jnp.float32)
    # ragged segment boundaries: cu_seqlens[0]=0, cu_seqlens[-1]=T, sorted interior cut points
    interior = jnp.sort(jax.random.randint(ks[1], (B - 1,), 0, T)).astype(jnp.int32)
    cu_seqlens = jnp.concatenate([jnp.array([0], dtype=jnp.int32), interior, jnp.array([T], dtype=jnp.int32)])
    # uniform draws used by the lifetime acceptance test (tfp Uniform().sample)
    u = jax.random.uniform(ks[2], (T,), dtype=jnp.float32)
    # learned parameters (Dense(2->28, sigmoid), Dense(28->12, sigmoid), pmt scale, lifetime)
    W1 = jax.random.normal(ks[3], (2, 28), dtype=jnp.float32) * 0.5
    b1 = jnp.zeros((28,), dtype=jnp.float32)
    W2 = jax.random.normal(ks[4], (28, 12), dtype=jnp.float32) * 0.3
    b2 = jnp.zeros((12,), dtype=jnp.float32)
    pmt_response_scale = jnp.ones((12,), dtype=jnp.float32)
    lifetime = jnp.asarray(25.0, dtype=jnp.float32)
    return {"electrons": electrons, "u": u, "W1": W1, "b1": b1, "W2": W2, "b2": b2,
            "pmt_response_scale": pmt_response_scale, "lifetime": lifetime, "cu_seqlens": cu_seqlens}


def reference(electrons, u, W1, b1, W2, b2, pmt_response_scale, lifetime, cu_seqlens):
    # apply_lifetime / select_electrons: prob = 1 - exp(-z/lifetime); accept if prob > u.
    # boolean_mask (ragged drop) is realized as a 0/1 multiplier -> identical final sums.
    z = electrons[:, 2]
    prob = 1.0 - jnp.exp(-z / lifetime)
    mask = (prob > u).astype(jnp.float32)
    # s2pmt_subcall: gaussian binning of z over 550 ticks
    ticks = jnp.arange(N_TICKS, dtype=jnp.float32) + 0.5
    exp_values = GAUSS_NORM * jnp.exp(-((ticks[None, :] - z[:, None]) ** 2) / BIN_SIGMA)  # [T, 550]
    # s2pmt_call_network: Dense sigmoid stack on (x, y), scaled by pmt_response_scale^2
    xy = electrons[:, 0:2]
    h = jax.nn.sigmoid(xy @ W1 + b1)
    pmt = jax.nn.sigmoid(h @ W2 + b2) * jnp.power(pmt_response_scale, 2)  # [T, 12]
    pmt = pmt * mask[:, None]
    # per-segment: result = transpose(z_values_sparse @ pmt_response) = pmt^T @ exp_values -> [12, 550]
    n_total = electrons.shape[0]
    n_segs = cu_seqlens.shape[0] - 1
    idx = jnp.arange(n_total, dtype=jnp.int32)
    seg_mask = ((idx[None, :] >= cu_seqlens[:-1, None]) & (idx[None, :] < cu_seqlens[1:, None])).astype(jnp.float32)  # [B, T]

    def segment_out(m):
        return (pmt * m[:, None]).T @ exp_values

    outs = jax.vmap(segment_out)(seg_mask.reshape(n_segs, n_total))
    return outs  # [B, 12, 550]

if __name__ == "__main__":
    import jax
    _d = setup_inputs()
    print(jax.jit(kernel)(*tuple(_d.values())))

</pallas_src>

<mosaic_0001>
#map = affine_map<(d0, d1) -> (0)>
#map1 = affine_map<(d0, d1) -> (0, 0)>
module attributes {stable_mosaic.version = 14 : i64} {
  func.func @_sc_scatter_body(%arg0: i32, %arg1: i32, %arg2: memref<8192xf32, #tpu.memory_space<hbm>>, %arg3: memref<8192x16xf32, #tpu.memory_space<hbm>>, %arg4: memref<16xi32, #tpu.memory_space<hbm>>, %arg5: memref<71680xf32, #tpu.memory_space<hbm>>, %arg6: memref<32x71680xf32, #tpu.memory_space<hbm>>, %arg7: memref<272xf32, #tpu.memory_space<vmem>>, %arg8: memref<256x16xf32, #tpu.memory_space<vmem>>, %arg9: memref<16xi32, #tpu.memory_space<vmem>>, %arg10: memref<272xi32, #tpu.memory_space<vmem>>, %arg11: memref<1632xf32, #tpu.memory_space<vmem>>, %arg12: memref<71680xf32, #tpu.memory_space<vmem>>, %arg13: memref<!tpu.dma_semaphore, #tpu.memory_space<semaphore_mem>>) attributes {dimension_semantics = [#tpu.dimension_semantics<core_parallel>, #tpu.dimension_semantics<subcore_parallel>], iteration_bounds = array<i64: 2, 16>, scalar_prefetch = 0 : i64, scratch_operands = 7 : i64, tpu.core_type = #tpu.core_type<sc_vector_subcore>, window_params = [{transform_indices = #map}, {transform_indices = #map1}, {transform_indices = #map}, {transform_indices = #map}, {transform_indices = #map1}]} {
    %mul3A = arith.constant 2 : i32
    %mul3A_0 = arith.muli %arg1, %mul3A : i32
    %add3A = arith.addi %mul3A_0, %arg0 : i32
    %mul3A_1 = arith.constant 256 : i32
    %mul3A_2 = arith.muli %add3A, %mul3A_1 : i32
    "tpu.region"() ({
      %run_scoped3A = tpu.sem_alloc : memref<!tpu.dma_semaphore, #tpu.memory_space<semaphore_mem>>
      %dma_start3A = arith.constant 0 : i32
      %dma_start3A_1780 = tpu.memref_slice %arg7[%dma_start3A] : memref<272xf32, #tpu.memory_space<vmem>> -> memref<256xf32, #tpu.memory_space<vmem>>
      %dma_start3A_1781 = tpu.memref_slice %arg2[%mul3A_2] : memref<8192xf32, #tpu.memory_space<hbm>> -> memref<256xf32, #tpu.memory_space<hbm>>
      %dma_start3A_1782 = arith.constant 0 : i32
      %dma_start3A_1783 = tpu.memref_slice %arg7[%dma_start3A_1782] : memref<272xf32, #tpu.memory_space<vmem>> -> memref<256xf32, #tpu.memory_space<vmem>>
      %dma_start3A_1784 = tpu.memref_slice %arg2[%mul3A_2] : memref<8192xf32, #tpu.memory_space<hbm>> -> memref<256xf32, #tpu.memory_space<hbm>>
      tpu.enqueue_dma source(%dma_start3A_1784 : memref<256xf32, #tpu.memory_space<hbm>>) target(%dma_start3A_1783 : memref<256xf32, #tpu.memory_space<vmem>>) target_semaphore(%run_scoped3A : memref<!tpu.dma_semaphore, #tpu.memory_space<semaphore_mem>>)
      %dma_wait3A = arith.constant 0 : i32
      %dma_wait3A_1785 = tpu.memref_slice %arg7[%dma_wait3A] : memref<272xf32, #tpu.memory_space<vmem>> -> memref<256xf32, #tpu.memory_space<vmem>>
      %dma_wait3A_1786 = tpu.memref_slice %arg2[%mul3A_2] : memref<8192xf32, #tpu.memory_space<hbm>> -> memref<256xf32, #tpu.memory_space<hbm>>
      %dma_wait3A_1787 = arith.constant 0 : i32
      %dma_wait3A_1788 = tpu.memref_slice %arg7[%dma_wait3A_1787] : memref<272xf32, #tpu.memory_space<vmem>> -> memref<256xf32, #tpu.memory_space<vmem>>
      %dma_wait3A_1789 = tpu.memref_slice %arg2[%mul3A_2] : memref<8192xf32, #tpu.memory_space<hbm>> -> memref<256xf32, #tpu.memory_space<hbm>>
      tpu.wait_dma2 semaphore(%run_scoped3A : memref<!tpu.dma_semaphore, #tpu.memory_space<semaphore_mem>>) src(%dma_wait3A_1789 : memref<256xf32, #tpu.memory_space<hbm>>) dst(%dma_wait3A_1788 : memref<256xf32, #tpu.memory_space<vmem>>)
      tpu.yield
    }) : () -> ()
    "tpu.region"() ({
      %run_scoped3A = tpu.sem_alloc : memref<!tpu.dma_semaphore, #tpu.memory_space<semaphore_mem>>
      %dma_start3A = arith.constant 0 : i32
      %dma_start3A_1780 = tpu.memref_slice %arg3[%mul3A_2, %dma_start3A] : memref<8192x16xf32, #tpu.memory_space<hbm>> -> memref<256x16xf32, #tpu.memory_space<hbm>>
      %dma_start3A_1781 = arith.constant 0 : i32
      %dma_start3A_1782 = tpu.memref_slice %arg3[%mul3A_2, %dma_start3A_1781] : memref<8192x16xf32, #tpu.memory_space<hbm>> -> memref<256x16xf32, #tpu.memory_space<hbm>>
      tpu.enqueue_dma source(%dma_start3A_1782 : memref<256x16xf32, #tpu.memory_space<hbm>>) target(%arg8 : memref<256x16xf32, #tpu.memory_space<vmem>>) target_semaphore(%run_scoped3A : memref<!tpu.dma_semaphore, #tpu.memory_space<semaphore_mem>>)
      %dma_wait3A = arith.constant 0 : i32
      %dma_wait3A_1783 = tpu.memref_slice %arg3[%mul3A_2, %dma_wait3A] : memref<8192x16xf32, #tpu.memory_space<hbm>> -> memref<256x16xf32, #tpu.memory_space<hbm>>
      %dma_wait3A_1784 = arith.constant 0 : i32
      %dma_wait3A_1785 = tpu.memref_slice %arg3[%mul3A_2, %dma_wait3A_1784] : memref<8192x16xf32, #tpu.memory_space<hbm>> -> memref<256x16xf32, #tpu.memory_space<hbm>>
      tpu.wait_dma2 semaphore(%run_scoped3A : memref<!tpu.dma_semaphore, #tpu.memory_space<semaphore_mem>>) src(%dma_wait3A_1785 : memref<256x16xf32, #tpu.memory_space<hbm>>) dst(%arg8 : memref<256x16xf32, #tpu.memory_space<vmem>>)
      tpu.yield
    }) : () -> ()
    "tpu.region"() ({
      %run_scoped3A = tpu.sem_alloc : memref<!tpu.dma_semaphore, #tpu.memory_space<semaphore_mem>>
      tpu.enqueue_dma source(%arg4 : memref<16xi32, #tpu.memory_space<hbm>>) target(%arg9 : memref<16xi32, #tpu.memory_space<vmem>>) target_semaphore(%run_scoped3A : memref<!tpu.dma_semaphore, #tpu.memory_space<semaphore_mem>>)
      tpu.wait_dma2 semaphore(%run_scoped3A : memref<!tpu.dma_semaphore, #tpu.memory_space<semaphore_mem>>) src(%arg4 : memref<16xi32, #tpu.memory_space<hbm>>) dst(%arg9 : memref<16xi32, #tpu.memory_space<vmem>>)
      tpu.yield
    }) : () -> ()
    "tpu.region"() ({
      %run_scoped3A = tpu.sem_alloc : memref<!tpu.dma_semaphore, #tpu.memory_space<semaphore_mem>>
      tpu.enqueue_dma source(%arg5 : memref<71680xf32, #tpu.memory_space<hbm>>) target(%arg12 : memref<71680xf32, #tpu.memory_space<vmem>>) target_semaphore(%run_scoped3A : memref<!tpu.dma_semaphore, #tpu.memory_space<semaphore_mem>>)
      tpu.wait_dma2 semaphore(%run_scoped3A : memref<!tpu.dma_semaphore, #tpu.memory_space<semaphore_mem>>) src(%arg5 : memref<71680xf32, #tpu.memory_space<hbm>>) dst(%arg12 : memref<71680xf32, #tpu.memory_space<vmem>>)
      tpu.yield
    }) : () -> ()
    %iota3A = tpu.iota {dimensions = array<i32: 0>} : vector<16xi32>
    %mul3A_3 = arith.constant 560 : i32
    %mul3A_4 = vector.broadcast %mul3A_3 : i32 to vector<16xi32>
    %mul3A_5 = arith.muli %iota3A, %mul3A_4 : vector<16xi32>
    %broadcast_in_dim3A = arith.constant 1 : i32
    %broadcast_in_dim3A_6 = vector.broadcast %broadcast_in_dim3A : i32 to vector<16xi32>
    %gather3A = tpu.vector_load_idx %arg9[%broadcast_in_dim3A_6] : memref<16xi32, #tpu.memory_space<vmem>>[vector<16xi32>], vector<16xi32>,
    %broadcast_in_dim3A_7 = arith.constant 2 : i32
    %broadcast_in_dim3A_8 = vector.broadcast %broadcast_in_dim3A_7 : i32 to vector<16xi32>
    %gather3A_9 = tpu.vector_load_idx %arg9[%broadcast_in_dim3A_8] : memref<16xi32, #tpu.memory_space<vmem>>[vector<16xi32>], vector<16xi32>,
    %broadcast_in_dim3A_10 = arith.constant 3 : i32
    %broadcast_in_dim3A_11 = vector.broadcast %broadcast_in_dim3A_10 : i32 to vector<16xi32>
    %gather3A_12 = tpu.vector_load_idx %arg9[%broadcast_in_dim3A_11] : memref<16xi32, #tpu.memory_space<vmem>>[vector<16xi32>], vector<16xi32>,
    %broadcast_in_dim3A_13 = arith.constant 4 : i32
    %broadcast_in_dim3A_14 = vector.broadcast %broadcast_in_dim3A_13 : i32 to vector<16xi32>
    %gather3A_15 = tpu.vector_load_idx %arg9[%broadcast_in_dim3A_14] : memref<16xi32, #tpu.memory_space<vmem>>[vector<16xi32>], vector<16xi32>,
    %broadcast_in_dim3A_16 = arith.constant 5 : i32
    %broadcast_in_dim3A_17 = vector.broadcast %broadcast_in_dim3A_16 : i32 to vector<16xi32>
    %gather3A_18 = tpu.vector_load_idx %arg9[%broadcast_in_dim3A_17] : memref<16xi32, #tpu.memory_space<vmem>>[vector<16xi32>], vector<16xi32>,
    %broadcast_in_dim3A_19 = arith.constant 6 : i32
    %broadcast_in_dim3A_20 = vector.broadcast %broadcast_in_dim3A_19 : i32 to vector<16xi32>
    %gather3A_21 = tpu.vector_load_idx %arg9[%broadcast_in_dim3A_20] : memref<16xi32, #tpu.memory_space<vmem>>[vector<16xi32>], vector<16xi32>,
    %broadcast_in_dim3A_22 = arith.constant 7 : i32
    %broadcast_in_dim3A_23 = vector.broadcast %broadcast_in_dim3A_22 : i32 to vector<16xi32>
    %gather3A_24 = tpu.vector_load_idx %arg9[%broadcast_in_dim3A_23] : memref<16xi32, #tpu.memory_space<vmem>>[vector<16xi32>], vector<16xi32>,
    %get3A = arith.constant 0 : index
    %get3A_25 = tpu.vector_load %arg7[%get3A] {strides = array<i32>} : memref<272xf32, #tpu.memory_space<vmem>>, vector<16xf32>,
    %convert_element_type3A = arith.fptosi %get3A_25 : vector<16xf32> to vector<16xi32>
    %sub3A = arith.constant 2 : i32
    %sub3A_26 = vector.broadcast %sub3A : i32 to vector<16xi32>
    %sub3A_27 = arith.subi %convert_element_type3A, %sub3A_26 : vector<16xi32>
    %jit3A = arith.constant 0 : i32
    %jit3A_28 = arith.constant 554 : i32
    %max3A = vector.broadcast %jit3A : i32 to vector<16xi32>
    %max3A_29 = arith.maxsi %max3A, %sub3A_27 : vector<16xi32>
    %min3A = vector.broadcast %jit3A_28 : i32 to vector<16xi32>
    %min3A_30 = arith.minsi %min3A, %max3A_29 : vector<16xi32>
    %convert_element_type3A_31 = arith.sitofp %min3A_30 : vector<16xi32> to vector<16xf32>
    %sub3A_32 = arith.constant 5.000000e-01 : f32
    %sub3A_33 = vector.broadcast %sub3A_32 : f32 to vector<16xf32>
    %sub3A_34 = arith.subf %sub3A_33, %get3A_25 : vector<16xf32>
    %add3A_35 = arith.addf %convert_element_type3A_31, %sub3A_34 : vector<16xf32>
    %add3A_36 = arith.constant 0.000000e+00 : f32
    %add3A_37 = vector.broadcast %add3A_36 : f32 to vector<16xf32>
    %add3A_38 = arith.addf %add3A_35, %add3A_37 : vector<16xf32>
    %mul3A_39 = arith.mulf %add3A_38, %add3A_38 : vector<16xf32>
    %mul3A_40 = arith.constant -1.000000e+01 : f32
    %mul3A_41 = vector.broadcast %mul3A_40 : f32 to vector<16xf32>
    %mul3A_42 = arith.mulf %mul3A_39, %mul3A_41 : vector<16xf32>
    %exp3A = math.exp %mul3A_42 : vector<16xf32>
    %swap3A = arith.constant 0 : index
    %swap3A_43 = tpu.vector_load %arg11[%swap3A] {strides = array<i32>} : memref<1632xf32, #tpu.memory_space<vmem>>, vector<16xf32>,
    tpu.vector_store %arg11[%swap3A], %exp3A {strides = array<i32>} : memref<1632xf32, #tpu.memory_space<vmem>>, vector<16xf32>,
    %add3A_44 = arith.constant 1.000000e+00 : f32
    %add3A_45 = vector.broadcast %add3A_44 : f32 to vector<16xf32>
    %add3A_46 = arith.addf %add3A_35, %add3A_45 : vector<16xf32>
    %mul3A_47 = arith.mulf %add3A_46, %add3A_46 : vector<16xf32>
    %mul3A_48 = arith.constant -1.000000e+01 : f32
    %mul3A_49 = vector.broadcast %mul3A_48 : f32 to vector<16xf32>
    %mul3A_50 = arith.mulf %mul3A_47, %mul3A_49 : vector<16xf32>
    %exp3A_51 = math.exp %mul3A_50 : vector<16xf32>
    %swap3A_52 = arith.constant 272 : index
    %swap3A_53 = tpu.vector_load %arg11[%swap3A_52] {strides = array<i32>} : memref<1632xf32, #tpu.memory_space<vmem>>, vector<16xf32>,
    tpu.vector_store %arg11[%swap3A_52], %exp3A_51 {strides = array<i32>} : memref<1632xf32, #tpu.memory_space<vmem>>, vector<16xf32>,
    %add3A_54 = arith.constant 2.000000e+00 : f32
    %add3A_55 = vector.broadcast %add3A_54 : f32 to vector<16xf32>
    %add3A_56 = arith.addf %add3A_35, %add3A_55 : vector<16xf32>
    %mul3A_57 = arith.mulf %add3A_56, %add3A_56 : vector<16xf32>
    %mul3A_58 = arith.constant -1.000000e+01 : f32
    %mul3A_59 = vector.broadcast %mul3A_58 : f32 to vector<16xf32>
    %mul3A_60 = arith.mulf %mul3A_57, %mul3A_59 : vector<16xf32>
    %exp3A_61 = math.exp %mul3A_60 : vector<16xf32>
    %swap3A_62 = arith.constant 544 : index
    %swap3A_63 = tpu.vector_load %arg11[%swap3A_62] {strides = array<i32>} : memref<1632xf32, #tpu.memory_space<vmem>>, vector<16xf32>,
    tpu.vector_store %arg11[%swap3A_62], %exp3A_61 {strides = array<i32>} : memref<1632xf32, #tpu.memory_space<vmem>>, vector<16xf32>,
    %add3A_64 = arith.constant 3.000000e+00 : f32
    %add3A_65 = vector.broadcast %add3A_64 : f32 to vector<16xf32>
    %add3A_66 = arith.addf %add3A_35, %add3A_65 : vector<16xf32>
    %mul3A_67 = arith.mulf %add3A_66, %add3A_66 : vector<16xf32>
    %mul3A_68 = arith.constant -1.000000e+01 : f32
    %mul3A_69 = vector.broadcast %mul3A_68 : f32 to vector<16xf32>
    %mul3A_70 = arith.mulf %mul3A_67, %mul3A_69 : vector<16xf32>
    %exp3A_71 = math.exp %mul3A_70 : vector<16xf32>
    %swap3A_72 = arith.constant 816 : index
    %swap3A_73 = tpu.vector_load %arg11[%swap3A_72] {strides = array<i32>} : memref<1632xf32, #tpu.memory_space<vmem>>, vector<16xf32>,
    tpu.vector_store %arg11[%swap3A_72], %exp3A_71 {strides = array<i32>} : memref<1632xf32, #tpu.memory_space<vmem>>, vector<16xf32>,
    %add3A_74 = arith.constant 4.000000e+00 : f32
    %add3A_75 = vector.broadcast %add3A_74 : f32 to vector<16xf32>
    %add3A_76 = arith.addf %add3A_35, %add3A_75 : vector<16xf32>
    %mul3A_77 = arith.mulf %add3A_76, %add3A_76 : vector<16xf32>
    %mul3A_78 = arith.constant -1.000000e+01 : f32
    %mul3A_79 = vector.broadcast %mul3A_78 : f32 to vector<16xf32>
    %mul3A_80 = arith.mulf %mul3A_77, %mul3A_79 : vector<16xf32>
    %exp3A_81 = math.exp %mul3A_80 : vector<16xf32>
    %swap3A_82 = arith.constant 1088 : index
    %swap3A_83 = tpu.vector_load %arg11[%swap3A_82] {strides = array<i32>} : memref<1632xf32, #tpu.memory_space<vmem>>, vector<16xf32>,
    tpu.vector_store %arg11[%swap3A_82], %exp3A_81 {strides = array<i32>} : memref<1632xf32, #tpu.memory_space<vmem>>, vector<16xf32>,
    %add3A_84 = arith.constant 5.000000e+00 : f32
    %add3A_85 = vector.broadcast %add3A_84 : f32 to vector<16xf32>
    %add3A_86 = arith.addf %add3A_35, %add3A_85 : vector<16xf32>
    %mul3A_87 = arith.mulf %add3A_86, %add3A_86 : vector<16xf32>
    %mul3A_88 = arith.constant -1.000000e+01 : f32
    %mul3A_89 = vector.broadcast %mul3A_88 : f32 to vector<16xf32>
    %mul3A_90 = arith.mulf %mul3A_87, %mul3A_89 : vector<16xf32>
    %exp3A_91 = math.exp %mul3A_90 : vector<16xf32>
    %swap3A_92 = arith.constant 1360 : index
    %swap3A_93 = tpu.vector_load %arg11[%swap3A_92] {strides = array<i32>} : memref<1632xf32, #tpu.memory_space<vmem>>, vector<16xf32>,
    tpu.vector_store %arg11[%swap3A_92], %exp3A_91 {strides = array<i32>} : memref<1632xf32, #tpu.memory_space<vmem>>, vector<16xf32>,
    %add3A_94 = arith.constant 0 : i32
    %add3A_95 = arith.addi %mul3A_2, %add3A_94 : i32
    %broadcast_in_dim3A_96 = vector.broadcast %add3A_95 : i32 to vector<16xi32>
    %add3A_97 = arith.addi %broadcast_in_dim3A_96, %iota3A : vector<16xi32>
    %broadcast_in_dim3A_98 = arith.constant 0 : i32
    %broadcast_in_dim3A_99 = vector.broadcast %broadcast_in_dim3A_98 : i32 to vector<16xi32>
    %ge3A = arith.cmpi sge, %add3A_97, %gather3A : vector<16xi32>
    %convert_element_type3A_100 = arith.extui %ge3A : vector<16xi1> to vector<16xi32>
    %add3A_101 = arith.addi %broadcast_in_dim3A_99, %convert_element_type3A_100 : vector<16xi32>
    %ge3A_102 = arith.cmpi sge, %add3A_97, %gather3A_9 : vector<16xi32>
    %convert_element_type3A_103 = arith.extui %ge3A_102 : vector<16xi1> to vector<16xi32>
    %add3A_104 = arith.addi %add3A_101, %convert_element_type3A_103 : vector<16xi32>
    %ge3A_105 = arith.cmpi sge, %add3A_97, %gather3A_12 : vector<16xi32>
    %convert_element_type3A_106 = arith.extui %ge3A_105 : vector<16xi1> to vector<16xi32>
    %add3A_107 = arith.addi %add3A_104, %convert_element_type3A_106 : vector<16xi32>
    %ge3A_108 = arith.cmpi sge, %add3A_97, %gather3A_15 : vector<16xi32>
    %convert_element_type3A_109 = arith.extui %ge3A_108 : vector<16xi1> to vector<16xi32>
    %add3A_110 = arith.addi %add3A_107, %convert_element_type3A_109 : vector<16xi32>
    %ge3A_111 = arith.cmpi sge, %add3A_97, %gather3A_18 : vector<16xi32>
    %convert_element_type3A_112 = arith.extui %ge3A_111 : vector<16xi1> to vector<16xi32>
    %add3A_113 = arith.addi %add3A_110, %convert_element_type3A_112 : vector<16xi32>
    %ge3A_114 = arith.cmpi sge, %add3A_97, %gather3A_21 : vector<16xi32>
    %convert_element_type3A_115 = arith.extui %ge3A_114 : vector<16xi1> to vector<16xi32>
    %add3A_116 = arith.addi %add3A_113, %convert_element_type3A_115 : vector<16xi32>
    %ge3A_117 = arith.cmpi sge, %add3A_97, %gather3A_24 : vector<16xi32>
    %convert_element_type3A_118 = arith.extui %ge3A_117 : vector<16xi1> to vector<16xi32>
    %add3A_119 = arith.addi %add3A_116, %convert_element_type3A_118 : vector<16xi32>
    %mul3A_120 = arith.constant 8960 : i32
    %mul3A_121 = vector.broadcast %mul3A_120 : i32 to vector<16xi32>
    %mul3A_122 = arith.muli %add3A_119, %mul3A_121 : vector<16xi32>
    %add3A_123 = arith.addi %mul3A_122, %min3A_30 : vector<16xi32>
    %swap3A_124 = arith.constant 0 : index
    %swap3A_125 = tpu.vector_load %arg10[%swap3A_124] {strides = array<i32>} : memref<272xi32, #tpu.memory_space<vmem>>, vector<16xi32>,
    tpu.vector_store %arg10[%swap3A_124], %add3A_123 {strides = array<i32>} : memref<272xi32, #tpu.memory_space<vmem>>, vector<16xi32>,
    %get3A_126 = arith.constant 16 : index
    %get3A_127 = tpu.vector_load %arg7[%get3A_126] {strides = array<i32>} : memref<272xf32, #tpu.memory_space<vmem>>, vector<16xf32>,
    %convert_element_type3A_128 = arith.fptosi %get3A_127 : vector<16xf32> to vector<16xi32>
    %sub3A_129 = arith.constant 2 : i32
    %sub3A_130 = vector.broadcast %sub3A_129 : i32 to vector<16xi32>
    %sub3A_131 = arith.subi %convert_element_type3A_128, %sub3A_130 : vector<16xi32>
    %jit3A_132 = arith.constant 0 : i32
    %jit3A_133 = arith.constant 554 : i32
    %max3A_134 = vector.broadcast %jit3A_132 : i32 to vector<16xi32>
    %max3A_135 = arith.maxsi %max3A_134, %sub3A_131 : vector<16xi32>
    %min3A_136 = vector.broadcast %jit3A_133 : i32 to vector<16xi32>
    %min3A_137 = arith.minsi %min3A_136, %max3A_135 : vector<16xi32>
    %convert_element_type3A_138 = arith.sitofp %min3A_137 : vector<16xi32> to vector<16xf32>
    %sub3A_139 = arith.constant 5.000000e-01 : f32
    %sub3A_140 = vector.broadcast %sub3A_139 : f32 to vector<16xf32>
    %sub3A_141 = arith.subf %sub3A_140, %get3A_127 : vector<16xf32>
    %add3A_142 = arith.addf %convert_element_type3A_138, %sub3A_141 : vector<16xf32>
    %add3A_143 = arith.constant 0.000000e+00 : f32
    %add3A_144 = vector.broadcast %add3A_143 : f32 to vector<16xf32>
    %add3A_145 = arith.addf %add3A_142, %add3A_144 : vector<16xf32>
    %mul3A_146 = arith.mulf %add3A_145, %add3A_145 : vector<16xf32>
    %mul3A_147 = arith.constant -1.000000e+01 : f32
    %mul3A_148 = vector.broadcast %mul3A_147 : f32 to vector<16xf32>
    %mul3A_149 = arith.mulf %mul3A_146, %mul3A_148 : vector<16xf32>
    %exp3A_150 = math.exp %mul3A_149 : vector<16xf32>
    %swap3A_151 = arith.constant 16 : index
    %swap3A_152 = tpu.vector_load %arg11[%swap3A_151] {strides = array<i32>} : memref<1632xf32, #tpu.memory_space<vmem>>, vector<16xf32>,
    tpu.vector_store %arg11[%swap3A_151], %exp3A_150 {strides = array<i32>} : memref<1632xf32, #tpu.memory_space<vmem>>, vector<16xf32>,
    %add3A_153 = arith.constant 1.000000e+00 : f32
    %add3A_154 = vector.broadcast %add3A_153 : f32 to vector<16xf32>
    %add3A_155 = arith.addf %add3A_142, %add3A_154 : vector<16xf32>
    %mul3A_156 = arith.mulf %add3A_155, %add3A_155 : vector<16xf32>
    %mul3A_157 = arith.constant -1.000000e+01 : f32
    %mul3A_158 = vector.broadcast %mul3A_157 : f32 to vector<16xf32>
    %mul3A_159 = arith.mulf %mul3A_156, %mul3A_158 : vector<16xf32>
    %exp3A_160 = math.exp %mul3A_159 : vector<16xf32>
    %swap3A_161 = arith.constant 288 : index
    %swap3A_162 = tpu.vector_load %arg11[%swap3A_161] {strides = array<i32>} : memref<1632xf32, #tpu.memory_space<vmem>>, vector<16xf32>,
    tpu.vector_store %arg11[%swap3A_161], %exp3A_160 {strides = array<i32>} : memref<1632xf32, #tpu.memory_space<vmem>>, vector<16xf32>,
    %add3A_163 = arith.constant 2.000000e+00 : f32
    %add3A_164 = vector.broadcast %add3A_163 : f32 to vector<16xf32>
    %add3A_165 = arith.addf %add3A_142, %add3A_164 : vector<16xf32>
    %mul3A_166 = arith.mulf %add3A_165, %add3A_165 : vector<16xf32>
    %mul3A_167 = arith.constant -1.000000e+01 : f32
    %mul3A_168 = vector.broadcast %mul3A_167 : f32 to vector<16xf32>
    %mul3A_169 = arith.mulf %mul3A_166, %mul3A_168 : vector<16xf32>
    %exp3A_170 = math.exp %mul3A_169 : vector<16xf32>
    %swap3A_171 = arith.constant 560 : index
    %swap3A_172 = tpu.vector_load %arg11[%swap3A_171] {strides = array<i32>} : memref<1632xf32, #tpu.memory_space<vmem>>, vector<16xf32>,
    tpu.vector_store %arg11[%swap3A_171], %exp3A_170 {strides = array<i32>} : memref<1632xf32, #tpu.memory_space<vmem>>, vector<16xf32>,
    %add3A_173 = arith.constant 3.000000e+00 : f32
    %add3A_174 = vector.broadcast %add3A_173 : f32 to vector<16xf32>
    %add3A_175 = arith.addf %add3A_142, %add3A_174 : vector<16xf32>
    %mul3A_176 = arith.mulf %add3A_175, %add3A_175 : vector<16xf32>
    %mul3A_177 = arith.constant -1.000000e+01 : f32
    %mul3A_178 = vector.broadcast %mul3A_177 : f32 to vector<16xf32>
    %mul3A_179 = arith.mulf %mul3A_176, %mul3A_178 : vector<16xf32>
    %exp3A_180 = math.exp %mul3A_179 : vector<16xf32>
    %swap3A_181 = arith.constant 832 : index
    %swap3A_182 = tpu.vector_load %arg11[%swap3A_181] {strides = array<i32>} : memref<1632xf32, #tpu.memory_space<vmem>>, vector<16xf32>,
    tpu.vector_store %arg11[%swap3A_181], %exp3A_180 {strides = array<i32>} : memref<1632xf32, #tpu.memory_space<vmem>>, vector<16xf32>,
    %add3A_183 = arith.constant 4.000000e+00 : f32
    %add3A_184 = vector.broadcast %add3A_183 : f32 to vector<16xf32>
    %add3A_185 = arith.addf %add3A_142, %add3A_184 : vector<16xf32>
    %mul3A_186 = arith.mulf %add3A_185, %add3A_185 : vector<16xf32>
    %mul3A_187 = arith.constant -1.000000e+01 : f32
    %mul3A_188 = vector.broadcast %mul3A_187 : f32 to vector<16xf32>
    %mul3A_189 = arith.mulf %mul3A_186, %mul3A_188 : vector<16xf32>
    %exp3A_190 = math.exp %mul3A_189 : vector<16xf32>
    %swap3A_191 = arith.constant 1104 : index
    %swap3A_192 = tpu.vector_load %arg11[%swap3A_191] {strides = array<i32>} : memref<1632xf32, #tpu.memory_space<vmem>>, vector<16xf32>,
    tpu.vector_store %arg11[%swap3A_191], %exp3A_190 {strides = array<i32>} : memref<1632xf32, #tpu.memory_space<vmem>>, vector<16xf32>,
    %add3A_193 = arith.constant 5.000000e+00 : f32
    %add3A_194 = vector.broadcast %add3A_193 : f32 to vector<16xf32>
    %add3A_195 = arith.addf %add3A_142, %add3A_194 : vector<16xf32>
    %mul3A_196 = arith.mulf %add3A_195, %add3A_195 : vector<16xf32>
    %mul3A_197 = arith.constant -1.000000e+01 : f32
    %mul3A_198 = vector.broadcast %mul3A_197 : f32 to vector<16xf32>
    %mul3A_199 = arith.mulf %mul3A_196, %mul3A_198 : vector<16xf32>
    %exp3A_200 = math.exp %mul3A_199 : vector<16xf32>
    %swap3A_201 = arith.constant 1376 : index
    %swap3A_202 = tpu.vector_load %arg11[%swap3A_201] {strides = array<i32>} : memref<1632xf32, #tpu.memory_space<vmem>>, vector<16xf32>,
    tpu.vector_store %arg11[%swap3A_201], %exp3A_200 {strides = array<i32>} : memref<1632xf32, #tpu.memory_space<vmem>>, vector<16xf32>,
    %add3A_203 = arith.constant 16 : i32
    %add3A_204 = arith.addi %mul3A_2, %add3A_203 : i32
    %broadcast_in_dim3A_205 = vector.broadcast %add3A_204 : i32 to vector<16xi32>
    %add3A_206 = arith.addi %broadcast_in_dim3A_205, %iota3A : vector<16xi32>
    %broadcast_in_dim3A_207 = arith.constant 0 : i32
    %broadcast_in_dim3A_208 = vector.broadcast %broadcast_in_dim3A_207 : i32 to vector<16xi32>
    %ge3A_209 = arith.cmpi sge, %add3A_206, %gather3A : vector<16xi32>
    %convert_element_type3A_210 = arith.extui %ge3A_209 : vector<16xi1> to vector<16xi32>
    %add3A_211 = arith.addi %broadcast_in_dim3A_208, %convert_element_type3A_210 : vector<16xi32>
    %ge3A_212 = arith.cmpi sge, %add3A_206, %gather3A_9 : vector<16xi32>
    %convert_element_type3A_213 = arith.extui %ge3A_212 : vector<16xi1> to vector<16xi32>
    %add3A_214 = arith.addi %add3A_211, %convert_element_type3A_213 : vector<16xi32>
    %ge3A_215 = arith.cmpi sge, %add3A_206, %gather3A_12 : vector<16xi32>
    %convert_element_type3A_216 = arith.extui %ge3A_215 : vector<16xi1> to vector<16xi32>
    %add3A_217 = arith.addi %add3A_214, %convert_element_type3A_216 : vector<16xi32>
    %ge3A_218 = arith.cmpi sge, %add3A_206, %gather3A_15 : vector<16xi32>
    %convert_element_type3A_219 = arith.extui %ge3A_218 : vector<16xi1> to vector<16xi32>
    %add3A_220 = arith.addi %add3A_217, %convert_element_type3A_219 : vector<16xi32>
    %ge3A_221 = arith.cmpi sge, %add3A_206, %gather3A_18 : vector<16xi32>
    %convert_element_type3A_222 = arith.extui %ge3A_221 : vector<16xi1> to vector<16xi32>
    %add3A_223 = arith.addi %add3A_220, %convert_element_type3A_222 : vector<16xi32>
    %ge3A_224 = arith.cmpi sge, %add3A_206, %gather3A_21 : vector<16xi32>
    %convert_element_type3A_225 = arith.extui %ge3A_224 : vector<16xi1> to vector<16xi32>
    %add3A_226 = arith.addi %add3A_223, %convert_element_type3A_225 : vector<16xi32>
    %ge3A_227 = arith.cmpi sge, %add3A_206, %gather3A_24 : vector<16xi32>
    %convert_element_type3A_228 = arith.extui %ge3A_227 : vector<16xi1> to vector<16xi32>
    %add3A_229 = arith.addi %add3A_226, %convert_element_type3A_228 : vector<16xi32>
    %mul3A_230 = arith.constant 8960 : i32
    %mul3A_231 = vector.broadcast %mul3A_230 : i32 to vector<16xi32>
    %mul3A_232 = arith.muli %add3A_229, %mul3A_231 : vector<16xi32>
    %add3A_233 = arith.addi %mul3A_232, %min3A_137 : vector<16xi32>
    %swap3A_234 = arith.constant 16 : index
    %swap3A_235 = tpu.vector_load %arg10[%swap3A_234] {strides = array<i32>} : memref<272xi32, #tpu.memory_space<vmem>>, vector<16xi32>,
    tpu.vector_store %arg10[%swap3A_234], %add3A_233 {strides = array<i32>} : memref<272xi32, #tpu.memory_space<vmem>>, vector<16xi32>,
    %get3A_236 = arith.constant 32 : index
    %get3A_237 = tpu.vector_load %arg7[%get3A_236] {strides = array<i32>} : memref<272xf32, #tpu.memory_space<vmem>>, vector<16xf32>,
    %convert_element_type3A_238 = arith.fptosi %get3A_237 : vector<16xf32> to vector<16xi32>
    %sub3A_239 = arith.constant 2 : i32
    %sub3A_240 = vector.broadcast %sub3A_239 : i32 to vector<16xi32>
    %sub3A_241 = arith.subi %convert_element_type3A_238, %sub3A_240 : vector<16xi32>
    %jit3A_242 = arith.constant 0 : i32
    %jit3A_243 = arith.constant 554 : i32
    %max3A_244 = vector.broadcast %jit3A_242 : i32 to vector<16xi32>
    %max3A_245 = arith.maxsi %max3A_244, %sub3A_241 : vector<16xi32>
    %min3A_246 = vector.broadcast %jit3A_243 : i32 to vector<16xi32>
    %min3A_247 = arith.minsi %min3A_246, %max3A_245 : vector<16xi32>
    %convert_element_type3A_248 = arith.sitofp %min3A_247 : vector<16xi32> to vector<16xf32>
    %sub3A_249 = arith.constant 5.000000e-01 : f32
    %sub3A_250 = vector.broadcast %sub3A_249 : f32 to vector<16xf32>
    %sub3A_251 = arith.subf %sub3A_250, %get3A_237 : vector<16xf32>
    %add3A_252 = arith.addf %convert_element_type3A_248, %sub3A_251 : vector<16xf32>
    %add3A_253 = arith.constant 0.000000e+00 : f32
    %add3A_254 = vector.broadcast %add3A_253 : f32 to vector<16xf32>
    %add3A_255 = arith.addf %add3A_252, %add3A_254 : vector<16xf32>
    %mul3A_256 = arith.mulf %add3A_255, %add3A_255 : vector<16xf32>
    %mul3A_257 = arith.constant -1.000000e+01 : f32
    %mul3A_258 = vector.broadcast %mul3A_257 : f32 to vector<16xf32>
    %mul3A_259 = arith.mulf %mul3A_256, %mul3A_258 : vector<16xf32>
    %exp3A_260 = math.exp %mul3A_259 : vector<16xf32>
    %swap3A_261 = arith.constant 32 : index
    %swap3A_262 = tpu.vector_load %arg11[%swap3A_261] {strides = array<i32>} : memref<1632xf32, #tpu.memory_space<vmem>>, vector<16xf32>,
    tpu.vector_store %arg11[%swap3A_261], %exp3A_260 {strides = array<i32>} : memref<1632xf32, #tpu.memory_space<vmem>>, vector<16xf32>,
    %add3A_263 = arith.constant 1.000000e+00 : f32
    %add3A_264 = vector.broadcast %add3A_263 : f32 to vector<16xf32>
    %add3A_265 = arith.addf %add3A_252, %add3A_264 : vector<16xf32>
    %mul3A_266 = arith.mulf %add3A_265, %add3A_265 : vector<16xf32>
    %mul3A_267 = arith.constant -1.000000e+01 : f32
    %mul3A_268 = vector.broadcast %mul3A_267 : f32 to vector<16xf32>
    %mul3A_269 = arith.mulf %mul3A_266, %mul3A_268 : vector<16xf32>
    %exp3A_270 = math.exp %mul3A_269 : vector<16xf32>
    %swap3A_271 = arith.constant 304 : index
    %swap3A_272 = tpu.vector_load %arg11[%swap3A_271] {strides = array<i32>} : memref<1632xf32, #tpu.memory_space<vmem>>, vector<16xf32>,
    tpu.vector_store %arg11[%swap3A_271], %exp3A_270 {strides = array<i32>} : memref<1632xf32, #tpu.memory_space<vmem>>, vector<16xf32>,
    %add3A_273 = arith.constant 2.000000e+00 : f32
    %add3A_274 = vector.broadcast %add3A_273 : f32 to vector<16xf32>
    %add3A_275 = arith.addf %add3A_252, %add3A_274 : vector<16xf32>
    %mul3A_276 = arith.mulf %add3A_275, %add3A_275 : vector<16xf32>
    %mul3A_277 = arith.constant -1.000000e+01 : f32
    %mul3A_278 = vector.broadcast %mul3A_277 : f32 to vector<16xf32>
    %mul3A_279 = arith.mulf %mul3A_276, %mul3A_278 : vector<16xf32>
    %exp3A_280 = math.exp %mul3A_279 : vector<16xf32>
    %swap3A_281 = arith.constant 576 : index
    %swap3A_282 = tpu.vector_load %arg11[%swap3A_281] {strides = array<i32>} : memref<1632xf32, #tpu.memory_space<vmem>>, vector<16xf32>,
    tpu.vector_store %arg11[%swap3A_281], %exp3A_280 {strides = array<i32>} : memref<1632xf32, #tpu.memory_space<vmem>>, vector<16xf32>,
    %add3A_283 = arith.constant 3.000000e+00 : f32
    %add3A_284 = vector.broadcast %add3A_283 : f32 to vector<16xf32>
    %add3A_285 = arith.addf %add3A_252, %add3A_284 : vector<16xf32>
    %mul3A_286 = arith.mulf %add3A_285, %add3A_285 : vector<16xf32>
    %mul3A_287 = arith.constant -1.000000e+01 : f32
    %mul3A_288 = vector.broadcast %mul3A_287 : f32 to vector<16xf32>
    %mul3A_289 = arith.mulf %mul3A_286, %mul3A_288 : vector<16xf32>
    %exp3A_290 = math.exp %mul3A_289 : vector<16xf32>
    %swap3A_291 = arith.constant 848 : index
    %swap3A_292 = tpu.vector_load %arg11[%swap3A_291] {strides = array<i32>} : memref<1632xf32, #tpu.memory_space<vmem>>, vector<16xf32>,
    tpu.vector_store %arg11[%swap3A_291], %exp3A_290 {strides = array<i32>} : memref<1632xf32, #tpu.memory_space<vmem>>, vector<16xf32>,
    %add3A_293 = arith.constant 4.000000e+00 : f32
    %add3A_294 = vector.broadcast %add3A_293 : f32 to vector<16xf32>
    %add3A_295 = arith.addf %add3A_252, %add3A_294 : vector<16xf32>
    %mul3A_296 = arith.mulf %add3A_295, %add3A_295 : vector<16xf32>
    %mul3A_297 = arith.constant -1.000000e+01 : f32
    %mul3A_298 = vector.broadcast %mul3A_297 : f32 to vector<16xf32>
    %mul3A_299 = arith.mulf %mul3A_296, %mul3A_298 : vector<16xf32>
    %exp3A_300 = math.exp %mul3A_299 : vector<16xf32>
    %swap3A_301 = arith.constant 1120 : index
    %swap3A_302 = tpu.vector_load %arg11[%swap3A_301] {strides = array<i32>} : memref<1632xf32, #tpu.memory_space<vmem>>, vector<16xf32>,
    tpu.vector_store %arg11[%swap3A_301], %exp3A_300 {strides = array<i32>} : memref<1632xf32, #tpu.memory_space<vmem>>, vector<16xf32>,
    %add3A_303 = arith.constant 5.000000e+00 : f32
    %add3A_304 = vector.broadcast %add3A_303 : f32 to vector<16xf32>
    %add3A_305 = arith.addf %add3A_252, %add3A_304 : vector<16xf32>
    %mul3A_306 = arith.mulf %add3A_305, %add3A_305 : vector<16xf32>
    %mul3A_307 = arith.constant -1.000000e+01 : f32
    %mul3A_308 = vector.broadcast %mul3A_307 : f32 to vector<16xf32>
    %mul3A_309 = arith.mulf %mul3A_306, %mul3A_308 : vector<16xf32>
    %exp3A_310 = math.exp %mul3A_309 : vector<16xf32>
    %swap3A_311 = arith.constant 1392 : index
    %swap3A_312 = tpu.vector_load %arg11[%swap3A_311] {strides = array<i32>} : memref<1632xf32, #tpu.memory_space<vmem>>, vector<16xf32>,
    tpu.vector_store %arg11[%swap3A_311], %exp3A_310 {strides = array<i32>} : memref<1632xf32, #tpu.memory_space<vmem>>, vector<16xf32>,
    %add3A_313 = arith.constant 32 : i32
    %add3A_314 = arith.addi %mul3A_2, %add3A_313 : i32
    %broadcast_in_dim3A_315 = vector.broadcast %add3A_314 : i32 to vector<16xi32>
    %add3A_316 = arith.addi %broadcast_in_dim3A_315, %iota3A : vector<16xi32>
    %broadcast_in_dim3A_317 = arith.constant 0 : i32
    %broadcast_in_dim3A_318 = vector.broadcast %broadcast_in_dim3A_317 : i32 to vector<16xi32>
    %ge3A_319 = arith.cmpi sge, %add3A_316, %gather3A : vector<16xi32>
    %convert_element_type3A_320 = arith.extui %ge3A_319 : vector<16xi1> to vector<16xi32>
    %add3A_321 = arith.addi %broadcast_in_dim3A_318, %convert_element_type3A_320 : vector<16xi32>
    %ge3A_322 = arith.cmpi sge, %add3A_316, %gather3A_9 : vector<16xi32>
    %convert_element_type3A_323 = arith.extui %ge3A_322 : vector<16xi1> to vector<16xi32>
    %add3A_324 = arith.addi %add3A_321, %convert_element_type3A_323 : vector<16xi32>
    %ge3A_325 = arith.cmpi sge, %add3A_316, %gather3A_12 : vector<16xi32>
    %convert_element_type3A_326 = arith.extui %ge3A_325 : vector<16xi1> to vector<16xi32>
    %add3A_327 = arith.addi %add3A_324, %convert_element_type3A_326 : vector<16xi32>
    %ge3A_328 = arith.cmpi sge, %add3A_316, %gather3A_15 : vector<16xi32>
    %convert_element_type3A_329 = arith.extui %ge3A_328 : vector<16xi1> to vector<16xi32>
    %add3A_330 = arith.addi %add3A_327, %convert_element_type3A_329 : vector<16xi32>
    %ge3A_331 = arith.cmpi sge, %add3A_316, %gather3A_18 : vector<16xi32>
    %convert_element_type3A_332 = arith.extui %ge3A_331 : vector<16xi1> to vector<16xi32>
    %add3A_333 = arith.addi %add3A_330, %convert_element_type3A_332 : vector<16xi32>
    %ge3A_334 = arith.cmpi sge, %add3A_316, %gather3A_21 : vector<16xi32>
    %convert_element_type3A_335 = arith.extui %ge3A_334 : vector<16xi1> to vector<16xi32>
    %add3A_336 = arith.addi %add3A_333, %convert_element_type3A_335 : vector<16xi32>
    %ge3A_337 = arith.cmpi sge, %add3A_316, %gather3A_24 : vector<16xi32>
    %convert_element_type3A_338 = arith.extui %ge3A_337 : vector<16xi1> to vector<16xi32>
    %add3A_339 = arith.addi %add3A_336, %convert_element_type3A_338 : vector<16xi32>
    %mul3A_340 = arith.constant 8960 : i32
    %mul3A_341 = vector.broadcast %mul3A_340 : i32 to vector<16xi32>
    %mul3A_342 = arith.muli %add3A_339, %mul3A_341 : vector<16xi32>
    %add3A_343 = arith.addi %mul3A_342, %min3A_247 : vector<16xi32>
    %swap3A_344 = arith.constant 32 : index
    %swap3A_345 = tpu.vector_load %arg10[%swap3A_344] {strides = array<i32>} : memref<272xi32, #tpu.memory_space<vmem>>, vector<16xi32>,
    tpu.vector_store %arg10[%swap3A_344], %add3A_343 {strides = array<i32>} : memref<272xi32, #tpu.memory_space<vmem>>, vector<16xi32>,
    %get3A_346 = arith.constant 48 : index
    %get3A_347 = tpu.vector_load %arg7[%get3A_346] {strides = array<i32>} : memref<272xf32, #tpu.memory_space<vmem>>, vector<16xf32>,
    %convert_element_type3A_348 = arith.fptosi %get3A_347 : vector<16xf32> to vector<16xi32>
    %sub3A_349 = arith.constant 2 : i32
    %sub3A_350 = vector.broadcast %sub3A_349 : i32 to vector<16xi32>
    %sub3A_351 = arith.subi %convert_element_type3A_348, %sub3A_350 : vector<16xi32>
    %jit3A_352 = arith.constant 0 : i32
    %jit3A_353 = arith.constant 554 : i32
    %max3A_354 = vector.broadcast %jit3A_352 : i32 to vector<16xi32>
    %max3A_355 = arith.maxsi %max3A_354, %sub3A_351 : vector<16xi32>
    %min3A_356 = vector.broadcast %jit3A_353 : i32 to vector<16xi32>
    %min3A_357 = arith.minsi %min3A_356, %max3A_355 : vector<16xi32>
    %convert_element_type3A_358 = arith.sitofp %min3A_357 : vector<16xi32> to vector<16xf32>
    %sub3A_359 = arith.constant 5.000000e-01 : f32
    %sub3A_360 = vector.broadcast %sub3A_359 : f32 to vector<16xf32>
    %sub3A_361 = arith.subf %sub3A_360, %get3A_347 : vector<16xf32>
    %add3A_362 = arith.addf %convert_element_type3A_358, %sub3A_361 : vector<16xf32>
    %add3A_363 = arith.constant 0.000000e+00 : f32
    %add3A_364 = vector.broadcast %add3A_363 : f32 to vector<16xf32>
    %add3A_365 = arith.addf %add3A_362, %add3A_364 : vector<16xf32>
    %mul3A_366 = arith.mulf %add3A_365, %add3A_365 : vector<16xf32>
    %mul3A_367 = arith.constant -1.000000e+01 : f32
    %mul3A_368 = vector.broadcast %mul3A_367 : f32 to vector<16xf32>
    %mul3A_369 = arith.mulf %mul3A_366, %mul3A_368 : vector<16xf32>
    %exp3A_370 = math.exp %mul3A_369 : vector<16xf32>
    %swap3A_371 = arith.constant 48 : index
    %swap3A_372 = tpu.vector_load %arg11[%swap3A_371] {strides = array<i32>} : memref<1632xf32, #tpu.memory_space<vmem>>, vector<16xf32>,
    tpu.vector_store %arg11[%swap3A_371], %exp3A_370 {strides = array<i32>} : memref<1632xf32, #tpu.memory_space<vmem>>, vector<16xf32>,
    %add3A_373 = arith.constant 1.000000e+00 : f32
    %add3A_374 = vector.broadcast %add3A_373 : f32 to vector<16xf32>
    %add3A_375 = arith.addf %add3A_362, %add3A_374 : vector<16xf32>
    %mul3A_376 = arith.mulf %add3A_375, %add3A_375 : vector<16xf32>
    %mul3A_377 = arith.constant -1.000000e+01 : f32
    %mul3A_378 = vector.broadcast %mul3A_377 : f32 to vector<16xf32>
    %mul3A_379 = arith.mulf %mul3A_376, %mul3A_378 : vector<16xf32>
    %exp3A_380 = math.exp %mul3A_379 : vector<16xf32>
    %swap3A_381 = arith.constant 320 : index
    %swap3A_382 = tpu.vector_load %arg11[%swap3A_381] {strides = array<i32>} : memref<1632xf32, #tpu.memory_space<vmem>>, vector<16xf32>,
    tpu.vector_store %arg11[%swap3A_381], %exp3A_380 {strides = array<i32>} : memref<1632xf32, #tpu.memory_space<vmem>>, vector<16xf32>,
    %add3A_383 = arith.constant 2.000000e+00 : f32
    %add3A_384 = vector.broadcast %add3A_383 : f32 to vector<16xf32>
    %add3A_385 = arith.addf %add3A_362, %add3A_384 : vector<16xf32>
    %mul3A_386 = arith.mulf %add3A_385, %add3A_385 : vector<16xf32>
    %mul3A_387 = arith.constant -1.000000e+01 : f32
    %mul3A_388 = vector.broadcast %mul3A_387 : f32 to vector<16xf32>
    %mul3A_389 = arith.mulf %mul3A_386, %mul3A_388 : vector<16xf32>
    %exp3A_390 = math.exp %mul3A_389 : vector<16xf32>
    %swap3A_391 = arith.constant 592 : index
    %swap3A_392 = tpu.vector_load %arg11[%swap3A_391] {strides = array<i32>} : memref<1632xf32, #tpu.memory_space<vmem>>, vector<16xf32>,
    tpu.vector_store %arg11[%swap3A_391], %exp3A_390 {strides = array<i32>} : memref<1632xf32, #tpu.memory_space<vmem>>, vector<16xf32>,
    %add3A_393 = arith.constant 3.000000e+00 : f32
    %add3A_394 = vector.broadcast %add3A_393 : f32 to vector<16xf32>
    %add3A_395 = arith.addf %add3A_362, %add3A_394 : vector<16xf32>
    %mul3A_396 = arith.mulf %add3A_395, %add3A_395 : vector<16xf32>
    %mul3A_397 = arith.constant -1.000000e+01 : f32
    %mul3A_398 = vector.broadcast %mul3A_397 : f32 to vector<16xf32>
    %mul3A_399 = arith.mulf %mul3A_396, %mul3A_398 : vector<16xf32>
    %exp3A_400 = math.exp %mul3A_399 : vector<16xf32>
    %swap3A_401 = arith.constant 864 : index
    %swap3A_402 = tpu.vector_load %arg11[%swap3A_401] {strides = array<i32>} : memref<1632xf32, #tpu.memory_space<vmem>>, vector<16xf32>,
    tpu.vector_store %arg11[%swap3A_401], %exp3A_400 {strides = array<i32>} : memref<1632xf32, #tpu.memory_space<vmem>>, vector<16xf32>,
    %add3A_403 = arith.constant 4.000000e+00 : f32
    %add3A_404 = vector.broadcast %add3A_403 : f32 to vector<16xf32>
    %add3A_405 = arith.addf %add3A_362, %add3A_404 : vector<16xf32>
    %mul3A_406 = arith.mulf %add3A_405, %add3A_405 : vector<16xf32>
    %mul3A_407 = arith.constant -1.000000e+01 : f32
    %mul3A_408 = vector.broadcast %mul3A_407 : f32 to vector<16xf32>
    %mul3A_409 = arith.mulf %mul3A_406, %mul3A_408 : vector<16xf32>
    %exp3A_410 = math.exp %mul3A_409 : vector<16xf32>
    %swap3A_411 = arith.constant 1136 : index
    %swap3A_412 = tpu.vector_load %arg11[%swap3A_411] {strides = array<i32>} : memref<1632xf32, #tpu.memory_space<vmem>>, vector<16xf32>,
    tpu.vector_store %arg11[%swap3A_411], %exp3A_410 {strides = array<i32>} : memref<1632xf32, #tpu.memory_space<vmem>>, vector<16xf32>,
    %add3A_413 = arith.constant 5.000000e+00 : f32
    %add3A_414 = vector.broadcast %add3A_413 : f32 to vector<16xf32>
    %add3A_415 = arith.addf %add3A_362, %add3A_414 : vector<16xf32>
    %mul3A_416 = arith.mulf %add3A_415, %add3A_415 : vector<16xf32>
    %mul3A_417 = arith.constant -1.000000e+01 : f32
    %mul3A_418 = vector.broadcast %mul3A_417 : f32 to vector<16xf32>
    %mul3A_419 = arith.mulf %mul3A_416, %mul3A_418 : vector<16xf32>
    %exp3A_420 = math.exp %mul3A_419 : vector<16xf32>
    %swap3A_421 = arith.constant 1408 : index
    %swap3A_422 = tpu.vector_load %arg11[%swap3A_421] {strides = array<i32>} : memref<1632xf32, #tpu.memory_space<vmem>>, vector<16xf32>,
    tpu.vector_store %arg11[%swap3A_421], %exp3A_420 {strides = array<i32>} : memref<1632xf32, #tpu.memory_space<vmem>>, vector<16xf32>,
    %add3A_423 = arith.constant 48 : i32
    %add3A_424 = arith.addi %mul3A_2, %add3A_423 : i32
    %broadcast_in_dim3A_425 = vector.broadcast %add3A_424 : i32 to vector<16xi32>
    %add3A_426 = arith.addi %broadcast_in_dim3A_425, %iota3A : vector<16xi32>
    %broadcast_in_dim3A_427 = arith.constant 0 : i32
    %broadcast_in_dim3A_428 = vector.broadcast %broadcast_in_dim3A_427 : i32 to vector<16xi32>
    %ge3A_429 = arith.cmpi sge, %add3A_426, %gather3A : vector<16xi32>
    %convert_element_type3A_430 = arith.extui %ge3A_429 : vector<16xi1> to vector<16xi32>
    %add3A_431 = arith.addi %broadcast_in_dim3A_428, %convert_element_type3A_430 : vector<16xi32>
    %ge3A_432 = arith.cmpi sge, %add3A_426, %gather3A_9 : vector<16xi32>
    %convert_element_type3A_433 = arith.extui %ge3A_432 : vector<16xi1> to vector<16xi32>
    %add3A_434 = arith.addi %add3A_431, %convert_element_type3A_433 : vector<16xi32>
    %ge3A_435 = arith.cmpi sge, %add3A_426, %gather3A_12 : vector<16xi32>
    %convert_element_type3A_436 = arith.extui %ge3A_435 : vector<16xi1> to vector<16xi32>
    %add3A_437 = arith.addi %add3A_434, %convert_element_type3A_436 : vector<16xi32>
    %ge3A_438 = arith.cmpi sge, %add3A_426, %gather3A_15 : vector<16xi32>
    %convert_element_type3A_439 = arith.extui %ge3A_438 : vector<16xi1> to vector<16xi32>
    %add3A_440 = arith.addi %add3A_437, %convert_element_type3A_439 : vector<16xi32>
    %ge3A_441 = arith.cmpi sge, %add3A_426, %gather3A_18 : vector<16xi32>
    %convert_element_type3A_442 = arith.extui %ge3A_441 : vector<16xi1> to vector<16xi32>
    %add3A_443 = arith.addi %add3A_440, %convert_element_type3A_442 : vector<16xi32>
    %ge3A_444 = arith.cmpi sge, %add3A_426, %gather3A_21 : vector<16xi32>
    %convert_element_type3A_445 = arith.extui %ge3A_444 : vector<16xi1> to vector<16xi32>
    %add3A_446 = arith.addi %add3A_443, %convert_element_type3A_445 : vector<16xi32>
    %ge3A_447 = arith.cmpi sge, %add3A_426, %gather3A_24 : vector<16xi32>
    %convert_element_type3A_448 = arith.extui %ge3A_447 : vector<16xi1> to vector<16xi32>
    %add3A_449 = arith.addi %add3A_446, %convert_element_type3A_448 : vector<16xi32>
    %mul3A_450 = arith.constant 8960 : i32
    %mul3A_451 = vector.broadcast %mul3A_450 : i32 to vector<16xi32>
    %mul3A_452 = arith.muli %add3A_449, %mul3A_451 : vector<16xi32>
    %add3A_453 = arith.addi %mul3A_452, %min3A_357 : vector<16xi32>
    %swap3A_454 = arith.constant 48 : index
    %swap3A_455 = tpu.vector_load %arg10[%swap3A_454] {strides = array<i32>} : memref<272xi32, #tpu.memory_space<vmem>>, vector<16xi32>,
    tpu.vector_store %arg10[%swap3A_454], %add3A_453 {strides = array<i32>} : memref<272xi32, #tpu.memory_space<vmem>>, vector<16xi32>,
    %get3A_456 = arith.constant 64 : index
    %get3A_457 = tpu.vector_load %arg7[%get3A_456] {strides = array<i32>} : memref<272xf32, #tpu.memory_space<vmem>>, vector<16xf32>,
    %convert_element_type3A_458 = arith.fptosi %get3A_457 : vector<16xf32> to vector<16xi32>
    %sub3A_459 = arith.constant 2 : i32
    %sub3A_460 = vector.broadcast %sub3A_459 : i32 to vector<16xi32>
    %sub3A_461 = arith.subi %convert_element_type3A_458, %sub3A_460 : vector<16xi32>
    %jit3A_462 = arith.constant 0 : i32
    %jit3A_463 = arith.constant 554 : i32
    %max3A_464 = vector.broadcast %jit3A_462 : i32 to vector<16xi32>
    %max3A_465 = arith.maxsi %max3A_464, %sub3A_461 : vector<16xi32>
    %min3A_466 = vector.broadcast %jit3A_463 : i32 to vector<16xi32>
    %min3A_467 = arith.minsi %min3A_466, %max3A_465 : vector<16xi32>
    %convert_element_type3A_468 = arith.sitofp %min3A_467 : vector<16xi32> to vector<16xf32>
    %sub3A_469 = arith.constant 5.000000e-01 : f32
    %sub3A_470 = vector.broadcast %sub3A_469 : f32 to vector<16xf32>
    %sub3A_471 = arith.subf %sub3A_470, %get3A_457 : vector<16xf32>
    %add3A_472 = arith.addf %convert_element_type3A_468, %sub3A_471 : vector<16xf32>
    %add3A_473 = arith.constant 0.000000e+00 : f32
    %add3A_474 = vector.broadcast %add3A_473 : f32 to vector<16xf32>
    %add3A_475 = arith.addf %add3A_472, %add3A_474 : vector<16xf32>
    %mul3A_476 = arith.mulf %add3A_475, %add3A_475 : vector<16xf32>
    %mul3A_477 = arith.constant -1.000000e+01 : f32
    %mul3A_478 = vector.broadcast %mul3A_477 : f32 to vector<16xf32>
    %mul3A_479 = arith.mulf %mul3A_476, %mul3A_478 : vector<16xf32>
    %exp3A_480 = math.exp %mul3A_479 : vector<16xf32>
    %swap3A_481 = arith.constant 64 : index
    %swap3A_482 = tpu.vector_load %arg11[%swap3A_481] {strides = array<i32>} : memref<1632xf32, #tpu.memory_space<vmem>>, vector<16xf32>,
    tpu.vector_store %arg11[%swap3A_481], %exp3A_480 {strides = array<i32>} : memref<1632xf32, #tpu.memory_space<vmem>>, vector<16xf32>,
    %add3A_483 = arith.constant 1.000000e+00 : f32
    %add3A_484 = vector.broadcast %add3A_483 : f32 to vector<16xf32>
    %add3A_485 = arith.addf %add3A_472, %add3A_484 : vector<16xf32>
    %mul3A_486 = arith.mulf %add3A_485, %add3A_485 : vector<16xf32>
    %mul3A_487 = arith.constant -1.000000e+01 : f32
    %mul3A_488 = vector.broadcast %mul3A_487 : f32 to vector<16xf32>
    %mul3A_489 = arith.mulf %mul3A_486, %mul3A_488 : vector<16xf32>
    %exp3A_490 = math.exp %mul3A_489 : vector<16xf32>
    %swap3A_491 = arith.constant 336 : index
    %swap3A_492 = tpu.vector_load %arg11[%swap3A_491] {strides = array<i32>} : memref<1632xf32, #tpu.memory_space<vmem>>, vector<16xf32>,
    tpu.vector_store %arg11[%swap3A_491], %exp3A_490 {strides = array<i32>} : memref<1632xf32, #tpu.memory_space<vmem>>, vector<16xf32>,
    %add3A_493 = arith.constant 2.000000e+00 : f32
    %add3A_494 = vector.broadcast %add3A_493 : f32 to vector<16xf32>
    %add3A_495 = arith.addf %add3A_472, %add3A_494 : vector<16xf32>
    %mul3A_496 = arith.mulf %add3A_495, %add3A_495 : vector<16xf32>
    %mul3A_497 = arith.constant -1.000000e+01 : f32
    %mul3A_498 = vector.broadcast %mul3A_497 : f32 to vector<16xf32>
    %mul3A_499 = arith.mulf %mul3A_496, %mul3A_498 : vector<16xf32>
    %exp3A_500 = math.exp %mul3A_499 : vector<16xf32>
    %swap3A_501 = arith.constant 608 : index
    %swap3A_502 = tpu.vector_load %arg11[%swap3A_501] {strides = array<i32>} : memref<1632xf32, #tpu.memory_space<vmem>>, vector<16xf32>,
    tpu.vector_store %arg11[%swap3A_501], %exp3A_500 {strides = array<i32>} : memref<1632xf32, #tpu.memory_space<vmem>>, vector<16xf32>,
    %add3A_503 = arith.constant 3.000000e+00 : f32
    %add3A_504 = vector.broadcast %add3A_503 : f32 to vector<16xf32>
    %add3A_505 = arith.addf %add3A_472, %add3A_504 : vector<16xf32>
    %mul3A_506 = arith.mulf %add3A_505, %add3A_505 : vector<16xf32>
    %mul3A_507 = arith.constant -1.000000e+01 : f32
    %mul3A_508 = vector.broadcast %mul3A_507 : f32 to vector<16xf32>
    %mul3A_509 = arith.mulf %mul3A_506, %mul3A_508 : vector<16xf32>
    %exp3A_510 = math.exp %mul3A_509 : vector<16xf32>
    %swap3A_511 = arith.constant 880 : index
    %swap3A_512 = tpu.vector_load %arg11[%swap3A_511] {strides = array<i32>} : memref<1632xf32, #tpu.memory_space<vmem>>, vector<16xf32>,
    tpu.vector_store %arg11[%swap3A_511], %exp3A_510 {strides = array<i32>} : memref<1632xf32, #tpu.memory_space<vmem>>, vector<16xf32>,
    %add3A_513 = arith.constant 4.000000e+00 : f32
    %add3A_514 = vector.broadcast %add3A_513 : f32 to vector<16xf32>
    %add3A_515 = arith.addf %add3A_472, %add3A_514 : vector<16xf32>
    %mul3A_516 = arith.mulf %add3A_515, %add3A_515 : vector<16xf32>
    %mul3A_517 = arith.constant -1.000000e+01 : f32
    %mul3A_518 = vector.broadcast %mul3A_517 : f32 to vector<16xf32>
    %mul3A_519 = arith.mulf %mul3A_516, %mul3A_518 : vector<16xf32>
    %exp3A_520 = math.exp %mul3A_519 : vector<16xf32>
    %swap3A_521 = arith.constant 1152 : index
    %swap3A_522 = tpu.vector_load %arg11[%swap3A_521] {strides = array<i32>} : memref<1632xf32, #tpu.memory_space<vmem>>, vector<16xf32>,
    tpu.vector_store %arg11[%swap3A_521], %exp3A_520 {strides = array<i32>} : memref<1632xf32, #tpu.memory_space<vmem>>, vector<16xf32>,
    %add3A_523 = arith.constant 5.000000e+00 : f32
    %add3A_524 = vector.broadcast %add3A_523 : f32 to vector<16xf32>
    %add3A_525 = arith.addf %add3A_472, %add3A_524 : vector<16xf32>
    %mul3A_526 = arith.mulf %add3A_525, %add3A_525 : vector<16xf32>
    %mul3A_527 = arith.constant -1.000000e+01 : f32
    %mul3A_528 = vector.broadcast %mul3A_527 : f32 to vector<16xf32>
    %mul3A_529 = arith.mulf %mul3A_526, %mul3A_528 : vector<16xf32>
    %exp3A_530 = math.exp %mul3A_529 : vector<16xf32>
    %swap3A_531 = arith.constant 1424 : index
    %swap3A_532 = tpu.vector_load %arg11[%swap3A_531] {strides = array<i32>} : memref<1632xf32, #tpu.memory_space<vmem>>, vector<16xf32>,
    tpu.vector_store %arg11[%swap3A_531], %exp3A_530 {strides = array<i32>} : memref<1632xf32, #tpu.memory_space<vmem>>, vector<16xf32>,
    %add3A_533 = arith.constant 64 : i32
    %add3A_534 = arith.addi %mul3A_2, %add3A_533 : i32
    %broadcast_in_dim3A_535 = vector.broadcast %add3A_534 : i32 to vector<16xi32>
    %add3A_536 = arith.addi %broadcast_in_dim3A_535, %iota3A : vector<16xi32>
    %broadcast_in_dim3A_537 = arith.constant 0 : i32
    %broadcast_in_dim3A_538 = vector.broadcast %broadcast_in_dim3A_537 : i32 to vector<16xi32>
    %ge3A_539 = arith.cmpi sge, %add3A_536, %gather3A : vector<16xi32>
    %convert_element_type3A_540 = arith.extui %ge3A_539 : vector<16xi1> to vector<16xi32>
    %add3A_541 = arith.addi %broadcast_in_dim3A_538, %convert_element_type3A_540 : vector<16xi32>
    %ge3A_542 = arith.cmpi sge, %add3A_536, %gather3A_9 : vector<16xi32>
    %convert_element_type3A_543 = arith.extui %ge3A_542 : vector<16xi1> to vector<16xi32>
    %add3A_544 = arith.addi %add3A_541, %convert_element_type3A_543 : vector<16xi32>
    %ge3A_545 = arith.cmpi sge, %add3A_536, %gather3A_12 : vector<16xi32>
    %convert_element_type3A_546 = arith.extui %ge3A_545 : vector<16xi1> to vector<16xi32>
    %add3A_547 = arith.addi %add3A_544, %convert_element_type3A_546 : vector<16xi32>
    %ge3A_548 = arith.cmpi sge, %add3A_536, %gather3A_15 : vector<16xi32>
    %convert_element_type3A_549 = arith.extui %ge3A_548 : vector<16xi1> to vector<16xi32>
    %add3A_550 = arith.addi %add3A_547, %convert_element_type3A_549 : vector<16xi32>
    %ge3A_551 = arith.cmpi sge, %add3A_536, %gather3A_18 : vector<16xi32>
    %convert_element_type3A_552 = arith.extui %ge3A_551 : vector<16xi1> to vector<16xi32>
    %add3A_553 = arith.addi %add3A_550, %convert_element_type3A_552 : vector<16xi32>
    %ge3A_554 = arith.cmpi sge, %add3A_536, %gather3A_21 : vector<16xi32>
    %convert_element_type3A_555 = arith.extui %ge3A_554 : vector<16xi1> to vector<16xi32>
    %add3A_556 = arith.addi %add3A_553, %convert_element_type3A_555 : vector<16xi32>
    %ge3A_557 = arith.cmpi sge, %add3A_536, %gather3A_24 : vector<16xi32>
    %convert_element_type3A_558 = arith.extui %ge3A_557 : vector<16xi1> to vector<16xi32>
    %add3A_559 = arith.addi %add3A_556, %convert_element_type3A_558 : vector<16xi32>
    %mul3A_560 = arith.constant 8960 : i32
    %mul3A_561 = vector.broadcast %mul3A_560 : i32 to vector<16xi32>
    %mul3A_562 = arith.muli %add3A_559, %mul3A_561 : vector<16xi32>
    %add3A_563 = arith.addi %mul3A_562, %min3A_467 : vector<16xi32>
    %swap3A_564 = arith.constant 64 : index
    %swap3A_565 = tpu.vector_load %arg10[%swap3A_564] {strides = array<i32>} : memref<272xi32, #tpu.memory_space<vmem>>, vector<16xi32>,
    tpu.vector_store %arg10[%swap3A_564], %add3A_563 {strides = array<i32>} : memref<272xi32, #tpu.memory_space<vmem>>, vector<16xi32>,
    %get3A_566 = arith.constant 80 : index
    %get3A_567 = tpu.vector_load %arg7[%get3A_566] {strides = array<i32>} : memref<272xf32, #tpu.memory_space<vmem>>, vector<16xf32>,
    %convert_element_type3A_568 = arith.fptosi %get3A_567 : vector<16xf32> to vector<16xi32>
    %sub3A_569 = arith.constant 2 : i32
    %sub3A_570 = vector.broadcast %sub3A_569 : i32 to vector<16xi32>
    %sub3A_571 = arith.subi %convert_element_type3A_568, %sub3A_570 : vector<16xi32>
    %jit3A_572 = arith.constant 0 : i32
    %jit3A_573 = arith.constant 554 : i32
    %max3A_574 = vector.broadcast %jit3A_572 : i32 to vector<16xi32>
    %max3A_575 = arith.maxsi %max3A_574, %sub3A_571 : vector<16xi32>
    %min3A_576 = vector.broadcast %jit3A_573 : i32 to vector<16xi32>
    %min3A_577 = arith.minsi %min3A_576, %max3A_575 : vector<16xi32>
    %convert_element_type3A_578 = arith.sitofp %min3A_577 : vector<16xi32> to vector<16xf32>
    %sub3A_579 = arith.constant 5.000000e-01 : f32
    %sub3A_580 = vector.broadcast %sub3A_579 : f32 to vector<16xf32>
    %sub3A_581 = arith.subf %sub3A_580, %get3A_567 : vector<16xf32>
    %add3A_582 = arith.addf %convert_element_type3A_578, %sub3A_581 : vector<16xf32>
    %add3A_583 = arith.constant 0.000000e+00 : f32
    %add3A_584 = vector.broadcast %add3A_583 : f32 to vector<16xf32>
    %add3A_585 = arith.addf %add3A_582, %add3A_584 : vector<16xf32>
    %mul3A_586 = arith.mulf %add3A_585, %add3A_585 : vector<16xf32>
    %mul3A_587 = arith.constant -1.000000e+01 : f32
    %mul3A_588 = vector.broadcast %mul3A_587 : f32 to vector<16xf32>
    %mul3A_589 = arith.mulf %mul3A_586, %mul3A_588 : vector<16xf32>
    %exp3A_590 = math.exp %mul3A_589 : vector<16xf32>
    %swap3A_591 = arith.constant 80 : index
    %swap3A_592 = tpu.vector_load %arg11[%swap3A_591] {strides = array<i32>} : memref<1632xf32, #tpu.memory_space<vmem>>, vector<16xf32>,
    tpu.vector_store %arg11[%swap3A_591], %exp3A_590 {strides = array<i32>} : memref<1632xf32, #tpu.memory_space<vmem>>, vector<16xf32>,
    %add3A_593 = arith.constant 1.000000e+00 : f32
    %add3A_594 = vector.broadcast %add3A_593 : f32 to vector<16xf32>
    %add3A_595 = arith.addf %add3A_582, %add3A_594 : vector<16xf32>
    %mul3A_596 = arith.mulf %add3A_595, %add3A_595 : vector<16xf32>
    %mul3A_597 = arith.constant -1.000000e+01 : f32
    %mul3A_598 = vector.broadcast %mul3A_597 : f32 to vector<16xf32>
    %mul3A_599 = arith.mulf %mul3A_596, %mul3A_598 : vector<16xf32>
    %exp3A_600 = math.exp %mul3A_599 : vector<16xf32>
    %swap3A_601 = arith.constant 352 : index
    %swap3A_602 = tpu.vector_load %arg11[%swap3A_601] {strides = array<i32>} : memref<1632xf32, #tpu.memory_space<vmem>>, vector<16xf32>,
    tpu.vector_store %arg11[%swap3A_601], %exp3A_600 {strides = array<i32>} : memref<1632xf32, #tpu.memory_space<vmem>>, vector<16xf32>,
    %add3A_603 = arith.constant 2.000000e+00 : f32
    %add3A_604 = vector.broadcast %add3A_603 : f32 to vector<16xf32>
    %add3A_605 = arith.addf %add3A_582, %add3A_604 : vector<16xf32>
    %mul3A_606 = arith.mulf %add3A_605, %add3A_605 : vector<16xf32>
    %mul3A_607 = arith.constant -1.000000e+01 : f32
    %mul3A_608 = vector.broadcast %mul3A_607 : f32 to vector<16xf32>
    %mul3A_609 = arith.mulf %mul3A_606, %mul3A_608 : vector<16xf32>
    %exp3A_610 = math.exp %mul3A_609 : vector<16xf32>
    %swap3A_611 = arith.constant 624 : index
    %swap3A_612 = tpu.vector_load %arg11[%swap3A_611] {strides = array<i32>} : memref<1632xf32, #tpu.memory_space<vmem>>, vector<16xf32>,
    tpu.vector_store %arg11[%swap3A_611], %exp3A_610 {strides = array<i32>} : memref<1632xf32, #tpu.memory_space<vmem>>, vector<16xf32>,
    %add3A_613 = arith.constant 3.000000e+00 : f32
    %add3A_614 = vector.broadcast %add3A_613 : f32 to vector<16xf32>
    %add3A_615 = arith.addf %add3A_582, %add3A_614 : vector<16xf32>
    %mul3A_616 = arith.mulf %add3A_615, %add3A_615 : vector<16xf32>
    %mul3A_617 = arith.constant -1.000000e+01 : f32
    %mul3A_618 = vector.broadcast %mul3A_617 : f32 to vector<16xf32>
    %mul3A_619 = arith.mulf %mul3A_616, %mul3A_618 : vector<16xf32>
    %exp3A_620 = math.exp %mul3A_619 : vector<16xf32>
    %swap3A_621 = arith.constant 896 : index
    %swap3A_622 = tpu.vector_load %arg11[%swap3A_621] {strides = array<i32>} : memref<1632xf32, #tpu.memory_space<vmem>>, vector<16xf32>,
    tpu.vector_store %arg11[%swap3A_621], %exp3A_620 {strides = array<i32>} : memref<1632xf32, #tpu.memory_space<vmem>>, vector<16xf32>,
    %add3A_623 = arith.constant 4.000000e+00 : f32
    %add3A_624 = vector.broadcast %add3A_623 : f32 to vector<16xf32>
    %add3A_625 = arith.addf %add3A_582, %add3A_624 : vector<16xf32>
    %mul3A_626 = arith.mulf %add3A_625, %add3A_625 : vector<16xf32>
    %mul3A_627 = arith.constant -1.000000e+01 : f32
    %mul3A_628 = vector.broadcast %mul3A_627 : f32 to vector<16xf32>
    %mul3A_629 = arith.mulf %mul3A_626, %mul3A_628 : vector<16xf32>
    %exp3A_630 = math.exp %mul3A_629 : vector<16xf32>
    %swap3A_631 = arith.constant 1168 : index
    %swap3A_632 = tpu.vector_load %arg11[%swap3A_631] {strides = array<i32>} : memref<1632xf32, #tpu.memory_space<vmem>>, vector<16xf32>,
    tpu.vector_store %arg11[%swap3A_631], %exp3A_630 {strides = array<i32>} : memref<1632xf32, #tpu.memory_space<vmem>>, vector<16xf32>,
    %add3A_633 = arith.constant 5.000000e+00 : f32
    %add3A_634 = vector.broadcast %add3A_633 : f32 to vector<16xf32>
    %add3A_635 = arith.addf %add3A_582, %add3A_634 : vector<16xf32>
    %mul3A_636 = arith.mulf %add3A_635, %add3A_635 : vector<16xf32>
    %mul3A_637 = arith.constant -1.000000e+01 : f32
    %mul3A_638 = vector.broadcast %mul3A_637 : f32 to vector<16xf32>
    %mul3A_639 = arith.mulf %mul3A_636, %mul3A_638 : vector<16xf32>
    %exp3A_640 = math.exp %mul3A_639 : vector<16xf32>
    %swap3A_641 = arith.constant 1440 : index
    %swap3A_642 = tpu.vector_load %arg11[%swap3A_641] {strides = array<i32>} : memref<1632xf32, #tpu.memory_space<vmem>>, vector<16xf32>,
    tpu.vector_store %arg11[%swap3A_641], %exp3A_640 {strides = array<i32>} : memref<1632xf32, #tpu.memory_space<vmem>>, vector<16xf32>,
    %add3A_643 = arith.constant 80 : i32
    %add3A_644 = arith.addi %mul3A_2, %add3A_643 : i32
    %broadcast_in_dim3A_645 = vector.broadcast %add3A_644 : i32 to vector<16xi32>
    %add3A_646 = arith.addi %broadcast_in_dim3A_645, %iota3A : vector<16xi32>
    %broadcast_in_dim3A_647 = arith.constant 0 : i32
    %broadcast_in_dim3A_648 = vector.broadcast %broadcast_in_dim3A_647 : i32 to vector<16xi32>
    %ge3A_649 = arith.cmpi sge, %add3A_646, %gather3A : vector<16xi32>
    %convert_element_type3A_650 = arith.extui %ge3A_649 : vector<16xi1> to vector<16xi32>
    %add3A_651 = arith.addi %broadcast_in_dim3A_648, %convert_element_type3A_650 : vector<16xi32>
    %ge3A_652 = arith.cmpi sge, %add3A_646, %gather3A_9 : vector<16xi32>
    %convert_element_type3A_653 = arith.extui %ge3A_652 : vector<16xi1> to vector<16xi32>
    %add3A_654 = arith.addi %add3A_651, %convert_element_type3A_653 : vector<16xi32>
    %ge3A_655 = arith.cmpi sge, %add3A_646, %gather3A_12 : vector<16xi32>
    %convert_element_type3A_656 = arith.extui %ge3A_655 : vector<16xi1> to vector<16xi32>
    %add3A_657 = arith.addi %add3A_654, %convert_element_type3A_656 : vector<16xi32>
    %ge3A_658 = arith.cmpi sge, %add3A_646, %gather3A_15 : vector<16xi32>
    %convert_element_type3A_659 = arith.extui %ge3A_658 : vector<16xi1> to vector<16xi32>
    %add3A_660 = arith.addi %add3A_657, %convert_element_type3A_659 : vector<16xi32>
    %ge3A_661 = arith.cmpi sge, %add3A_646, %gather3A_18 : vector<16xi32>
    %convert_element_type3A_662 = arith.extui %ge3A_661 : vector<16xi1> to vector<16xi32>
    %add3A_663 = arith.addi %add3A_660, %convert_element_type3A_662 : vector<16xi32>
    %ge3A_664 = arith.cmpi sge, %add3A_646, %gather3A_21 : vector<16xi32>
    %convert_element_type3A_665 = arith.extui %ge3A_664 : vector<16xi1> to vector<16xi32>
    %add3A_666 = arith.addi %add3A_663, %convert_element_type3A_665 : vector<16xi32>
    %ge3A_667 = arith.cmpi sge, %add3A_646, %gather3A_24 : vector<16xi32>
    %convert_element_type3A_668 = arith.extui %ge3A_667 : vector<16xi1> to vector<16xi32>
    %add3A_669 = arith.addi %add3A_666, %convert_element_type3A_668 : vector<16xi32>
    %mul3A_670 = arith.constant 8960 : i32
    %mul3A_671 = vector.broadcast %mul3A_670 : i32 to vector<16xi32>
    %mul3A_672 = arith.muli %add3A_669, %mul3A_671 : vector<16xi32>
    %add3A_673 = arith.addi %mul3A_672, %min3A_577 : vector<16xi32>
    %swap3A_674 = arith.constant 80 : index
    %swap3A_675 = tpu.vector_load %arg10[%swap3A_674] {strides = array<i32>} : memref<272xi32, #tpu.memory_space<vmem>>, vector<16xi32>,
    tpu.vector_store %arg10[%swap3A_674], %add3A_673 {strides = array<i32>} : memref<272xi32, #tpu.memory_space<vmem>>, vector<16xi32>,
    %get3A_676 = arith.constant 96 : index
    %get3A_677 = tpu.vector_load %arg7[%get3A_676] {strides = array<i32>} : memref<272xf32, #tpu.memory_space<vmem>>, vector<16xf32>,
    %convert_element_type3A_678 = arith.fptosi %get3A_677 : vector<16xf32> to vector<16xi32>
    %sub3A_679 = arith.constant 2 : i32
    %sub3A_680 = vector.broadcast %sub3A_679 : i32 to vector<16xi32>
    %sub3A_681 = arith.subi %convert_element_type3A_678, %sub3A_680 : vector<16xi32>
    %jit3A_682 = arith.constant 0 : i32
    %jit3A_683 = arith.constant 554 : i32
    %max3A_684 = vector.broadcast %jit3A_682 : i32 to vector<16xi32>
    %max3A_685 = arith.maxsi %max3A_684, %sub3A_681 : vector<16xi32>
    %min3A_686 = vector.broadcast %jit3A_683 : i32 to vector<16xi32>
    %min3A_687 = arith.minsi %min3A_686, %max3A_685 : vector<16xi32>
    %convert_element_type3A_688 = arith.sitofp %min3A_687 : vector<16xi32> to vector<16xf32>
    %sub3A_689 = arith.constant 5.000000e-01 : f32
    %sub3A_690 = vector.broadcast %sub3A_689 : f32 to vector<16xf32>
    %sub3A_691 = arith.subf %sub3A_690, %get3A_677 : vector<16xf32>
    %add3A_692 = arith.addf %convert_element_type3A_688, %sub3A_691 : vector<16xf32>
    %add3A_693 = arith.constant 0.000000e+00 : f32
    %add3A_694 = vector.broadcast %add3A_693 : f32 to vector<16xf32>
    %add3A_695 = arith.addf %add3A_692, %add3A_694 : vector<16xf32>
    %mul3A_696 = arith.mulf %add3A_695, %add3A_695 : vector<16xf32>
    %mul3A_697 = arith.constant -1.000000e+01 : f32
    %mul3A_698 = vector.broadcast %mul3A_697 : f32 to vector<16xf32>
    %mul3A_699 = arith.mulf %mul3A_696, %mul3A_698 : vector<16xf32>
    %exp3A_700 = math.exp %mul3A_699 : vector<16xf32>
    %swap3A_701 = arith.constant 96 : index
    %swap3A_702 = tpu.vector_load %arg11[%swap3A_701] {strides = array<i32>} : memref<1632xf32, #tpu.memory_space<vmem>>, vector<16xf32>,
    tpu.vector_store %arg11[%swap3A_701], %exp3A_700 {strides = array<i32>} : memref<1632xf32, #tpu.memory_space<vmem>>, vector<16xf32>,
    %add3A_703 = arith.constant 1.000000e+00 : f32
    %add3A_704 = vector.broadcast %add3A_703 : f32 to vector<16xf32>
    %add3A_705 = arith.addf %add3A_692, %add3A_704 : vector<16xf32>
    %mul3A_706 = arith.mulf %add3A_705, %add3A_705 : vector<16xf32>
    %mul3A_707 = arith.constant -1.000000e+01 : f32
    %mul3A_708 = vector.broadcast %mul3A_707 : f32 to vector<16xf32>
    %mul3A_709 = arith.mulf %mul3A_706, %mul3A_708 : vector<16xf32>
    %exp3A_710 = math.exp %mul3A_709 : vector<16xf32>
    %swap3A_711 = arith.constant 368 : index
    %swap3A_712 = tpu.vector_load %arg11[%swap3A_711] {strides = array<i32>} : memref<1632xf32, #tpu.memory_space<vmem>>, vector<16xf32>,
    tpu.vector_store %arg11[%swap3A_711], %exp3A_710 {strides = array<i32>} : memref<1632xf32, #tpu.memory_space<vmem>>, vector<16xf32>,
    %add3A_713 = arith.constant 2.000000e+00 : f32
    %add3A_714 = vector.broadcast %add3A_713 : f32 to vector<16xf32>
    %add3A_715 = arith.addf %add3A_692, %add3A_714 : vector<16xf32>
    %mul3A_716 = arith.mulf %add3A_715, %add3A_715 : vector<16xf32>
    %mul3A_717 = arith.constant -1.000000e+01 : f32
    %mul3A_718 = vector.broadcast %mul3A_717 : f32 to vector<16xf32>
    %mul3A_719 = arith.mulf %mul3A_716, %mul3A_718 : vector<16xf32>
    %exp3A_720 = math.exp %mul3A_719 : vector<16xf32>
    %swap3A_721 = arith.constant 640 : index
    %swap3A_722 = tpu.vector_load %arg11[%swap3A_721] {strides = array<i32>} : memref<1632xf32, #tpu.memory_space<vmem>>, vector<16xf32>,
    tpu.vector_store %arg11[%swap3A_721], %exp3A_720 {strides = array<i32>} : memref<1632xf32, #tpu.memory_space<vmem>>, vector<16xf32>,
    %add3A_723 = arith.constant 3.000000e+00 : f32
    %add3A_724 = vector.broadcast %add3A_723 : f32 to vector<16xf32>
    %add3A_725 = arith.addf %add3A_692, %add3A_724 : vector<16xf32>
    %mul3A_726 = arith.mulf %add3A_725, %add3A_725 : vector<16xf32>
    %mul3A_727 = arith.constant -1.000000e+01 : f32
    %mul3A_728 = vector.broadcast %mul3A_727 : f32 to vector<16xf32>
    %mul3A_729 = arith.mulf %mul3A_726, %mul3A_728 : vector<16xf32>
    %exp3A_730 = math.exp %mul3A_729 : vector<16xf32>
    %swap3A_731 = arith.constant 912 : index
    %swap3A_732 = tpu.vector_load %arg11[%swap3A_731] {strides = array<i32>} : memref<1632xf32, #tpu.memory_space<vmem>>, vector<16xf32>,
    tpu.vector_store %arg11[%swap3A_731], %exp3A_730 {strides = array<i32>} : memref<1632xf32, #tpu.memory_space<vmem>>, vector<16xf32>,
    %add3A_733 = arith.constant 4.000000e+00 : f32
    %add3A_734 = vector.broadcast %add3A_733 : f32 to vector<16xf32>
    %add3A_735 = arith.addf %add3A_692, %add3A_734 : vector<16xf32>
    %mul3A_736 = arith.mulf %add3A_735, %add3A_735 : vector<16xf32>
    %mul3A_737 = arith.constant -1.000000e+01 : f32
    %mul3A_738 = vector.broadcast %mul3A_737 : f32 to vector<16xf32>
    %mul3A_739 = arith.mulf %mul3A_736, %mul3A_738 : vector<16xf32>
    %exp3A_740 = math.exp %mul3A_739 : vector<16xf32>
    %swap3A_741 = arith.constant 1184 : index
    %swap3A_742 = tpu.vector_load %arg11[%swap3A_741] {strides = array<i32>} : memref<1632xf32, #tpu.memory_space<vmem>>, vector<16xf32>,
    tpu.vector_store %arg11[%swap3A_741], %exp3A_740 {strides = array<i32>} : memref<1632xf32, #tpu.memory_space<vmem>>, vector<16xf32>,
    %add3A_743 = arith.constant 5.000000e+00 : f32
    %add3A_744 = vector.broadcast %add3A_743 : f32 to vector<16xf32>
    %add3A_745 = arith.addf %add3A_692, %add3A_744 : vector<16xf32>
    %mul3A_746 = arith.mulf %add3A_745, %add3A_745 : vector<16xf32>
    %mul3A_747 = arith.constant -1.000000e+01 : f32
    %mul3A_748 = vector.broadcast %mul3A_747 : f32 to vector<16xf32>
    %mul3A_749 = arith.mulf %mul3A_746, %mul3A_748 : vector<16xf32>
    %exp3A_750 = math.exp %mul3A_749 : vector<16xf32>
    %swap3A_751 = arith.constant 1456 : index
    %swap3A_752 = tpu.vector_load %arg11[%swap3A_751] {strides = array<i32>} : memref<1632xf32, #tpu.memory_space<vmem>>, vector<16xf32>,
    tpu.vector_store %arg11[%swap3A_751], %exp3A_750 {strides = array<i32>} : memref<1632xf32, #tpu.memory_space<vmem>>, vector<16xf32>,
    %add3A_753 = arith.constant 96 : i32
    %add3A_754 = arith.addi %mul3A_2, %add3A_753 : i32
    %broadcast_in_dim3A_755 = vector.broadcast %add3A_754 : i32 to vector<16xi32>
    %add3A_756 = arith.addi %broadcast_in_dim3A_755, %iota3A : vector<16xi32>
    %broadcast_in_dim3A_757 = arith.constant 0 : i32
    %broadcast_in_dim3A_758 = vector.broadcast %broadcast_in_dim3A_757 : i32 to vector<16xi32>
    %ge3A_759 = arith.cmpi sge, %add3A_756, %gather3A : vector<16xi32>
    %convert_element_type3A_760 = arith.extui %ge3A_759 : vector<16xi1> to vector<16xi32>
    %add3A_761 = arith.addi %broadcast_in_dim3A_758, %convert_element_type3A_760 : vector<16xi32>
    %ge3A_762 = arith.cmpi sge, %add3A_756, %gather3A_9 : vector<16xi32>
    %convert_element_type3A_763 = arith.extui %ge3A_762 : vector<16xi1> to vector<16xi32>
    %add3A_764 = arith.addi %add3A_761, %convert_element_type3A_763 : vector<16xi32>
    %ge3A_765 = arith.cmpi sge, %add3A_756, %gather3A_12 : vector<16xi32>
    %convert_element_type3A_766 = arith.extui %ge3A_765 : vector<16xi1> to vector<16xi32>
    %add3A_767 = arith.addi %add3A_764, %convert_element_type3A_766 : vector<16xi32>
    %ge3A_768 = arith.cmpi sge, %add3A_756, %gather3A_15 : vector<16xi32>
    %convert_element_type3A_769 = arith.extui %ge3A_768 : vector<16xi1> to vector<16xi32>
    %add3A_770 = arith.addi %add3A_767, %convert_element_type3A_769 : vector<16xi32>
    %ge3A_771 = arith.cmpi sge, %add3A_756, %gather3A_18 : vector<16xi32>
    %convert_element_type3A_772 = arith.extui %ge3A_771 : vector<16xi1> to vector<16xi32>
    %add3A_773 = arith.addi %add3A_770, %convert_element_type3A_772 : vector<16xi32>
    %ge3A_774 = arith.cmpi sge, %add3A_756, %gather3A_21 : vector<16xi32>
    %convert_element_type3A_775 = arith.extui %ge3A_774 : vector<16xi1> to vector<16xi32>
    %add3A_776 = arith.addi %add3A_773, %convert_element_type3A_775 : vector<16xi32>
    %ge3A_777 = arith.cmpi sge, %add3A_756, %gather3A_24 : vector<16xi32>
    %convert_element_type3A_778 = arith.extui %ge3A_777 : vector<16xi1> to vector<16xi32>
    %add3A_779 = arith.addi %add3A_776, %convert_element_type3A_778 : vector<16xi32>
    %mul3A_780 = arith.constant 8960 : i32
    %mul3A_781 = vector.broadcast %mul3A_780 : i32 to vector<16xi32>
    %mul3A_782 = arith.muli %add3A_779, %mul3A_781 : vector<16xi32>
    %add3A_783 = arith.addi %mul3A_782, %min3A_687 : vector<16xi32>
    %swap3A_784 = arith.constant 96 : index
    %swap3A_785 = tpu.vector_load %arg10[%swap3A_784] {strides = array<i32>} : memref<272xi32, #tpu.memory_space<vmem>>, vector<16xi32>,
    tpu.vector_store %arg10[%swap3A_784], %add3A_783 {strides = array<i32>} : memref<272xi32, #tpu.memory_space<vmem>>, vector<16xi32>,
    %get3A_786 = arith.constant 112 : index
    %get3A_787 = tpu.vector_load %arg7[%get3A_786] {strides = array<i32>} : memref<272xf32, #tpu.memory_space<vmem>>, vector<16xf32>,
    %convert_element_type3A_788 = arith.fptosi %get3A_787 : vector<16xf32> to vector<16xi32>
    %sub3A_789 = arith.constant 2 : i32
    %sub3A_790 = vector.broadcast %sub3A_789 : i32 to vector<16xi32>
    %sub3A_791 = arith.subi %convert_element_type3A_788, %sub3A_790 : vector<16xi32>
    %jit3A_792 = arith.constant 0 : i32
    %jit3A_793 = arith.constant 554 : i32
    %max3A_794 = vector.broadcast %jit3A_792 : i32 to vector<16xi32>
    %max3A_795 = arith.maxsi %max3A_794, %sub3A_791 : vector<16xi32>
    %min3A_796 = vector.broadcast %jit3A_793 : i32 to vector<16xi32>
    %min3A_797 = arith.minsi %min3A_796, %max3A_795 : vector<16xi32>
    %convert_element_type3A_798 = arith.sitofp %min3A_797 : vector<16xi32> to vector<16xf32>
    %sub3A_799 = arith.constant 5.000000e-01 : f32
    %sub3A_800 = vector.broadcast %sub3A_799 : f32 to vector<16xf32>
    %sub3A_801 = arith.subf %sub3A_800, %get3A_787 : vector<16xf32>
    %add3A_802 = arith.addf %convert_element_type3A_798, %sub3A_801 : vector<16xf32>
    %add3A_803 = arith.constant 0.000000e+00 : f32
    %add3A_804 = vector.broadcast %add3A_803 : f32 to vector<16xf32>
    %add3A_805 = arith.addf %add3A_802, %add3A_804 : vector<16xf32>
    %mul3A_806 = arith.mulf %add3A_805, %add3A_805 : vector<16xf32>
    %mul3A_807 = arith.constant -1.000000e+01 : f32
    %mul3A_808 = vector.broadcast %mul3A_807 : f32 to vector<16xf32>
    %mul3A_809 = arith.mulf %mul3A_806, %mul3A_808 : vector<16xf32>
    %exp3A_810 = math.exp %mul3A_809 : vector<16xf32>
    %swap3A_811 = arith.constant 112 : index
    %swap3A_812 = tpu.vector_load %arg11[%swap3A_811] {strides = array<i32>} : memref<1632xf32, #tpu.memory_space<vmem>>, vector<16xf32>,
    tpu.vector_store %arg11[%swap3A_811], %exp3A_810 {strides = array<i32>} : memref<1632xf32, #tpu.memory_space<vmem>>, vector<16xf32>,
    %add3A_813 = arith.constant 1.000000e+00 : f32
    %add3A_814 = vector.broadcast %add3A_813 : f32 to vector<16xf32>
    %add3A_815 = arith.addf %add3A_802, %add3A_814 : vector<16xf32>
    %mul3A_816 = arith.mulf %add3A_815, %add3A_815 : vector<16xf32>
    %mul3A_817 = arith.constant -1.000000e+01 : f32
    %mul3A_818 = vector.broadcast %mul3A_817 : f32 to vector<16xf32>
    %mul3A_819 = arith.mulf %mul3A_816, %mul3A_818 : vector<16xf32>
    %exp3A_820 = math.exp %mul3A_819 : vector<16xf32>
    %swap3A_821 = arith.constant 384 : index
    %swap3A_822 = tpu.vector_load %arg11[%swap3A_821] {strides = array<i32>} : memref<1632xf32, #tpu.memory_space<vmem>>, vector<16xf32>,
    tpu.vector_store %arg11[%swap3A_821], %exp3A_820 {strides = array<i32>} : memref<1632xf32, #tpu.memory_space<vmem>>, vector<16xf32>,
    %add3A_823 = arith.constant 2.000000e+00 : f32
    %add3A_824 = vector.broadcast %add3A_823 : f32 to vector<16xf32>
    %add3A_825 = arith.addf %add3A_802, %add3A_824 : vector<16xf32>
    %mul3A_826 = arith.mulf %add3A_825, %add3A_825 : vector<16xf32>
    %mul3A_827 = arith.constant -1.000000e+01 : f32
    %mul3A_828 = vector.broadcast %mul3A_827 : f32 to vector<16xf32>
    %mul3A_829 = arith.mulf %mul3A_826, %mul3A_828 : vector<16xf32>
    %exp3A_830 = math.exp %mul3A_829 : vector<16xf32>
    %swap3A_831 = arith.constant 656 : index
    %swap3A_832 = tpu.vector_load %arg11[%swap3A_831] {strides = array<i32>} : memref<1632xf32, #tpu.memory_space<vmem>>, vector<16xf32>,
    tpu.vector_store %arg11[%swap3A_831], %exp3A_830 {strides = array<i32>} : memref<1632xf32, #tpu.memory_space<vmem>>, vector<16xf32>,
    %add3A_833 = arith.constant 3.000000e+00 : f32
    %add3A_834 = vector.broadcast %add3A_833 : f32 to vector<16xf32>
    %add3A_835 = arith.addf %add3A_802, %add3A_834 : vector<16xf32>
    %mul3A_836 = arith.mulf %add3A_835, %add3A_835 : vector<16xf32>
    %mul3A_837 = arith.constant -1.000000e+01 : f32
    %mul3A_838 = vector.broadcast %mul3A_837 : f32 to vector<16xf32>
    %mul3A_839 = arith.mulf %mul3A_836, %mul3A_838 : vector<16xf32>
    %exp3A_840 = math.exp %mul3A_839 : vector<16xf32>
    %swap3A_841 = arith.constant 928 : index
    %swap3A_842 = tpu.vector_load %arg11[%swap3A_841] {strides = array<i32>} : memref<1632xf32, #tpu.memory_space<vmem>>, vector<16xf32>,
    tpu.vector_store %arg11[%swap3A_841], %exp3A_840 {strides = array<i32>} : memref<1632xf32, #tpu.memory_space<vmem>>, vector<16xf32>,
    %add3A_843 = arith.constant 4.000000e+00 : f32
    %add3A_844 = vector.broadcast %add3A_843 : f32 to vector<16xf32>
    %add3A_845 = arith.addf %add3A_802, %add3A_844 : vector<16xf32>
    %mul3A_846 = arith.mulf %add3A_845, %add3A_845 : vector<16xf32>
    %mul3A_847 = arith.constant -1.000000e+01 : f32
    %mul3A_848 = vector.broadcast %mul3A_847 : f32 to vector<16xf32>
    %mul3A_849 = arith.mulf %mul3A_846, %mul3A_848 : vector<16xf32>
    %exp3A_850 = math.exp %mul3A_849 : vector<16xf32>
    %swap3A_851 = arith.constant 1200 : index
    %swap3A_852 = tpu.vector_load %arg11[%swap3A_851] {strides = array<i32>} : memref<1632xf32, #tpu.memory_space<vmem>>, vector<16xf32>,
    tpu.vector_store %arg11[%swap3A_851], %exp3A_850 {strides = array<i32>} : memref<1632xf32, #tpu.memory_space<vmem>>, vector<16xf32>,
    %add3A_853 = arith.constant 5.000000e+00 : f32
    %add3A_854 = vector.broadcast %add3A_853 : f32 to vector<16xf32>
    %add3A_855 = arith.addf %add3A_802, %add3A_854 : vector<16xf32>
    %mul3A_856 = arith.mulf %add3A_855, %add3A_855 : vector<16xf32>
    %mul3A_857 = arith.constant -1.000000e+01 : f32
    %mul3A_858 = vector.broadcast %mul3A_857 : f32 to vector<16xf32>
    %mul3A_859 = arith.mulf %mul3A_856, %mul3A_858 : vector<16xf32>
    %exp3A_860 = math.exp %mul3A_859 : vector<16xf32>
    %swap3A_861 = arith.constant 1472 : index
    %swap3A_862 = tpu.vector_load %arg11[%swap3A_861] {strides = array<i32>} : memref<1632xf32, #tpu.memory_space<vmem>>, vector<16xf32>,
    tpu.vector_store %arg11[%swap3A_861], %exp3A_860 {strides = array<i32>} : memref<1632xf32, #tpu.memory_space<vmem>>, vector<16xf32>,
    %add3A_863 = arith.constant 112 : i32
    %add3A_864 = arith.addi %mul3A_2, %add3A_863 : i32
    %broadcast_in_dim3A_865 = vector.broadcast %add3A_864 : i32 to vector<16xi32>
    %add3A_866 = arith.addi %broadcast_in_dim3A_865, %iota3A : vector<16xi32>
    %broadcast_in_dim3A_867 = arith.constant 0 : i32
    %broadcast_in_dim3A_868 = vector.broadcast %broadcast_in_dim3A_867 : i32 to vector<16xi32>
    %ge3A_869 = arith.cmpi sge, %add3A_866, %gather3A : vector<16xi32>
    %convert_element_type3A_870 = arith.extui %ge3A_869 : vector<16xi1> to vector<16xi32>
    %add3A_871 = arith.addi %broadcast_in_dim3A_868, %convert_element_type3A_870 : vector<16xi32>
    %ge3A_872 = arith.cmpi sge, %add3A_866, %gather3A_9 : vector<16xi32>
    %convert_element_type3A_873 = arith.extui %ge3A_872 : vector<16xi1> to vector<16xi32>
    %add3A_874 = arith.addi %add3A_871, %convert_element_type3A_873 : vector<16xi32>
    %ge3A_875 = arith.cmpi sge, %add3A_866, %gather3A_12 : vector<16xi32>
    %convert_element_type3A_876 = arith.extui %ge3A_875 : vector<16xi1> to vector<16xi32>
    %add3A_877 = arith.addi %add3A_874, %convert_element_type3A_876 : vector<16xi32>
    %ge3A_878 = arith.cmpi sge, %add3A_866, %gather3A_15 : vector<16xi32>
    %convert_element_type3A_879 = arith.extui %ge3A_878 : vector<16xi1> to vector<16xi32>
    %add3A_880 = arith.addi %add3A_877, %convert_element_type3A_879 : vector<16xi32>
    %ge3A_881 = arith.cmpi sge, %add3A_866, %gather3A_18 : vector<16xi32>
    %convert_element_type3A_882 = arith.extui %ge3A_881 : vector<16xi1> to vector<16xi32>
    %add3A_883 = arith.addi %add3A_880, %convert_element_type3A_882 : vector<16xi32>
    %ge3A_884 = arith.cmpi sge, %add3A_866, %gather3A_21 : vector<16xi32>
    %convert_element_type3A_885 = arith.extui %ge3A_884 : vector<16xi1> to vector<16xi32>
    %add3A_886 = arith.addi %add3A_883, %convert_element_type3A_885 : vector<16xi32>
    %ge3A_887 = arith.cmpi sge, %add3A_866, %gather3A_24 : vector<16xi32>
    %convert_element_type3A_888 = arith.extui %ge3A_887 : vector<16xi1> to vector<16xi32>
    %add3A_889 = arith.addi %add3A_886, %convert_element_type3A_888 : vector<16xi32>
    %mul3A_890 = arith.constant 8960 : i32
    %mul3A_891 = vector.broadcast %mul3A_890 : i32 to vector<16xi32>
    %mul3A_892 = arith.muli %add3A_889, %mul3A_891 : vector<16xi32>
    %add3A_893 = arith.addi %mul3A_892, %min3A_797 : vector<16xi32>
    %swap3A_894 = arith.constant 112 : index
    %swap3A_895 = tpu.vector_load %arg10[%swap3A_894] {strides = array<i32>} : memref<272xi32, #tpu.memory_space<vmem>>, vector<16xi32>,
    tpu.vector_store %arg10[%swap3A_894], %add3A_893 {strides = array<i32>} : memref<272xi32, #tpu.memory_space<vmem>>, vector<16xi32>,
    %get3A_896 = arith.constant 128 : index
    %get3A_897 = tpu.vector_load %arg7[%get3A_896] {strides = array<i32>} : memref<272xf32, #tpu.memory_space<vmem>>, vector<16xf32>,
    %convert_element_type3A_898 = arith.fptosi %get3A_897 : vector<16xf32> to vector<16xi32>
    %sub3A_899 = arith.constant 2 : i32
    %sub3A_900 = vector.broadcast %sub3A_899 : i32 to vector<16xi32>
    %sub3A_901 = arith.subi %convert_element_type3A_898, %sub3A_900 : vector<16xi32>
    %jit3A_902 = arith.constant 0 : i32
    %jit3A_903 = arith.constant 554 : i32
    %max3A_904 = vector.broadcast %jit3A_902 : i32 to vector<16xi32>
    %max3A_905 = arith.maxsi %max3A_904, %sub3A_901 : vector<16xi32>
    %min3A_906 = vector.broadcast %jit3A_903 : i32 to vector<16xi32>
    %min3A_907 = arith.minsi %min3A_906, %max3A_905 : vector<16xi32>
    %convert_element_type3A_908 = arith.sitofp %min3A_907 : vector<16xi32> to vector<16xf32>
    %sub3A_909 = arith.constant 5.000000e-01 : f32
    %sub3A_910 = vector.broadcast %sub3A_909 : f32 to vector<16xf32>
    %sub3A_911 = arith.subf %sub3A_910, %get3A_897 : vector<16xf32>
    %add3A_912 = arith.addf %convert_element_type3A_908, %sub3A_911 : vector<16xf32>
    %add3A_913 = arith.constant 0.000000e+00 : f32
    %add3A_914 = vector.broadcast %add3A_913 : f32 to vector<16xf32>
    %add3A_915 = arith.addf %add3A_912, %add3A_914 : vector<16xf32>
    %mul3A_916 = arith.mulf %add3A_915, %add3A_915 : vector<16xf32>
    %mul3A_917 = arith.constant -1.000000e+01 : f32
    %mul3A_918 = vector.broadcast %mul3A_917 : f32 to vector<16xf32>
    %mul3A_919 = arith.mulf %mul3A_916, %mul3A_918 : vector<16xf32>
    %exp3A_920 = math.exp %mul3A_919 : vector<16xf32>
    %swap3A_921 = arith.constant 128 : index
    %swap3A_922 = tpu.vector_load %arg11[%swap3A_921] {strides = array<i32>} : memref<1632xf32, #tpu.memory_space<vmem>>, vector<16xf32>,
    tpu.vector_store %arg11[%swap3A_921], %exp3A_920 {strides = array<i32>} : memref<1632xf32, #tpu.memory_space<vmem>>, vector<16xf32>,
    %add3A_923 = arith.constant 1.000000e+00 : f32
    %add3A_924 = vector.broadcast %add3A_923 : f32 to vector<16xf32>
    %add3A_925 = arith.addf %add3A_912, %add3A_924 : vector<16xf32>
    %mul3A_926 = arith.mulf %add3A_925, %add3A_925 : vector<16xf32>
    %mul3A_927 = arith.constant -1.000000e+01 : f32
    %mul3A_928 = vector.broadcast %mul3A_927 : f32 to vector<16xf32>
    %mul3A_929 = arith.mulf %mul3A_926, %mul3A_928 : vector<16xf32>
    %exp3A_930 = math.exp %mul3A_929 : vector<16xf32>
    %swap3A_931 = arith.constant 400 : index
    %swap3A_932 = tpu.vector_load %arg11[%swap3A_931] {strides = array<i32>} : memref<1632xf32, #tpu.memory_space<vmem>>, vector<16xf32>,
    tpu.vector_store %arg11[%swap3A_931], %exp3A_930 {strides = array<i32>} : memref<1632xf32, #tpu.memory_space<vmem>>, vector<16xf32>,
    %add3A_933 = arith.constant 2.000000e+00 : f32
    %add3A_934 = vector.broadcast %add3A_933 : f32 to vector<16xf32>
    %add3A_935 = arith.addf %add3A_912, %add3A_934 : vector<16xf32>
    %mul3A_936 = arith.mulf %add3A_935, %add3A_935 : vector<16xf32>
    %mul3A_937 = arith.constant -1.000000e+01 : f32
    %mul3A_938 = vector.broadcast %mul3A_937 : f32 to vector<16xf32>
    %mul3A_939 = arith.mulf %mul3A_936, %mul3A_938 : vector<16xf32>
    %exp3A_940 = math.exp %mul3A_939 : vector<16xf32>
    %swap3A_941 = arith.constant 672 : index
    %swap3A_942 = tpu.vector_load %arg11[%swap3A_941] {strides = array<i32>} : memref<1632xf32, #tpu.memory_space<vmem>>, vector<16xf32>,
    tpu.vector_store %arg11[%swap3A_941], %exp3A_940 {strides = array<i32>} : memref<1632xf32, #tpu.memory_space<vmem>>, vector<16xf32>,
    %add3A_943 = arith.constant 3.000000e+00 : f32
    %add3A_944 = vector.broadcast %add3A_943 : f32 to vector<16xf32>
    %add3A_945 = arith.addf %add3A_912, %add3A_944 : vector<16xf32>
    %mul3A_946 = arith.mulf %add3A_945, %add3A_945 : vector<16xf32>
    %mul3A_947 = arith.constant -1.000000e+01 : f32
    %mul3A_948 = vector.broadcast %mul3A_947 : f32 to vector<16xf32>
    %mul3A_949 = arith.mulf %mul3A_946, %mul3A_948 : vector<16xf32>
    %exp3A_950 = math.exp %mul3A_949 : vector<16xf32>
    %swap3A_951 = arith.constant 944 : index
    %swap3A_952 = tpu.vector_load %arg11[%swap3A_951] {strides = array<i32>} : memref<1632xf32, #tpu.memory_space<vmem>>, vector<16xf32>,
    tpu.vector_store %arg11[%swap3A_951], %exp3A_950 {strides = array<i32>} : memref<1632xf32, #tpu.memory_space<vmem>>, vector<16xf32>,
    %add3A_953 = arith.constant 4.000000e+00 : f32
    %add3A_954 = vector.broadcast %add3A_953 : f32 to vector<16xf32>
    %add3A_955 = arith.addf %add3A_912, %add3A_954 : vector<16xf32>
    %mul3A_956 = arith.mulf %add3A_955, %add3A_955 : vector<16xf32>
    %mul3A_957 = arith.constant -1.000000e+01 : f32
    %mul3A_958 = vector.broadcast %mul3A_957 : f32 to vector<16xf32>
    %mul3A_959 = arith.mulf %mul3A_956, %mul3A_958 : vector<16xf32>
    %exp3A_960 = math.exp %mul3A_959 : vector<16xf32>
    %swap3A_961 = arith.constant 1216 : index
    %swap3A_962 = tpu.vector_load %arg11[%swap3A_961] {strides = array<i32>} : memref<1632xf32, #tpu.memory_space<vmem>>, vector<16xf32>,
    tpu.vector_store %arg11[%swap3A_961], %exp3A_960 {strides = array<i32>} : memref<1632xf32, #tpu.memory_space<vmem>>, vector<16xf32>,
    %add3A_963 = arith.constant 5.000000e+00 : f32
    %add3A_964 = vector.broadcast %add3A_963 : f32 to vector<16xf32>
    %add3A_965 = arith.addf %add3A_912, %add3A_964 : vector<16xf32>
    %mul3A_966 = arith.mulf %add3A_965, %add3A_965 : vector<16xf32>
    %mul3A_967 = arith.constant -1.000000e+01 : f32
    %mul3A_968 = vector.broadcast %mul3A_967 : f32 to vector<16xf32>
    %mul3A_969 = arith.mulf %mul3A_966, %mul3A_968 : vector<16xf32>
    %exp3A_970 = math.exp %mul3A_969 : vector<16xf32>
    %swap3A_971 = arith.constant 1488 : index
    %swap3A_972 = tpu.vector_load %arg11[%swap3A_971] {strides = array<i32>} : memref<1632xf32, #tpu.memory_space<vmem>>, vector<16xf32>,
    tpu.vector_store %arg11[%swap3A_971], %exp3A_970 {strides = array<i32>} : memref<1632xf32, #tpu.memory_space<vmem>>, vector<16xf32>,
    %add3A_973 = arith.constant 128 : i32
    %add3A_974 = arith.addi %mul3A_2, %add3A_973 : i32
    %broadcast_in_dim3A_975 = vector.broadcast %add3A_974 : i32 to vector<16xi32>
    %add3A_976 = arith.addi %broadcast_in_dim3A_975, %iota3A : vector<16xi32>
    %broadcast_in_dim3A_977 = arith.constant 0 : i32
    %broadcast_in_dim3A_978 = vector.broadcast %broadcast_in_dim3A_977 : i32 to vector<16xi32>
    %ge3A_979 = arith.cmpi sge, %add3A_976, %gather3A : vector<16xi32>
    %convert_element_type3A_980 = arith.extui %ge3A_979 : vector<16xi1> to vector<16xi32>
    %add3A_981 = arith.addi %broadcast_in_dim3A_978, %convert_element_type3A_980 : vector<16xi32>
    %ge3A_982 = arith.cmpi sge, %add3A_976, %gather3A_9 : vector<16xi32>
    %convert_element_type3A_983 = arith.extui %ge3A_982 : vector<16xi1> to vector<16xi32>
    %add3A_984 = arith.addi %add3A_981, %convert_element_type3A_983 : vector<16xi32>
    %ge3A_985 = arith.cmpi sge, %add3A_976, %gather3A_12 : vector<16xi32>
    %convert_element_type3A_986 = arith.extui %ge3A_985 : vector<16xi1> to vector<16xi32>
    %add3A_987 = arith.addi %add3A_984, %convert_element_type3A_986 : vector<16xi32>
    %ge3A_988 = arith.cmpi sge, %add3A_976, %gather3A_15 : vector<16xi32>
    %convert_element_type3A_989 = arith.extui %ge3A_988 : vector<16xi1> to vector<16xi32>
    %add3A_990 = arith.addi %add3A_987, %convert_element_type3A_989 : vector<16xi32>
    %ge3A_991 = arith.cmpi sge, %add3A_976, %gather3A_18 : vector<16xi32>
    %convert_element_type3A_992 = arith.extui %ge3A_991 : vector<16xi1> to vector<16xi32>
    %add3A_993 = arith.addi %add3A_990, %convert_element_type3A_992 : vector<16xi32>
    %ge3A_994 = arith.cmpi sge, %add3A_976, %gather3A_21 : vector<16xi32>
    %convert_element_type3A_995 = arith.extui %ge3A_994 : vector<16xi1> to vector<16xi32>
    %add3A_996 = arith.addi %add3A_993, %convert_element_type3A_995 : vector<16xi32>
    %ge3A_997 = arith.cmpi sge, %add3A_976, %gather3A_24 : vector<16xi32>
    %convert_element_type3A_998 = arith.extui %ge3A_997 : vector<16xi1> to vector<16xi32>
    %add3A_999 = arith.addi %add3A_996, %convert_element_type3A_998 : vector<16xi32>
    %mul3A_1000 = arith.constant 8960 : i32
    %mul3A_1001 = vector.broadcast %mul3A_1000 : i32 to vector<16xi32>
    %mul3A_1002 = arith.muli %add3A_999, %mul3A_1001 : vector<16xi32>
    %add3A_1003 = arith.addi %mul3A_1002, %min3A_907 : vector<16xi32>
    %swap3A_1004 = arith.constant 128 : index
    %swap3A_1005 = tpu.vector_load %arg10[%swap3A_1004] {strides = array<i32>} : memref<272xi32, #tpu.memory_space<vmem>>, vector<16xi32>,
    tpu.vector_store %arg10[%swap3A_1004], %add3A_1003 {strides = array<i32>} : memref<272xi32, #tpu.memory_space<vmem>>, vector<16xi32>,
    %get3A_1006 = arith.constant 144 : index
    %get3A_1007 = tpu.vector_load %arg7[%get3A_1006] {strides = array<i32>} : memref<272xf32, #tpu.memory_space<vmem>>, vector<16xf32>,
    %convert_element_type3A_1008 = arith.fptosi %get3A_1007 : vector<16xf32> to vector<16xi32>
    %sub3A_1009 = arith.constant 2 : i32
    %sub3A_1010 = vector.broadcast %sub3A_1009 : i32 to vector<16xi32>
    %sub3A_1011 = arith.subi %convert_element_type3A_1008, %sub3A_1010 : vector<16xi32>
    %jit3A_1012 = arith.constant 0 : i32
    %jit3A_1013 = arith.constant 554 : i32
    %max3A_1014 = vector.broadcast %jit3A_1012 : i32 to vector<16xi32>
    %max3A_1015 = arith.maxsi %max3A_1014, %sub3A_1011 : vector<16xi32>
    %min3A_1016 = vector.broadcast %jit3A_1013 : i32 to vector<16xi32>
    %min3A_1017 = arith.minsi %min3A_1016, %max3A_1015 : vector<16xi32>
    %convert_element_type3A_1018 = arith.sitofp %min3A_1017 : vector<16xi32> to vector<16xf32>
    %sub3A_1019 = arith.constant 5.000000e-01 : f32
    %sub3A_1020 = vector.broadcast %sub3A_1019 : f32 to vector<16xf32>
    %sub3A_1021 = arith.subf %sub3A_1020, %get3A_1007 : vector<16xf32>
    %add3A_1022 = arith.addf %convert_element_type3A_1018, %sub3A_1021 : vector<16xf32>
    %add3A_1023 = arith.constant 0.000000e+00 : f32
    %add3A_1024 = vector.broadcast %add3A_1023 : f32 to vector<16xf32>
    %add3A_1025 = arith.addf %add3A_1022, %add3A_1024 : vector<16xf32>
    %mul3A_1026 = arith.mulf %add3A_1025, %add3A_1025 : vector<16xf32>
    %mul3A_1027 = arith.constant -1.000000e+01 : f32
    %mul3A_1028 = vector.broadcast %mul3A_1027 : f32 to vector<16xf32>
    %mul3A_1029 = arith.mulf %mul3A_1026, %mul3A_1028 : vector<16xf32>
    %exp3A_1030 = math.exp %mul3A_1029 : vector<16xf32>
    %swap3A_1031 = arith.constant 144 : index
    %swap3A_1032 = tpu.vector_load %arg11[%swap3A_1031] {strides = array<i32>} : memref<1632xf32, #tpu.memory_space<vmem>>, vector<16xf32>,
    tpu.vector_store %arg11[%swap3A_1031], %exp3A_1030 {strides = array<i32>} : memref<1632xf32, #tpu.memory_space<vmem>>, vector<16xf32>,
    %add3A_1033 = arith.constant 1.000000e+00 : f32
    %add3A_1034 = vector.broadcast %add3A_1033 : f32 to vector<16xf32>
    %add3A_1035 = arith.addf %add3A_1022, %add3A_1034 : vector<16xf32>
    %mul3A_1036 = arith.mulf %add3A_1035, %add3A_1035 : vector<16xf32>
    %mul3A_1037 = arith.constant -1.000000e+01 : f32
    %mul3A_1038 = vector.broadcast %mul3A_1037 : f32 to vector<16xf32>
    %mul3A_1039 = arith.mulf %mul3A_1036, %mul3A_1038 : vector<16xf32>
    %exp3A_1040 = math.exp %mul3A_1039 : vector<16xf32>
    %swap3A_1041 = arith.constant 416 : index
    %swap3A_1042 = tpu.vector_load %arg11[%swap3A_1041] {strides = array<i32>} : memref<1632xf32, #tpu.memory_space<vmem>>, vector<16xf32>,
    tpu.vector_store %arg11[%swap3A_1041], %exp3A_1040 {strides = array<i32>} : memref<1632xf32, #tpu.memory_space<vmem>>, vector<16xf32>,
    %add3A_1043 = arith.constant 2.000000e+00 : f32
    %add3A_1044 = vector.broadcast %add3A_1043 : f32 to vector<16xf32>
    %add3A_1045 = arith.addf %add3A_1022, %add3A_1044 : vector<16xf32>
    %mul3A_1046 = arith.mulf %add3A_1045, %add3A_1045 : vector<16xf32>
    %mul3A_1047 = arith.constant -1.000000e+01 : f32
    %mul3A_1048 = vector.broadcast %mul3A_1047 : f32 to vector<16xf32>
    %mul3A_1049 = arith.mulf %mul3A_1046, %mul3A_1048 : vector<16xf32>
    %exp3A_1050 = math.exp %mul3A_1049 : vector<16xf32>
    %swap3A_1051 = arith.constant 688 : index
    %swap3A_1052 = tpu.vector_load %arg11[%swap3A_1051] {strides = array<i32>} : memref<1632xf32, #tpu.memory_space<vmem>>, vector<16xf32>,
    tpu.vector_store %arg11[%swap3A_1051], %exp3A_1050 {strides = array<i32>} : memref<1632xf32, #tpu.memory_space<vmem>>, vector<16xf32>,
    %add3A_1053 = arith.constant 3.000000e+00 : f32
    %add3A_1054 = vector.broadcast %add3A_1053 : f32 to vector<16xf32>
    %add3A_1055 = arith.addf %add3A_1022, %add3A_1054 : vector<16xf32>
    %mul3A_1056 = arith.mulf %add3A_1055, %add3A_1055 : vector<16xf32>
    %mul3A_1057 = arith.constant -1.000000e+01 : f32
    %mul3A_1058 = vector.broadcast %mul3A_1057 : f32 to vector<16xf32>
    %mul3A_1059 = arith.mulf %mul3A_1056, %mul3A_1058 : vector<16xf32>
    %exp3A_1060 = math.exp %mul3A_1059 : vector<16xf32>
    %swap3A_1061 = arith.constant 960 : index
    %swap3A_1062 = tpu.vector_load %arg11[%swap3A_1061] {strides = array<i32>} : memref<1632xf32, #tpu.memory_space<vmem>>, vector<16xf32>,
    tpu.vector_store %arg11[%swap3A_1061], %exp3A_1060 {strides = array<i32>} : memref<1632xf32, #tpu.memory_space<vmem>>, vector<16xf32>,
    %add3A_1063 = arith.constant 4.000000e+00 : f32
    %add3A_1064 = vector.broadcast %add3A_1063 : f32 to vector<16xf32>
    %add3A_1065 = arith.addf %add3A_1022, %add3A_1064 : vector<16xf32>
    %mul3A_1066 = arith.mulf %add3A_1065, %add3A_1065 : vector<16xf32>
    %mul3A_1067 = arith.constant -1.000000e+01 : f32
    %mul3A_1068 = vector.broadcast %mul3A_1067 : f32 to vector<16xf32>
    %mul3A_1069 = arith.mulf %mul3A_1066, %mul3A_1068 : vector<16xf32>
    %exp3A_1070 = math.exp %mul3A_1069 : vector<16xf32>
    %swap3A_1071 = arith.constant 1232 : index
    %swap3A_1072 = tpu.vector_load %arg11[%swap3A_1071] {strides = array<i32>} : memref<1632xf32, #tpu.memory_space<vmem>>, vector<16xf32>,
    tpu.vector_store %arg11[%swap3A_1071], %exp3A_1070 {strides = array<i32>} : memref<1632xf32, #tpu.memory_space<vmem>>, vector<16xf32>,
    %add3A_1073 = arith.constant 5.000000e+00 : f32
    %add3A_1074 = vector.broadcast %add3A_1073 : f32 to vector<16xf32>
    %add3A_1075 = arith.addf %add3A_1022, %add3A_1074 : vector<16xf32>
    %mul3A_1076 = arith.mulf %add3A_1075, %add3A_1075 : vector<16xf32>
    %mul3A_1077 = arith.constant -1.000000e+01 : f32
    %mul3A_1078 = vector.broadcast %mul3A_1077 : f32 to vector<16xf32>
    %mul3A_1079 = arith.mulf %mul3A_1076, %mul3A_1078 : vector<16xf32>
    %exp3A_1080 = math.exp %mul3A_1079 : vector<16xf32>
    %swap3A_1081 = arith.constant 1504 : index
    %swap3A_1082 = tpu.vector_load %arg11[%swap3A_1081] {strides = array<i32>} : memref<1632xf32, #tpu.memory_space<vmem>>, vector<16xf32>,
    tpu.vector_store %arg11[%swap3A_1081], %exp3A_1080 {strides = array<i32>} : memref<1632xf32, #tpu.memory_space<vmem>>, vector<16xf32>,
    %add3A_1083 = arith.constant 144 : i32
    %add3A_1084 = arith.addi %mul3A_2, %add3A_1083 : i32
    %broadcast_in_dim3A_1085 = vector.broadcast %add3A_1084 : i32 to vector<16xi32>
    %add3A_1086 = arith.addi %broadcast_in_dim3A_1085, %iota3A : vector<16xi32>
    %broadcast_in_dim3A_1087 = arith.constant 0 : i32
    %broadcast_in_dim3A_1088 = vector.broadcast %broadcast_in_dim3A_1087 : i32 to vector<16xi32>
    %ge3A_1089 = arith.cmpi sge, %add3A_1086, %gather3A : vector<16xi32>
    %convert_element_type3A_1090 = arith.extui %ge3A_1089 : vector<16xi1> to vector<16xi32>
    %add3A_1091 = arith.addi %broadcast_in_dim3A_1088, %convert_element_type3A_1090 : vector<16xi32>
    %ge3A_1092 = arith.cmpi sge, %add3A_1086, %gather3A_9 : vector<16xi32>
    %convert_element_type3A_1093 = arith.extui %ge3A_1092 : vector<16xi1> to vector<16xi32>
    %add3A_1094 = arith.addi %add3A_1091, %convert_element_type3A_1093 : vector<16xi32>
    %ge3A_1095 = arith.cmpi sge, %add3A_1086, %gather3A_12 : vector<16xi32>
    %convert_element_type3A_1096 = arith.extui %ge3A_1095 : vector<16xi1> to vector<16xi32>
    %add3A_1097 = arith.addi %add3A_1094, %convert_element_type3A_1096 : vector<16xi32>
    %ge3A_1098 = arith.cmpi sge, %add3A_1086, %gather3A_15 : vector<16xi32>
    %convert_element_type3A_1099 = arith.extui %ge3A_1098 : vector<16xi1> to vector<16xi32>
    %add3A_1100 = arith.addi %add3A_1097, %convert_element_type3A_1099 : vector<16xi32>
    %ge3A_1101 = arith.cmpi sge, %add3A_1086, %gather3A_18 : vector<16xi32>
    %convert_element_type3A_1102 = arith.extui %ge3A_1101 : vector<16xi1> to vector<16xi32>
    %add3A_1103 = arith.addi %add3A_1100, %convert_element_type3A_1102 : vector<16xi32>
    %ge3A_1104 = arith.cmpi sge, %add3A_1086, %gather3A_21 : vector<16xi32>
    %convert_element_type3A_1105 = arith.extui %ge3A_1104 : vector<16xi1> to vector<16xi32>
    %add3A_1106 = arith.addi %add3A_1103, %convert_element_type3A_1105 : vector<16xi32>
    %ge3A_1107 = arith.cmpi sge, %add3A_1086, %gather3A_24 : vector<16xi32>
    %convert_element_type3A_1108 = arith.extui %ge3A_1107 : vector<16xi1> to vector<16xi32>
    %add3A_1109 = arith.addi %add3A_1106, %convert_element_type3A_1108 : vector<16xi32>
    %mul3A_1110 = arith.constant 8960 : i32
    %mul3A_1111 = vector.broadcast %mul3A_1110 : i32 to vector<16xi32>
    %mul3A_1112 = arith.muli %add3A_1109, %mul3A_1111 : vector<16xi32>
    %add3A_1113 = arith.addi %mul3A_1112, %min3A_1017 : vector<16xi32>
    %swap3A_1114 = arith.constant 144 : index
    %swap3A_1115 = tpu.vector_load %arg10[%swap3A_1114] {strides = array<i32>} : memref<272xi32, #tpu.memory_space<vmem>>, vector<16xi32>,
    tpu.vector_store %arg10[%swap3A_1114], %add3A_1113 {strides = array<i32>} : memref<272xi32, #tpu.memory_space<vmem>>, vector<16xi32>,
    %get3A_1116 = arith.constant 160 : index
    %get3A_1117 = tpu.vector_load %arg7[%get3A_1116] {strides = array<i32>} : memref<272xf32, #tpu.memory_space<vmem>>, vector<16xf32>,
    %convert_element_type3A_1118 = arith.fptosi %get3A_1117 : vector<16xf32> to vector<16xi32>
    %sub3A_1119 = arith.constant 2 : i32
    %sub3A_1120 = vector.broadcast %sub3A_1119 : i32 to vector<16xi32>
    %sub3A_1121 = arith.subi %convert_element_type3A_1118, %sub3A_1120 : vector<16xi32>
    %jit3A_1122 = arith.constant 0 : i32
    %jit3A_1123 = arith.constant 554 : i32
    %max3A_1124 = vector.broadcast %jit3A_1122 : i32 to vector<16xi32>
    %max3A_1125 = arith.maxsi %max3A_1124, %sub3A_1121 : vector<16xi32>
    %min3A_1126 = vector.broadcast %jit3A_1123 : i32 to vector<16xi32>
    %min3A_1127 = arith.minsi %min3A_1126, %max3A_1125 : vector<16xi32>
    %convert_element_type3A_1128 = arith.sitofp %min3A_1127 : vector<16xi32> to vector<16xf32>
    %sub3A_1129 = arith.constant 5.000000e-01 : f32
    %sub3A_1130 = vector.broadcast %sub3A_1129 : f32 to vector<16xf32>
    %sub3A_1131 = arith.subf %sub3A_1130, %get3A_1117 : vector<16xf32>
    %add3A_1132 = arith.addf %convert_element_type3A_1128, %sub3A_1131 : vector<16xf32>
    %add3A_1133 = arith.constant 0.000000e+00 : f32
    %add3A_1134 = vector.broadcast %add3A_1133 : f32 to vector<16xf32>
    %add3A_1135 = arith.addf %add3A_1132, %add3A_1134 : vector<16xf32>
    %mul3A_1136 = arith.mulf %add3A_1135, %add3A_1135 : vector<16xf32>
    %mul3A_1137 = arith.constant -1.000000e+01 : f32
    %mul3A_1138 = vector.broadcast %mul3A_1137 : f32 to vector<16xf32>
    %mul3A_1139 = arith.mulf %mul3A_1136, %mul3A_1138 : vector<16xf32>
    %exp3A_1140 = math.exp %mul3A_1139 : vector<16xf32>
    %swap3A_1141 = arith.constant 160 : index
    %swap3A_1142 = tpu.vector_load %arg11[%swap3A_1141] {strides = array<i32>} : memref<1632xf32, #tpu.memory_space<vmem>>, vector<16xf32>,
    tpu.vector_store %arg11[%swap3A_1141], %exp3A_1140 {strides = array<i32>} : memref<1632xf32, #tpu.memory_space<vmem>>, vector<16xf32>,
    %add3A_1143 = arith.constant 1.000000e+00 : f32
    %add3A_1144 = vector.broadcast %add3A_1143 : f32 to vector<16xf32>
    %add3A_1145 = arith.addf %add3A_1132, %add3A_1144 : vector<16xf32>
    %mul3A_1146 = arith.mulf %add3A_1145, %add3A_1145 : vector<16xf32>
    %mul3A_1147 = arith.constant -1.000000e+01 : f32
    %mul3A_1148 = vector.broadcast %mul3A_1147 : f32 to vector<16xf32>
    %mul3A_1149 = arith.mulf %mul3A_1146, %mul3A_1148 : vector<16xf32>
    %exp3A_1150 = math.exp %mul3A_1149 : vector<16xf32>
    %swap3A_1151 = arith.constant 432 : index
    %swap3A_1152 = tpu.vector_load %arg11[%swap3A_1151] {strides = array<i32>} : memref<1632xf32, #tpu.memory_space<vmem>>, vector<16xf32>,
    tpu.vector_store %arg11[%swap3A_1151], %exp3A_1150 {strides = array<i32>} : memref<1632xf32, #tpu.memory_space<vmem>>, vector<16xf32>,
    %add3A_1153 = arith.constant 2.000000e+00 : f32
    %add3A_1154 = vector.broadcast %add3A_1153 : f32 to vector<16xf32>
    %add3A_1155 = arith.addf %add3A_1132, %add3A_1154 : vector<16xf32>
    %mul3A_1156 = arith.mulf %add3A_1155, %add3A_1155 : vector<16xf32>
    %mul3A_1157 = arith.constant -1.000000e+01 : f32
    %mul3A_1158 = vector.broadcast %mul3A_1157 : f32 to vector<16xf32>
    %mul3A_1159 = arith.mulf %mul3A_1156, %mul3A_1158 : vector<16xf32>
    %exp3A_1160 = math.exp %mul3A_1159 : vector<16xf32>
    %swap3A_1161 = arith.constant 704 : index
    %swap3A_1162 = tpu.vector_load %arg11[%swap3A_1161] {strides = array<i32>} : memref<1632xf32, #tpu.memory_space<vmem>>, vector<16xf32>,
    tpu.vector_store %arg11[%swap3A_1161], %exp3A_1160 {strides = array<i32>} : memref<1632xf32, #tpu.memory_space<vmem>>, vector<16xf32>,
    %add3A_1163 = arith.constant 3.000000e+00 : f32
    %add3A_1164 = vector.broadcast %add3A_1163 : f32 to vector<16xf32>
    %add3A_1165 = arith.addf %add3A_1132, %add3A_1164 : vector<16xf32>
    %mul3A_1166 = arith.mulf %add3A_1165, %add3A_1165 : vector<16xf32>
    %mul3A_1167 = arith.constant -1.000000e+01 : f32
    %mul3A_1168 = vector.broadcast %mul3A_1167 : f32 to vector<16xf32>
    %mul3A_1169 = arith.mulf %mul3A_1166, %mul3A_1168 : vector<16xf32>
    %exp3A_1170 = math.exp %mul3A_1169 : vector<16xf32>
    %swap3A_1171 = arith.constant 976 : index
    %swap3A_1172 = tpu.vector_load %arg11[%swap3A_1171] {strides = array<i32>} : memref<1632xf32, #tpu.memory_space<vmem>>, vector<16xf32>,
    tpu.vector_store %arg11[%swap3A_1171], %exp3A_1170 {strides = array<i32>} : memref<1632xf32, #tpu.memory_space<vmem>>, vector<16xf32>,
    %add3A_1173 = arith.constant 4.000000e+00 : f32
    %add3A_1174 = vector.broadcast %add3A_1173 : f32 to vector<16xf32>
    %add3A_1175 = arith.addf %add3A_1132, %add3A_1174 : vector<16xf32>
    %mul3A_1176 = arith.mulf %add3A_1175, %add3A_1175 : vector<16xf32>
    %mul3A_1177 = arith.constant -1.000000e+01 : f32
    %mul3A_1178 = vector.broadcast %mul3A_1177 : f32 to vector<16xf32>
    %mul3A_1179 = arith.mulf %mul3A_1176, %mul3A_1178 : vector<16xf32>
    %exp3A_1180 = math.exp %mul3A_1179 : vector<16xf32>
    %swap3A_1181 = arith.constant 1248 : index
    %swap3A_1182 = tpu.vector_load %arg11[%swap3A_1181] {strides = array<i32>} : memref<1632xf32, #tpu.memory_space<vmem>>, vector<16xf32>,
    tpu.vector_store %arg11[%swap3A_1181], %exp3A_1180 {strides = array<i32>} : memref<1632xf32, #tpu.memory_space<vmem>>, vector<16xf32>,
    %add3A_1183 = arith.constant 5.000000e+00 : f32
    %add3A_1184 = vector.broadcast %add3A_1183 : f32 to vector<16xf32>
    %add3A_1185 = arith.addf %add3A_1132, %add3A_1184 : vector<16xf32>
    %mul3A_1186 = arith.mulf %add3A_1185, %add3A_1185 : vector<16xf32>
    %mul3A_1187 = arith.constant -1.000000e+01 : f32
    %mul3A_1188 = vector.broadcast %mul3A_1187 : f32 to vector<16xf32>
    %mul3A_1189 = arith.mulf %mul3A_1186, %mul3A_1188 : vector<16xf32>
    %exp3A_1190 = math.exp %mul3A_1189 : vector<16xf32>
    %swap3A_1191 = arith.constant 1520 : index
    %swap3A_1192 = tpu.vector_load %arg11[%swap3A_1191] {strides = array<i32>} : memref<1632xf32, #tpu.memory_space<vmem>>, vector<16xf32>,
    tpu.vector_store %arg11[%swap3A_1191], %exp3A_1190 {strides = array<i32>} : memref<1632xf32, #tpu.memory_space<vmem>>, vector<16xf32>,
    %add3A_1193 = arith.constant 160 : i32
    %add3A_1194 = arith.addi %mul3A_2, %add3A_1193 : i32
    %broadcast_in_dim3A_1195 = vector.broadcast %add3A_1194 : i32 to vector<16xi32>
    %add3A_1196 = arith.addi %broadcast_in_dim3A_1195, %iota3A : vector<16xi32>
    %broadcast_in_dim3A_1197 = arith.constant 0 : i32
    %broadcast_in_dim3A_1198 = vector.broadcast %broadcast_in_dim3A_1197 : i32 to vector<16xi32>
    %ge3A_1199 = arith.cmpi sge, %add3A_1196, %gather3A : vector<16xi32>
    %convert_element_type3A_1200 = arith.extui %ge3A_1199 : vector<16xi1> to vector<16xi32>
    %add3A_1201 = arith.addi %broadcast_in_dim3A_1198, %convert_element_type3A_1200 : vector<16xi32>
    %ge3A_1202 = arith.cmpi sge, %add3A_1196, %gather3A_9 : vector<16xi32>
    %convert_element_type3A_1203 = arith.extui %ge3A_1202 : vector<16xi1> to vector<16xi32>
    %add3A_1204 = arith.addi %add3A_1201, %convert_element_type3A_1203 : vector<16xi32>
    %ge3A_1205 = arith.cmpi sge, %add3A_1196, %gather3A_12 : vector<16xi32>
    %convert_element_type3A_1206 = arith.extui %ge3A_1205 : vector<16xi1> to vector<16xi32>
    %add3A_1207 = arith.addi %add3A_1204, %convert_element_type3A_1206 : vector<16xi32>
    %ge3A_1208 = arith.cmpi sge, %add3A_1196, %gather3A_15 : vector<16xi32>
    %convert_element_type3A_1209 = arith.extui %ge3A_1208 : vector<16xi1> to vector<16xi32>
    %add3A_1210 = arith.addi %add3A_1207, %convert_element_type3A_1209 : vector<16xi32>
    %ge3A_1211 = arith.cmpi sge, %add3A_1196, %gather3A_18 : vector<16xi32>
    %convert_element_type3A_1212 = arith.extui %ge3A_1211 : vector<16xi1> to vector<16xi32>
    %add3A_1213 = arith.addi %add3A_1210, %convert_element_type3A_1212 : vector<16xi32>
    %ge3A_1214 = arith.cmpi sge, %add3A_1196, %gather3A_21 : vector<16xi32>
    %convert_element_type3A_1215 = arith.extui %ge3A_1214 : vector<16xi1> to vector<16xi32>
    %add3A_1216 = arith.addi %add3A_1213, %convert_element_type3A_1215 : vector<16xi32>
    %ge3A_1217 = arith.cmpi sge, %add3A_1196, %gather3A_24 : vector<16xi32>
    %convert_element_type3A_1218 = arith.extui %ge3A_1217 : vector<16xi1> to vector<16xi32>
    %add3A_1219 = arith.addi %add3A_1216, %convert_element_type3A_1218 : vector<16xi32>
    %mul3A_1220 = arith.constant 8960 : i32
    %mul3A_1221 = vector.broadcast %mul3A_1220 : i32 to vector<16xi32>
    %mul3A_1222 = arith.muli %add3A_1219, %mul3A_1221 : vector<16xi32>
    %add3A_1223 = arith.addi %mul3A_1222, %min3A_1127 : vector<16xi32>
    %swap3A_1224 = arith.constant 160 : index
    %swap3A_1225 = tpu.vector_load %arg10[%swap3A_1224] {strides = array<i32>} : memref<272xi32, #tpu.memory_space<vmem>>, vector<16xi32>,
    tpu.vector_store %arg10[%swap3A_1224], %add3A_1223 {strides = array<i32>} : memref<272xi32, #tpu.memory_space<vmem>>, vector<16xi32>,
    %get3A_1226 = arith.constant 176 : index
    %get3A_1227 = tpu.vector_load %arg7[%get3A_1226] {strides = array<i32>} : memref<272xf32, #tpu.memory_space<vmem>>, vector<16xf32>,
    %convert_element_type3A_1228 = arith.fptosi %get3A_1227 : vector<16xf32> to vector<16xi32>
    %sub3A_1229 = arith.constant 2 : i32
    %sub3A_1230 = vector.broadcast %sub3A_1229 : i32 to vector<16xi32>
    %sub3A_1231 = arith.subi %convert_element_type3A_1228, %sub3A_1230 : vector<16xi32>
    %jit3A_1232 = arith.constant 0 : i32
    %jit3A_1233 = arith.constant 554 : i32
    %max3A_1234 = vector.broadcast %jit3A_1232 : i32 to vector<16xi32>
    %max3A_1235 = arith.maxsi %max3A_1234, %sub3A_1231 : vector<16xi32>
    %min3A_1236 = vector.broadcast %jit3A_1233 : i32 to vector<16xi32>
    %min3A_1237 = arith.minsi %min3A_1236, %max3A_1235 : vector<16xi32>
    %convert_element_type3A_1238 = arith.sitofp %min3A_1237 : vector<16xi32> to vector<16xf32>
    %sub3A_1239 = arith.constant 5.000000e-01 : f32
    %sub3A_1240 = vector.broadcast %sub3A_1239 : f32 to vector<16xf32>
    %sub3A_1241 = arith.subf %sub3A_1240, %get3A_1227 : vector<16xf32>
    %add3A_1242 = arith.addf %convert_element_type3A_1238, %sub3A_1241 : vector<16xf32>
    %add3A_1243 = arith.constant 0.000000e+00 : f32
    %add3A_1244 = vector.broadcast %add3A_1243 : f32 to vector<16xf32>
    %add3A_1245 = arith.addf %add3A_1242, %add3A_1244 : vector<16xf32>
    %mul3A_1246 = arith.mulf %add3A_1245, %add3A_1245 : vector<16xf32>
    %mul3A_1247 = arith.constant -1.000000e+01 : f32
    %mul3A_1248 = vector.broadcast %mul3A_1247 : f32 to vector<16xf32>
    %mul3A_1249 = arith.mulf %mul3A_1246, %mul3A_1248 : vector<16xf32>
    %exp3A_1250 = math.exp %mul3A_1249 : vector<16xf32>
    %swap3A_1251 = arith.constant 176 : index
    %swap3A_1252 = tpu.vector_load %arg11[%swap3A_1251] {strides = array<i32>} : memref<1632xf32, #tpu.memory_space<vmem>>, vector<16xf32>,
    tpu.vector_store %arg11[%swap3A_1251], %exp3A_1250 {strides = array<i32>} : memref<1632xf32, #tpu.memory_space<vmem>>, vector<16xf32>,
    %add3A_1253 = arith.constant 1.000000e+00 : f32
    %add3A_1254 = vector.broadcast %add3A_1253 : f32 to vector<16xf32>
    %add3A_1255 = arith.addf %add3A_1242, %add3A_1254 : vector<16xf32>
    %mul3A_1256 = arith.mulf %add3A_1255, %add3A_1255 : vector<16xf32>
    %mul3A_1257 = arith.constant -1.000000e+01 : f32
    %mul3A_1258 = vector.broadcast %mul3A_1257 : f32 to vector<16xf32>
    %mul3A_1259 = arith.mulf %mul3A_1256, %mul3A_1258 : vector<16xf32>
    %exp3A_1260 = math.exp %mul3A_1259 : vector<16xf32>
    %swap3A_1261 = arith.constant 448 : index
    %swap3A_1262 = tpu.vector_load %arg11[%swap3A_1261] {strides = array<i32>} : memref<1632xf32, #tpu.memory_space<vmem>>, vector<16xf32>,
    tpu.vector_store %arg11[%swap3A_1261], %exp3A_1260 {strides = array<i32>} : memref<1632xf32, #tpu.memory_space<vmem>>, vector<16xf32>,
    %add3A_1263 = arith.constant 2.000000e+00 : f32
    %add3A_1264 = vector.broadcast %add3A_1263 : f32 to vector<16xf32>
    %add3A_1265 = arith.addf %add3A_1242, %add3A_1264 : vector<16xf32>
    %mul3A_1266 = arith.mulf %add3A_1265, %add3A_1265 : vector<16xf32>
    %mul3A_1267 = arith.constant -1.000000e+01 : f32
    %mul3A_1268 = vector.broadcast %mul3A_1267 : f32 to vector<16xf32>
    %mul3A_1269 = arith.mulf %mul3A_1266, %mul3A_1268 : vector<16xf32>
    %exp3A_1270 = math.exp %mul3A_1269 : vector<16xf32>
    %swap3A_1271 = arith.constant 720 : index
    %swap3A_1272 = tpu.vector_load %arg11[%swap3A_1271] {strides = array<i32>} : memref<1632xf32, #tpu.memory_space<vmem>>, vector<16xf32>,
    tpu.vector_store %arg11[%swap3A_1271], %exp3A_1270 {strides = array<i32>} : memref<1632xf32, #tpu.memory_space<vmem>>, vector<16xf32>,
    %add3A_1273 = arith.constant 3.000000e+00 : f32
    %add3A_1274 = vector.broadcast %add3A_1273 : f32 to vector<16xf32>
    %add3A_1275 = arith.addf %add3A_1242, %add3A_1274 : vector<16xf32>
    %mul3A_1276 = arith.mulf %add3A_1275, %add3A_1275 : vector<16xf32>
    %mul3A_1277 = arith.constant -1.000000e+01 : f32
    %mul3A_1278 = vector.broadcast %mul3A_1277 : f32 to vector<16xf32>
    %mul3A_1279 = arith.mulf %mul3A_1276, %mul3A_1278 : vector<16xf32>
    %exp3A_1280 = math.exp %mul3A_1279 : vector<16xf32>
    %swap3A_1281 = arith.constant 992 : index
    %swap3A_1282 = tpu.vector_load %arg11[%swap3A_1281] {strides = array<i32>} : memref<1632xf32, #tpu.memory_space<vmem>>, vector<16xf32>,
    tpu.vector_store %arg11[%swap3A_1281], %exp3A_1280 {strides = array<i32>} : memref<1632xf32, #tpu.memory_space<vmem>>, vector<16xf32>,
    %add3A_1283 = arith.constant 4.000000e+00 : f32
    %add3A_1284 = vector.broadcast %add3A_1283 : f32 to vector<16xf32>
    %add3A_1285 = arith.addf %add3A_1242, %add3A_1284 : vector<16xf32>
    %mul3A_1286 = arith.mulf %add3A_1285, %add3A_1285 : vector<16xf32>
    %mul3A_1287 = arith.constant -1.000000e+01 : f32
    %mul3A_1288 = vector.broadcast %mul3A_1287 : f32 to vector<16xf32>
    %mul3A_1289 = arith.mulf %mul3A_1286, %mul3A_1288 : vector<16xf32>
    %exp3A_1290 = math.exp %mul3A_1289 : vector<16xf32>
    %swap3A_1291 = arith.constant 1264 : index
    %swap3A_1292 = tpu.vector_load %arg11[%swap3A_1291] {strides = array<i32>} : memref<1632xf32, #tpu.memory_space<vmem>>, vector<16xf32>,
    tpu.vector_store %arg11[%swap3A_1291], %exp3A_1290 {strides = array<i32>} : memref<1632xf32, #tpu.memory_space<vmem>>, vector<16xf32>,
    %add3A_1293 = arith.constant 5.000000e+00 : f32
    %add3A_1294 = vector.broadcast %add3A_1293 : f32 to vector<16xf32>
    %add3A_1295 = arith.addf %add3A_1242, %add3A_1294 : vector<16xf32>
    %mul3A_1296 = arith.mulf %add3A_1295, %add3A_1295 : vector<16xf32>
    %mul3A_1297 = arith.constant -1.000000e+01 : f32
    %mul3A_1298 = vector.broadcast %mul3A_1297 : f32 to vector<16xf32>
    %mul3A_1299 = arith.mulf %mul3A_1296, %mul3A_1298 : vector<16xf32>
    %exp3A_1300 = math.exp %mul3A_1299 : vector<16xf32>
    %swap3A_1301 = arith.constant 1536 : index
    %swap3A_1302 = tpu.vector_load %arg11[%swap3A_1301] {strides = array<i32>} : memref<1632xf32, #tpu.memory_space<vmem>>, vector<16xf32>,
    tpu.vector_store %arg11[%swap3A_1301], %exp3A_1300 {strides = array<i32>} : memref<1632xf32, #tpu.memory_space<vmem>>, vector<16xf32>,
    %add3A_1303 = arith.constant 176 : i32
    %add3A_1304 = arith.addi %mul3A_2, %add3A_1303 : i32
    %broadcast_in_dim3A_1305 = vector.broadcast %add3A_1304 : i32 to vector<16xi32>
    %add3A_1306 = arith.addi %broadcast_in_dim3A_1305, %iota3A : vector<16xi32>
    %broadcast_in_dim3A_1307 = arith.constant 0 : i32
    %broadcast_in_dim3A_1308 = vector.broadcast %broadcast_in_dim3A_1307 : i32 to vector<16xi32>
    %ge3A_1309 = arith.cmpi sge, %add3A_1306, %gather3A : vector<16xi32>
    %convert_element_type3A_1310 = arith.extui %ge3A_1309 : vector<16xi1> to vector<16xi32>
    %add3A_1311 = arith.addi %broadcast_in_dim3A_1308, %convert_element_type3A_1310 : vector<16xi32>
    %ge3A_1312 = arith.cmpi sge, %add3A_1306, %gather3A_9 : vector<16xi32>
    %convert_element_type3A_1313 = arith.extui %ge3A_1312 : vector<16xi1> to vector<16xi32>
    %add3A_1314 = arith.addi %add3A_1311, %convert_element_type3A_1313 : vector<16xi32>
    %ge3A_1315 = arith.cmpi sge, %add3A_1306, %gather3A_12 : vector<16xi32>
    %convert_element_type3A_1316 = arith.extui %ge3A_1315 : vector<16xi1> to vector<16xi32>
    %add3A_1317 = arith.addi %add3A_1314, %convert_element_type3A_1316 : vector<16xi32>
    %ge3A_1318 = arith.cmpi sge, %add3A_1306, %gather3A_15 : vector<16xi32>
    %convert_element_type3A_1319 = arith.extui %ge3A_1318 : vector<16xi1> to vector<16xi32>
    %add3A_1320 = arith.addi %add3A_1317, %convert_element_type3A_1319 : vector<16xi32>
    %ge3A_1321 = arith.cmpi sge, %add3A_1306, %gather3A_18 : vector<16xi32>
    %convert_element_type3A_1322 = arith.extui %ge3A_1321 : vector<16xi1> to vector<16xi32>
    %add3A_1323 = arith.addi %add3A_1320, %convert_element_type3A_1322 : vector<16xi32>
    %ge3A_1324 = arith.cmpi sge, %add3A_1306, %gather3A_21 : vector<16xi32>
    %convert_element_type3A_1325 = arith.extui %ge3A_1324 : vector<16xi1> to vector<16xi32>
    %add3A_1326 = arith.addi %add3A_1323, %convert_element_type3A_1325 : vector<16xi32>
    %ge3A_1327 = arith.cmpi sge, %add3A_1306, %gather3A_24 : vector<16xi32>
    %convert_element_type3A_1328 = arith.extui %ge3A_1327 : vector<16xi1> to vector<16xi32>
    %add3A_1329 = arith.addi %add3A_1326, %convert_element_type3A_1328 : vector<16xi32>
    %mul3A_1330 = arith.constant 8960 : i32
    %mul3A_1331 = vector.broadcast %mul3A_1330 : i32 to vector<16xi32>
    %mul3A_1332 = arith.muli %add3A_1329, %mul3A_1331 : vector<16xi32>
    %add3A_1333 = arith.addi %mul3A_1332, %min3A_1237 : vector<16xi32>
    %swap3A_1334 = arith.constant 176 : index
    %swap3A_1335 = tpu.vector_load %arg10[%swap3A_1334] {strides = array<i32>} : memref<272xi32, #tpu.memory_space<vmem>>, vector<16xi32>,
    tpu.vector_store %arg10[%swap3A_1334], %add3A_1333 {strides = array<i32>} : memref<272xi32, #tpu.memory_space<vmem>>, vector<16xi32>,
    %get3A_1336 = arith.constant 192 : index
    %get3A_1337 = tpu.vector_load %arg7[%get3A_1336] {strides = array<i32>} : memref<272xf32, #tpu.memory_space<vmem>>, vector<16xf32>,
    %convert_element_type3A_1338 = arith.fptosi %get3A_1337 : vector<16xf32> to vector<16xi32>
    %sub3A_1339 = arith.constant 2 : i32
    %sub3A_1340 = vector.broadcast %sub3A_1339 : i32 to vector<16xi32>
    %sub3A_1341 = arith.subi %convert_element_type3A_1338, %sub3A_1340 : vector<16xi32>
    %jit3A_1342 = arith.constant 0 : i32
    %jit3A_1343 = arith.constant 554 : i32
    %max3A_1344 = vector.broadcast %jit3A_1342 : i32 to vector<16xi32>
    %max3A_1345 = arith.maxsi %max3A_1344, %sub3A_1341 : vector<16xi32>
    %min3A_1346 = vector.broadcast %jit3A_1343 : i32 to vector<16xi32>
    %min3A_1347 = arith.minsi %min3A_1346, %max3A_1345 : vector<16xi32>
    %convert_element_type3A_1348 = arith.sitofp %min3A_1347 : vector<16xi32> to vector<16xf32>
    %sub3A_1349 = arith.constant 5.000000e-01 : f32
    %sub3A_1350 = vector.broadcast %sub3A_1349 : f32 to vector<16xf32>
    %sub3A_1351 = arith.subf %sub3A_1350, %get3A_1337 : vector<16xf32>
    %add3A_1352 = arith.addf %convert_element_type3A_1348, %sub3A_1351 : vector<16xf32>
    %add3A_1353 = arith.constant 0.000000e+00 : f32
    %add3A_1354 = vector.broadcast %add3A_1353 : f32 to vector<16xf32>
    %add3A_1355 = arith.addf %add3A_1352, %add3A_1354 : vector<16xf32>
    %mul3A_1356 = arith.mulf %add3A_1355, %add3A_1355 : vector<16xf32>
    %mul3A_1357 = arith.constant -1.000000e+01 : f32
    %mul3A_1358 = vector.broadcast %mul3A_1357 : f32 to vector<16xf32>
    %mul3A_1359 = arith.mulf %mul3A_1356, %mul3A_1358 : vector<16xf32>
    %exp3A_1360 = math.exp %mul3A_1359 : vector<16xf32>
    %swap3A_1361 = arith.constant 192 : index
    %swap3A_1362 = tpu.vector_load %arg11[%swap3A_1361] {strides = array<i32>} : memref<1632xf32, #tpu.memory_space<vmem>>, vector<16xf32>,
    tpu.vector_store %arg11[%swap3A_1361], %exp3A_1360 {strides = array<i32>} : memref<1632xf32, #tpu.memory_space<vmem>>, vector<16xf32>,
    %add3A_1363 = arith.constant 1.000000e+00 : f32
    %add3A_1364 = vector.broadcast %add3A_1363 : f32 to vector<16xf32>
    %add3A_1365 = arith.addf %add3A_1352, %add3A_1364 : vector<16xf32>
    %mul3A_1366 = arith.mulf %add3A_1365, %add3A_1365 : vector<16xf32>
    %mul3A_1367 = arith.constant -1.000000e+01 : f32
    %mul3A_1368 = vector.broadcast %mul3A_1367 : f32 to vector<16xf32>
    %mul3A_1369 = arith.mulf %mul3A_1366, %mul3A_1368 : vector<16xf32>
    %exp3A_1370 = math.exp %mul3A_1369 : vector<16xf32>
    %swap3A_1371 = arith.constant 464 : index
    %swap3A_1372 = tpu.vector_load %arg11[%swap3A_1371] {strides = array<i32>} : memref<1632xf32, #tpu.memory_space<vmem>>, vector<16xf32>,
    tpu.vector_store %arg11[%swap3A_1371], %exp3A_1370 {strides = array<i32>} : memref<1632xf32, #tpu.memory_space<vmem>>, vector<16xf32>,
    %add3A_1373 = arith.constant 2.000000e+00 : f32
    %add3A_1374 = vector.broadcast %add3A_1373 : f32 to vector<16xf32>
    %add3A_1375 = arith.addf %add3A_1352, %add3A_1374 : vector<16xf32>
    %mul3A_1376 = arith.mulf %add3A_1375, %add3A_1375 : vector<16xf32>
    %mul3A_1377 = arith.constant -1.000000e+01 : f32
    %mul3A_1378 = vector.broadcast %mul3A_1377 : f32 to vector<16xf32>
    %mul3A_1379 = arith.mulf %mul3A_1376, %mul3A_1378 : vector<16xf32>
    %exp3A_1380 = math.exp %mul3A_1379 : vector<16xf32>
    %swap3A_1381 = arith.constant 736 : index
    %swap3A_1382 = tpu.vector_load %arg11[%swap3A_1381] {strides = array<i32>} : memref<1632xf32, #tpu.memory_space<vmem>>, vector<16xf32>,
    tpu.vector_store %arg11[%swap3A_1381], %exp3A_1380 {strides = array<i32>} : memref<1632xf32, #tpu.memory_space<vmem>>, vector<16xf32>,
    %add3A_1383 = arith.constant 3.000000e+00 : f32
    %add3A_1384 = vector.broadcast %add3A_1383 : f32 to vector<16xf32>
    %add3A_1385 = arith.addf %add3A_1352, %add3A_1384 : vector<16xf32>
    %mul3A_1386 = arith.mulf %add3A_1385, %add3A_1385 : vector<16xf32>
    %mul3A_1387 = arith.constant -1.000000e+01 : f32
    %mul3A_1388 = vector.broadcast %mul3A_1387 : f32 to vector<16xf32>
    %mul3A_1389 = arith.mulf %mul3A_1386, %mul3A_1388 : vector<16xf32>
    %exp3A_1390 = math.exp %mul3A_1389 : vector<16xf32>
    %swap3A_1391 = arith.constant 1008 : index
    %swap3A_1392 = tpu.vector_load %arg11[%swap3A_1391] {strides = array<i32>} : memref<1632xf32, #tpu.memory_space<vmem>>, vector<16xf32>,
    tpu.vector_store %arg11[%swap3A_1391], %exp3A_1390 {strides = array<i32>} : memref<1632xf32, #tpu.memory_space<vmem>>, vector<16xf32>,
    %add3A_1393 = arith.constant 4.000000e+00 : f32
    %add3A_1394 = vector.broadcast %add3A_1393 : f32 to vector<16xf32>
    %add3A_1395 = arith.addf %add3A_1352, %add3A_1394 : vector<16xf32>
    %mul3A_1396 = arith.mulf %add3A_1395, %add3A_1395 : vector<16xf32>
    %mul3A_1397 = arith.constant -1.000000e+01 : f32
    %mul3A_1398 = vector.broadcast %mul3A_1397 : f32 to vector<16xf32>
    %mul3A_1399 = arith.mulf %mul3A_1396, %mul3A_1398 : vector<16xf32>
    %exp3A_1400 = math.exp %mul3A_1399 : vector<16xf32>
    %swap3A_1401 = arith.constant 1280 : index
    %swap3A_1402 = tpu.vector_load %arg11[%swap3A_1401] {strides = array<i32>} : memref<1632xf32, #tpu.memory_space<vmem>>, vector<16xf32>,
    tpu.vector_store %arg11[%swap3A_1401], %exp3A_1400 {strides = array<i32>} : memref<1632xf32, #tpu.memory_space<vmem>>, vector<16xf32>,
    %add3A_1403 = arith.constant 5.000000e+00 : f32
    %add3A_1404 = vector.broadcast %add3A_1403 : f32 to vector<16xf32>
    %add3A_1405 = arith.addf %add3A_1352, %add3A_1404 : vector<16xf32>
    %mul3A_1406 = arith.mulf %add3A_1405, %add3A_1405 : vector<16xf32>
    %mul3A_1407 = arith.constant -1.000000e+01 : f32
    %mul3A_1408 = vector.broadcast %mul3A_1407 : f32 to vector<16xf32>
    %mul3A_1409 = arith.mulf %mul3A_1406, %mul3A_1408 : vector<16xf32>
    %exp3A_1410 = math.exp %mul3A_1409 : vector<16xf32>
    %swap3A_1411 = arith.constant 1552 : index
    %swap3A_1412 = tpu.vector_load %arg11[%swap3A_1411] {strides = array<i32>} : memref<1632xf32, #tpu.memory_space<vmem>>, vector<16xf32>,
    tpu.vector_store %arg11[%swap3A_1411], %exp3A_1410 {strides = array<i32>} : memref<1632xf32, #tpu.memory_space<vmem>>, vector<16xf32>,
    %add3A_1413 = arith.constant 192 : i32
    %add3A_1414 = arith.addi %mul3A_2, %add3A_1413 : i32
    %broadcast_in_dim3A_1415 = vector.broadcast %add3A_1414 : i32 to vector<16xi32>
    %add3A_1416 = arith.addi %broadcast_in_dim3A_1415, %iota3A : vector<16xi32>
    %broadcast_in_dim3A_1417 = arith.constant 0 : i32
    %broadcast_in_dim3A_1418 = vector.broadcast %broadcast_in_dim3A_1417 : i32 to vector<16xi32>
    %ge3A_1419 = arith.cmpi sge, %add3A_1416, %gather3A : vector<16xi32>
    %convert_element_type3A_1420 = arith.extui %ge3A_1419 : vector<16xi1> to vector<16xi32>
    %add3A_1421 = arith.addi %broadcast_in_dim3A_1418, %convert_element_type3A_1420 : vector<16xi32>
    %ge3A_1422 = arith.cmpi sge, %add3A_1416, %gather3A_9 : vector<16xi32>
    %convert_element_type3A_1423 = arith.extui %ge3A_1422 : vector<16xi1> to vector<16xi32>
    %add3A_1424 = arith.addi %add3A_1421, %convert_element_type3A_1423 : vector<16xi32>
    %ge3A_1425 = arith.cmpi sge, %add3A_1416, %gather3A_12 : vector<16xi32>
    %convert_element_type3A_1426 = arith.extui %ge3A_1425 : vector<16xi1> to vector<16xi32>
    %add3A_1427 = arith.addi %add3A_1424, %convert_element_type3A_1426 : vector<16xi32>
    %ge3A_1428 = arith.cmpi sge, %add3A_1416, %gather3A_15 : vector<16xi32>
    %convert_element_type3A_1429 = arith.extui %ge3A_1428 : vector<16xi1> to vector<16xi32>
    %add3A_1430 = arith.addi %add3A_1427, %convert_element_type3A_1429 : vector<16xi32>
    %ge3A_1431 = arith.cmpi sge, %add3A_1416, %gather3A_18 : vector<16xi32>
    %convert_element_type3A_1432 = arith.extui %ge3A_1431 : vector<16xi1> to vector<16xi32>
    %add3A_1433 = arith.addi %add3A_1430, %convert_element_type3A_1432 : vector<16xi32>
    %ge3A_1434 = arith.cmpi sge, %add3A_1416, %gather3A_21 : vector<16xi32>
    %convert_element_type3A_1435 = arith.extui %ge3A_1434 : vector<16xi1> to vector<16xi32>
    %add3A_1436 = arith.addi %add3A_1433, %convert_element_type3A_1435 : vector<16xi32>
    %ge3A_1437 = arith.cmpi sge, %add3A_1416, %gather3A_24 : vector<16xi32>
    %convert_element_type3A_1438 = arith.extui %ge3A_1437 : vector<16xi1> to vector<16xi32>
    %add3A_1439 = arith.addi %add3A_1436, %convert_element_type3A_1438 : vector<16xi32>
    %mul3A_1440 = arith.constant 8960 : i32
    %mul3A_1441 = vector.broadcast %mul3A_1440 : i32 to vector<16xi32>
    %mul3A_1442 = arith.muli %add3A_1439, %mul3A_1441 : vector<16xi32>
    %add3A_1443 = arith.addi %mul3A_1442, %min3A_1347 : vector<16xi32>
    %swap3A_1444 = arith.constant 192 : index
    %swap3A_1445 = tpu.vector_load %arg10[%swap3A_1444] {strides = array<i32>} : memref<272xi32, #tpu.memory_space<vmem>>, vector<16xi32>,
    tpu.vector_store %arg10[%swap3A_1444], %add3A_1443 {strides = array<i32>} : memref<272xi32, #tpu.memory_space<vmem>>, vector<16xi32>,
    %get3A_1446 = arith.constant 208 : index
    %get3A_1447 = tpu.vector_load %arg7[%get3A_1446] {strides = array<i32>} : memref<272xf32, #tpu.memory_space<vmem>>, vector<16xf32>,
    %convert_element_type3A_1448 = arith.fptosi %get3A_1447 : vector<16xf32> to vector<16xi32>
    %sub3A_1449 = arith.constant 2 : i32
    %sub3A_1450 = vector.broadcast %sub3A_1449 : i32 to vector<16xi32>
    %sub3A_1451 = arith.subi %convert_element_type3A_1448, %sub3A_1450 : vector<16xi32>
    %jit3A_1452 = arith.constant 0 : i32
    %jit3A_1453 = arith.constant 554 : i32
    %max3A_1454 = vector.broadcast %jit3A_1452 : i32 to vector<16xi32>
    %max3A_1455 = arith.maxsi %max3A_1454, %sub3A_1451 : vector<16xi32>
    %min3A_1456 = vector.broadcast %jit3A_1453 : i32 to vector<16xi32>
    %min3A_1457 = arith.minsi %min3A_1456, %max3A_1455 : vector<16xi32>
    %convert_element_type3A_1458 = arith.sitofp %min3A_1457 : vector<16xi32> to vector<16xf32>
    %sub3A_1459 = arith.constant 5.000000e-01 : f32
    %sub3A_1460 = vector.broadcast %sub3A_1459 : f32 to vector<16xf32>
    %sub3A_1461 = arith.subf %sub3A_1460, %get3A_1447 : vector<16xf32>
    %add3A_1462 = arith.addf %convert_element_type3A_1458, %sub3A_1461 : vector<16xf32>
    %add3A_1463 = arith.constant 0.000000e+00 : f32
    %add3A_1464 = vector.broadcast %add3A_1463 : f32 to vector<16xf32>
    %add3A_1465 = arith.addf %add3A_1462, %add3A_1464 : vector<16xf32>
    %mul3A_1466 = arith.mulf %add3A_1465, %add3A_1465 : vector<16xf32>
    %mul3A_1467 = arith.constant -1.000000e+01 : f32
    %mul3A_1468 = vector.broadcast %mul3A_1467 : f32 to vector<16xf32>
    %mul3A_1469 = arith.mulf %mul3A_1466, %mul3A_1468 : vector<16xf32>
    %exp3A_1470 = math.exp %mul3A_1469 : vector<16xf32>
    %swap3A_1471 = arith.constant 208 : index
    %swap3A_1472 = tpu.vector_load %arg11[%swap3A_1471] {strides = array<i32>} : memref<1632xf32, #tpu.memory_space<vmem>>, vector<16xf32>,
    tpu.vector_store %arg11[%swap3A_1471], %exp3A_1470 {strides = array<i32>} : memref<1632xf32, #tpu.memory_space<vmem>>, vector<16xf32>,
    %add3A_1473 = arith.constant 1.000000e+00 : f32
    %add3A_1474 = vector.broadcast %add3A_1473 : f32 to vector<16xf32>
    %add3A_1475 = arith.addf %add3A_1462, %add3A_1474 : vector<16xf32>
    %mul3A_1476 = arith.mulf %add3A_1475, %add3A_1475 : vector<16xf32>
    %mul3A_1477 = arith.constant -1.000000e+01 : f32
    %mul3A_1478 = vector.broadcast %mul3A_1477 : f32 to vector<16xf32>
    %mul3A_1479 = arith.mulf %mul3A_1476, %mul3A_1478 : vector<16xf32>
    %exp3A_1480 = math.exp %mul3A_1479 : vector<16xf32>
    %swap3A_1481 = arith.constant 480 : index
    %swap3A_1482 = tpu.vector_load %arg11[%swap3A_1481] {strides = array<i32>} : memref<1632xf32, #tpu.memory_space<vmem>>, vector<16xf32>,
    tpu.vector_store %arg11[%swap3A_1481], %exp3A_1480 {strides = array<i32>} : memref<1632xf32, #tpu.memory_space<vmem>>, vector<16xf32>,
    %add3A_1483 = arith.constant 2.000000e+00 : f32
    %add3A_1484 = vector.broadcast %add3A_1483 : f32 to vector<16xf32>
    %add3A_1485 = arith.addf %add3A_1462, %add3A_1484 : vector<16xf32>
    %mul3A_1486 = arith.mulf %add3A_1485, %add3A_1485 : vector<16xf32>
    %mul3A_1487 = arith.constant -1.000000e+01 : f32
    %mul3A_1488 = vector.broadcast %mul3A_1487 : f32 to vector<16xf32>
    %mul3A_1489 = arith.mulf %mul3A_1486, %mul3A_1488 : vector<16xf32>
    %exp3A_1490 = math.exp %mul3A_1489 : vector<16xf32>
    %swap3A_1491 = arith.constant 752 : index
    %swap3A_1492 = tpu.vector_load %arg11[%swap3A_1491] {strides = array<i32>} : memref<1632xf32, #tpu.memory_space<vmem>>, vector<16xf32>,
    tpu.vector_store %arg11[%swap3A_1491], %exp3A_1490 {strides = array<i32>} : memref<1632xf32, #tpu.memory_space<vmem>>, vector<16xf32>,
    %add3A_1493 = arith.constant 3.000000e+00 : f32
    %add3A_1494 = vector.broadcast %add3A_1493 : f32 to vector<16xf32>
    %add3A_1495 = arith.addf %add3A_1462, %add3A_1494 : vector<16xf32>
    %mul3A_1496 = arith.mulf %add3A_1495, %add3A_1495 : vector<16xf32>
    %mul3A_1497 = arith.constant -1.000000e+01 : f32
    %mul3A_1498 = vector.broadcast %mul3A_1497 : f32 to vector<16xf32>
    %mul3A_1499 = arith.mulf %mul3A_1496, %mul3A_1498 : vector<16xf32>
    %exp3A_1500 = math.exp %mul3A_1499 : vector<16xf32>
    %swap3A_1501 = arith.constant 1024 : index
    %swap3A_1502 = tpu.vector_load %arg11[%swap3A_1501] {strides = array<i32>} : memref<1632xf32, #tpu.memory_space<vmem>>, vector<16xf32>,
    tpu.vector_store %arg11[%swap3A_1501], %exp3A_1500 {strides = array<i32>} : memref<1632xf32, #tpu.memory_space<vmem>>, vector<16xf32>,
    %add3A_1503 = arith.constant 4.000000e+00 : f32
    %add3A_1504 = vector.broadcast %add3A_1503 : f32 to vector<16xf32>
    %add3A_1505 = arith.addf %add3A_1462, %add3A_1504 : vector<16xf32>
    %mul3A_1506 = arith.mulf %add3A_1505, %add3A_1505 : vector<16xf32>
    %mul3A_1507 = arith.constant -1.000000e+01 : f32
    %mul3A_1508 = vector.broadcast %mul3A_1507 : f32 to vector<16xf32>
    %mul3A_1509 = arith.mulf %mul3A_1506, %mul3A_1508 : vector<16xf32>
    %exp3A_1510 = math.exp %mul3A_1509 : vector<16xf32>
    %swap3A_1511 = arith.constant 1296 : index
    %swap3A_1512 = tpu.vector_load %arg11[%swap3A_1511] {strides = array<i32>} : memref<1632xf32, #tpu.memory_space<vmem>>, vector<16xf32>,
    tpu.vector_store %arg11[%swap3A_1511], %exp3A_1510 {strides = array<i32>} : memref<1632xf32, #tpu.memory_space<vmem>>, vector<16xf32>,
    %add3A_1513 = arith.constant 5.000000e+00 : f32
    %add3A_1514 = vector.broadcast %add3A_1513 : f32 to vector<16xf32>
    %add3A_1515 = arith.addf %add3A_1462, %add3A_1514 : vector<16xf32>
    %mul3A_1516 = arith.mulf %add3A_1515, %add3A_1515 : vector<16xf32>
    %mul3A_1517 = arith.constant -1.000000e+01 : f32
    %mul3A_1518 = vector.broadcast %mul3A_1517 : f32 to vector<16xf32>
    %mul3A_1519 = arith.mulf %mul3A_1516, %mul3A_1518 : vector<16xf32>
    %exp3A_1520 = math.exp %mul3A_1519 : vector<16xf32>
    %swap3A_1521 = arith.constant 1568 : index
    %swap3A_1522 = tpu.vector_load %arg11[%swap3A_1521] {strides = array<i32>} : memref<1632xf32, #tpu.memory_space<vmem>>, vector<16xf32>,
    tpu.vector_store %arg11[%swap3A_1521], %exp3A_1520 {strides = array<i32>} : memref<1632xf32, #tpu.memory_space<vmem>>, vector<16xf32>,
    %add3A_1523 = arith.constant 208 : i32
    %add3A_1524 = arith.addi %mul3A_2, %add3A_1523 : i32
    %broadcast_in_dim3A_1525 = vector.broadcast %add3A_1524 : i32 to vector<16xi32>
    %add3A_1526 = arith.addi %broadcast_in_dim3A_1525, %iota3A : vector<16xi32>
    %broadcast_in_dim3A_1527 = arith.constant 0 : i32
    %broadcast_in_dim3A_1528 = vector.broadcast %broadcast_in_dim3A_1527 : i32 to vector<16xi32>
    %ge3A_1529 = arith.cmpi sge, %add3A_1526, %gather3A : vector<16xi32>
    %convert_element_type3A_1530 = arith.extui %ge3A_1529 : vector<16xi1> to vector<16xi32>
    %add3A_1531 = arith.addi %broadcast_in_dim3A_1528, %convert_element_type3A_1530 : vector<16xi32>
    %ge3A_1532 = arith.cmpi sge, %add3A_1526, %gather3A_9 : vector<16xi32>
    %convert_element_type3A_1533 = arith.extui %ge3A_1532 : vector<16xi1> to vector<16xi32>
    %add3A_1534 = arith.addi %add3A_1531, %convert_element_type3A_1533 : vector<16xi32>
    %ge3A_1535 = arith.cmpi sge, %add3A_1526, %gather3A_12 : vector<16xi32>
    %convert_element_type3A_1536 = arith.extui %ge3A_1535 : vector<16xi1> to vector<16xi32>
    %add3A_1537 = arith.addi %add3A_1534, %convert_element_type3A_1536 : vector<16xi32>
    %ge3A_1538 = arith.cmpi sge, %add3A_1526, %gather3A_15 : vector<16xi32>
    %convert_element_type3A_1539 = arith.extui %ge3A_1538 : vector<16xi1> to vector<16xi32>
    %add3A_1540 = arith.addi %add3A_1537, %convert_element_type3A_1539 : vector<16xi32>
    %ge3A_1541 = arith.cmpi sge, %add3A_1526, %gather3A_18 : vector<16xi32>
    %convert_element_type3A_1542 = arith.extui %ge3A_1541 : vector<16xi1> to vector<16xi32>
    %add3A_1543 = arith.addi %add3A_1540, %convert_element_type3A_1542 : vector<16xi32>
    %ge3A_1544 = arith.cmpi sge, %add3A_1526, %gather3A_21 : vector<16xi32>
    %convert_element_type3A_1545 = arith.extui %ge3A_1544 : vector<16xi1> to vector<16xi32>
    %add3A_1546 = arith.addi %add3A_1543, %convert_element_type3A_1545 : vector<16xi32>
    %ge3A_1547 = arith.cmpi sge, %add3A_1526, %gather3A_24 : vector<16xi32>
    %convert_element_type3A_1548 = arith.extui %ge3A_1547 : vector<16xi1> to vector<16xi32>
    %add3A_1549 = arith.addi %add3A_1546, %convert_element_type3A_1548 : vector<16xi32>
    %mul3A_1550 = arith.constant 8960 : i32
    %mul3A_1551 = vector.broadcast %mul3A_1550 : i32 to vector<16xi32>
    %mul3A_1552 = arith.muli %add3A_1549, %mul3A_1551 : vector<16xi32>
    %add3A_1553 = arith.addi %mul3A_1552, %min3A_1457 : vector<16xi32>
    %swap3A_1554 = arith.constant 208 : index
    %swap3A_1555 = tpu.vector_load %arg10[%swap3A_1554] {strides = array<i32>} : memref<272xi32, #tpu.memory_space<vmem>>, vector<16xi32>,
    tpu.vector_store %arg10[%swap3A_1554], %add3A_1553 {strides = array<i32>} : memref<272xi32, #tpu.memory_space<vmem>>, vector<16xi32>,
    %get3A_1556 = arith.constant 224 : index
    %get3A_1557 = tpu.vector_load %arg7[%get3A_1556] {strides = array<i32>} : memref<272xf32, #tpu.memory_space<vmem>>, vector<16xf32>,
    %convert_element_type3A_1558 = arith.fptosi %get3A_1557 : vector<16xf32> to vector<16xi32>
    %sub3A_1559 = arith.constant 2 : i32
    %sub3A_1560 = vector.broadcast %sub3A_1559 : i32 to vector<16xi32>
    %sub3A_1561 = arith.subi %convert_element_type3A_1558, %sub3A_1560 : vector<16xi32>
    %jit3A_1562 = arith.constant 0 : i32
    %jit3A_1563 = arith.constant 554 : i32
    %max3A_1564 = vector.broadcast %jit3A_1562 : i32 to vector<16xi32>
    %max3A_1565 = arith.maxsi %max3A_1564, %sub3A_1561 : vector<16xi32>
    %min3A_1566 = vector.broadcast %jit3A_1563 : i32 to vector<16xi32>
    %min3A_1567 = arith.minsi %min3A_1566, %max3A_1565 : vector<16xi32>
    %convert_element_type3A_1568 = arith.sitofp %min3A_1567 : vector<16xi32> to vector<16xf32>
    %sub3A_1569 = arith.constant 5.000000e-01 : f32
    %sub3A_1570 = vector.broadcast %sub3A_1569 : f32 to vector<16xf32>
    %sub3A_1571 = arith.subf %sub3A_1570, %get3A_1557 : vector<16xf32>
    %add3A_1572 = arith.addf %convert_element_type3A_1568, %sub3A_1571 : vector<16xf32>
    %add3A_1573 = arith.constant 0.000000e+00 : f32
    %add3A_1574 = vector.broadcast %add3A_1573 : f32 to vector<16xf32>
    %add3A_1575 = arith.addf %add3A_1572, %add3A_1574 : vector<16xf32>
    %mul3A_1576 = arith.mulf %add3A_1575, %add3A_1575 : vector<16xf32>
    %mul3A_1577 = arith.constant -1.000000e+01 : f32
    %mul3A_1578 = vector.broadcast %mul3A_1577 : f32 to vector<16xf32>
    %mul3A_1579 = arith.mulf %mul3A_1576, %mul3A_1578 : vector<16xf32>
    %exp3A_1580 = math.exp %mul3A_1579 : vector<16xf32>
    %swap3A_1581 = arith.constant 224 : index
    %swap3A_1582 = tpu.vector_load %arg11[%swap3A_1581] {strides = array<i32>} : memref<1632xf32, #tpu.memory_space<vmem>>, vector<16xf32>,
    tpu.vector_store %arg11[%swap3A_1581], %exp3A_1580 {strides = array<i32>} : memref<1632xf32, #tpu.memory_space<vmem>>, vector<16xf32>,
    %add3A_1583 = arith.constant 1.000000e+00 : f32
    %add3A_1584 = vector.broadcast %add3A_1583 : f32 to vector<16xf32>
    %add3A_1585 = arith.addf %add3A_1572, %add3A_1584 : vector<16xf32>
    %mul3A_1586 = arith.mulf %add3A_1585, %add3A_1585 : vector<16xf32>
    %mul3A_1587 = arith.constant -1.000000e+01 : f32
    %mul3A_1588 = vector.broadcast %mul3A_1587 : f32 to vector<16xf32>
    %mul3A_1589 = arith.mulf %mul3A_1586, %mul3A_1588 : vector<16xf32>
    %exp3A_1590 = math.exp %mul3A_1589 : vector<16xf32>
    %swap3A_1591 = arith.constant 496 : index
    %swap3A_1592 = tpu.vector_load %arg11[%swap3A_1591] {strides = array<i32>} : memref<1632xf32, #tpu.memory_space<vmem>>, vector<16xf32>,
    tpu.vector_store %arg11[%swap3A_1591], %exp3A_1590 {strides = array<i32>} : memref<1632xf32, #tpu.memory_space<vmem>>, vector<16xf32>,
    %add3A_1593 = arith.constant 2.000000e+00 : f32
    %add3A_1594 = vector.broadcast %add3A_1593 : f32 to vector<16xf32>
    %add3A_1595 = arith.addf %add3A_1572, %add3A_1594 : vector<16xf32>
    %mul3A_1596 = arith.mulf %add3A_1595, %add3A_1595 : vector<16xf32>
    %mul3A_1597 = arith.constant -1.000000e+01 : f32
    %mul3A_1598 = vector.broadcast %mul3A_1597 : f32 to vector<16xf32>
    %mul3A_1599 = arith.mulf %mul3A_1596, %mul3A_1598 : vector<16xf32>
    %exp3A_1600 = math.exp %mul3A_1599 : vector<16xf32>
    %swap3A_1601 = arith.constant 768 : index
    %swap3A_1602 = tpu.vector_load %arg11[%swap3A_1601] {strides = array<i32>} : memref<1632xf32, #tpu.memory_space<vmem>>, vector<16xf32>,
    tpu.vector_store %arg11[%swap3A_1601], %exp3A_1600 {strides = array<i32>} : memref<1632xf32, #tpu.memory_space<vmem>>, vector<16xf32>,
    %add3A_1603 = arith.constant 3.000000e+00 : f32
    %add3A_1604 = vector.broadcast %add3A_1603 : f32 to vector<16xf32>
    %add3A_1605 = arith.addf %add3A_1572, %add3A_1604 : vector<16xf32>
    %mul3A_1606 = arith.mulf %add3A_1605, %add3A_1605 : vector<16xf32>
    %mul3A_1607 = arith.constant -1.000000e+01 : f32
    %mul3A_1608 = vector.broadcast %mul3A_1607 : f32 to vector<16xf32>
    %mul3A_1609 = arith.mulf %mul3A_1606, %mul3A_1608 : vector<16xf32>
    %exp3A_1610 = math.exp %mul3A_1609 : vector<16xf32>
    %swap3A_1611 = arith.constant 1040 : index
    %swap3A_1612 = tpu.vector_load %arg11[%swap3A_1611] {strides = array<i32>} : memref<1632xf32, #tpu.memory_space<vmem>>, vector<16xf32>,
    tpu.vector_store %arg11[%swap3A_1611], %exp3A_1610 {strides = array<i32>} : memref<1632xf32, #tpu.memory_space<vmem>>, vector<16xf32>,
    %add3A_1613 = arith.constant 4.000000e+00 : f32
    %add3A_1614 = vector.broadcast %add3A_1613 : f32 to vector<16xf32>
    %add3A_1615 = arith.addf %add3A_1572, %add3A_1614 : vector<16xf32>
    %mul3A_1616 = arith.mulf %add3A_1615, %add3A_1615 : vector<16xf32>
    %mul3A_1617 = arith.constant -1.000000e+01 : f32
    %mul3A_1618 = vector.broadcast %mul3A_1617 : f32 to vector<16xf32>
    %mul3A_1619 = arith.mulf %mul3A_1616, %mul3A_1618 : vector<16xf32>
    %exp3A_1620 = math.exp %mul3A_1619 : vector<16xf32>
    %swap3A_1621 = arith.constant 1312 : index
    %swap3A_1622 = tpu.vector_load %arg11[%swap3A_1621] {strides = array<i32>} : memref<1632xf32, #tpu.memory_space<vmem>>, vector<16xf32>,
    tpu.vector_store %arg11[%swap3A_1621], %exp3A_1620 {strides = array<i32>} : memref<1632xf32, #tpu.memory_space<vmem>>, vector<16xf32>,
    %add3A_1623 = arith.constant 5.000000e+00 : f32
    %add3A_1624 = vector.broadcast %add3A_1623 : f32 to vector<16xf32>
    %add3A_1625 = arith.addf %add3A_1572, %add3A_1624 : vector<16xf32>
    %mul3A_1626 = arith.mulf %add3A_1625, %add3A_1625 : vector<16xf32>
    %mul3A_1627 = arith.constant -1.000000e+01 : f32
    %mul3A_1628 = vector.broadcast %mul3A_1627 : f32 to vector<16xf32>
    %mul3A_1629 = arith.mulf %mul3A_1626, %mul3A_1628 : vector<16xf32>
    %exp3A_1630 = math.exp %mul3A_1629 : vector<16xf32>
    %swap3A_1631 = arith.constant 1584 : index
    %swap3A_1632 = tpu.vector_load %arg11[%swap3A_1631] {strides = array<i32>} : memref<1632xf32, #tpu.memory_space<vmem>>, vector<16xf32>,
    tpu.vector_store %arg11[%swap3A_1631], %exp3A_1630 {strides = array<i32>} : memref<1632xf32, #tpu.memory_space<vmem>>, vector<16xf32>,
    %add3A_1633 = arith.constant 224 : i32
    %add3A_1634 = arith.addi %mul3A_2, %add3A_1633 : i32
    %broadcast_in_dim3A_1635 = vector.broadcast %add3A_1634 : i32 to vector<16xi32>
    %add3A_1636 = arith.addi %broadcast_in_dim3A_1635, %iota3A : vector<16xi32>
    %broadcast_in_dim3A_1637 = arith.constant 0 : i32
    %broadcast_in_dim3A_1638 = vector.broadcast %broadcast_in_dim3A_1637 : i32 to vector<16xi32>
    %ge3A_1639 = arith.cmpi sge, %add3A_1636, %gather3A : vector<16xi32>
    %convert_element_type3A_1640 = arith.extui %ge3A_1639 : vector<16xi1> to vector<16xi32>
    %add3A_1641 = arith.addi %broadcast_in_dim3A_1638, %convert_element_type3A_1640 : vector<16xi32>
    %ge3A_1642 = arith.cmpi sge, %add3A_1636, %gather3A_9 : vector<16xi32>
    %convert_element_type3A_1643 = arith.extui %ge3A_1642 : vector<16xi1> to vector<16xi32>
    %add3A_1644 = arith.addi %add3A_1641, %convert_element_type3A_1643 : vector<16xi32>
    %ge3A_1645 = arith.cmpi sge, %add3A_1636, %gather3A_12 : vector<16xi32>
    %convert_element_type3A_1646 = arith.extui %ge3A_1645 : vector<16xi1> to vector<16xi32>
    %add3A_1647 = arith.addi %add3A_1644, %convert_element_type3A_1646 : vector<16xi32>
    %ge3A_1648 = arith.cmpi sge, %add3A_1636, %gather3A_15 : vector<16xi32>
    %convert_element_type3A_1649 = arith.extui %ge3A_1648 : vector<16xi1> to vector<16xi32>
    %add3A_1650 = arith.addi %add3A_1647, %convert_element_type3A_1649 : vector<16xi32>
    %ge3A_1651 = arith.cmpi sge, %add3A_1636, %gather3A_18 : vector<16xi32>
    %convert_element_type3A_1652 = arith.extui %ge3A_1651 : vector<16xi1> to vector<16xi32>
    %add3A_1653 = arith.addi %add3A_1650, %convert_element_type3A_1652 : vector<16xi32>
    %ge3A_1654 = arith.cmpi sge, %add3A_1636, %gather3A_21 : vector<16xi32>
    %convert_element_type3A_1655 = arith.extui %ge3A_1654 : vector<16xi1> to vector<16xi32>
    %add3A_1656 = arith.addi %add3A_1653, %convert_element_type3A_1655 : vector<16xi32>
    %ge3A_1657 = arith.cmpi sge, %add3A_1636, %gather3A_24 : vector<16xi32>
    %convert_element_type3A_1658 = arith.extui %ge3A_1657 : vector<16xi1> to vector<16xi32>
    %add3A_1659 = arith.addi %add3A_1656, %convert_element_type3A_1658 : vector<16xi32>
    %mul3A_1660 = arith.constant 8960 : i32
    %mul3A_1661 = vector.broadcast %mul3A_1660 : i32 to vector<16xi32>
    %mul3A_1662 = arith.muli %add3A_1659, %mul3A_1661 : vector<16xi32>
    %add3A_1663 = arith.addi %mul3A_1662, %min3A_1567 : vector<16xi32>
    %swap3A_1664 = arith.constant 224 : index
    %swap3A_1665 = tpu.vector_load %arg10[%swap3A_1664] {strides = array<i32>} : memref<272xi32, #tpu.memory_space<vmem>>, vector<16xi32>,
    tpu.vector_store %arg10[%swap3A_1664], %add3A_1663 {strides = array<i32>} : memref<272xi32, #tpu.memory_space<vmem>>, vector<16xi32>,
    %get3A_1666 = arith.constant 240 : index
    %get3A_1667 = tpu.vector_load %arg7[%get3A_1666] {strides = array<i32>} : memref<272xf32, #tpu.memory_space<vmem>>, vector<16xf32>,
    %convert_element_type3A_1668 = arith.fptosi %get3A_1667 : vector<16xf32> to vector<16xi32>
    %sub3A_1669 = arith.constant 2 : i32
    %sub3A_1670 = vector.broadcast %sub3A_1669 : i32 to vector<16xi32>
    %sub3A_1671 = arith.subi %convert_element_type3A_1668, %sub3A_1670 : vector<16xi32>
    %jit3A_1672 = arith.constant 0 : i32
    %jit3A_1673 = arith.constant 554 : i32
    %max3A_1674 = vector.broadcast %jit3A_1672 : i32 to vector<16xi32>
    %max3A_1675 = arith.maxsi %max3A_1674, %sub3A_1671 : vector<16xi32>
    %min3A_1676 = vector.broadcast %jit3A_1673 : i32 to vector<16xi32>
    %min3A_1677 = arith.minsi %min3A_1676, %max3A_1675 : vector<16xi32>
    %convert_element_type3A_1678 = arith.sitofp %min3A_1677 : vector<16xi32> to vector<16xf32>
    %sub3A_1679 = arith.constant 5.000000e-01 : f32
    %sub3A_1680 = vector.broadcast %sub3A_1679 : f32 to vector<16xf32>
    %sub3A_1681 = arith.subf %sub3A_1680, %get3A_1667 : vector<16xf32>
    %add3A_1682 = arith.addf %convert_element_type3A_1678, %sub3A_1681 : vector<16xf32>
    %add3A_1683 = arith.constant 0.000000e+00 : f32
    %add3A_1684 = vector.broadcast %add3A_1683 : f32 to vector<16xf32>
    %add3A_1685 = arith.addf %add3A_1682, %add3A_1684 : vector<16xf32>
    %mul3A_1686 = arith.mulf %add3A_1685, %add3A_1685 : vector<16xf32>
    %mul3A_1687 = arith.constant -1.000000e+01 : f32
    %mul3A_1688 = vector.broadcast %mul3A_1687 : f32 to vector<16xf32>
    %mul3A_1689 = arith.mulf %mul3A_1686, %mul3A_1688 : vector<16xf32>
    %exp3A_1690 = math.exp %mul3A_1689 : vector<16xf32>
    %swap3A_1691 = arith.constant 240 : index
    %swap3A_1692 = tpu.vector_load %arg11[%swap3A_1691] {strides = array<i32>} : memref<1632xf32, #tpu.memory_space<vmem>>, vector<16xf32>,
    tpu.vector_store %arg11[%swap3A_1691], %exp3A_1690 {strides = array<i32>} : memref<1632xf32, #tpu.memory_space<vmem>>, vector<16xf32>,
    %add3A_1693 = arith.constant 1.000000e+00 : f32
    %add3A_1694 = vector.broadcast %add3A_1693 : f32 to vector<16xf32>
    %add3A_1695 = arith.addf %add3A_1682, %add3A_1694 : vector<16xf32>
    %mul3A_1696 = arith.mulf %add3A_1695, %add3A_1695 : vector<16xf32>
    %mul3A_1697 = arith.constant -1.000000e+01 : f32
    %mul3A_1698 = vector.broadcast %mul3A_1697 : f32 to vector<16xf32>
    %mul3A_1699 = arith.mulf %mul3A_1696, %mul3A_1698 : vector<16xf32>
    %exp3A_1700 = math.exp %mul3A_1699 : vector<16xf32>
    %swap3A_1701 = arith.constant 512 : index
    %swap3A_1702 = tpu.vector_load %arg11[%swap3A_1701] {strides = array<i32>} : memref<1632xf32, #tpu.memory_space<vmem>>, vector<16xf32>,
    tpu.vector_store %arg11[%swap3A_1701], %exp3A_1700 {strides = array<i32>} : memref<1632xf32, #tpu.memory_space<vmem>>, vector<16xf32>,
    %add3A_1703 = arith.constant 2.000000e+00 : f32
    %add3A_1704 = vector.broadcast %add3A_1703 : f32 to vector<16xf32>
    %add3A_1705 = arith.addf %add3A_1682, %add3A_1704 : vector<16xf32>
    %mul3A_1706 = arith.mulf %add3A_1705, %add3A_1705 : vector<16xf32>
    %mul3A_1707 = arith.constant -1.000000e+01 : f32
    %mul3A_1708 = vector.broadcast %mul3A_1707 : f32 to vector<16xf32>
    %mul3A_1709 = arith.mulf %mul3A_1706, %mul3A_1708 : vector<16xf32>
    %exp3A_1710 = math.exp %mul3A_1709 : vector<16xf32>
    %swap3A_1711 = arith.constant 784 : index
    %swap3A_1712 = tpu.vector_load %arg11[%swap3A_1711] {strides = array<i32>} : memref<1632xf32, #tpu.memory_space<vmem>>, vector<16xf32>,
    tpu.vector_store %arg11[%swap3A_1711], %exp3A_1710 {strides = array<i32>} : memref<1632xf32, #tpu.memory_space<vmem>>, vector<16xf32>,
    %add3A_1713 = arith.constant 3.000000e+00 : f32
    %add3A_1714 = vector.broadcast %add3A_1713 : f32 to vector<16xf32>
    %add3A_1715 = arith.addf %add3A_1682, %add3A_1714 : vector<16xf32>
    %mul3A_1716 = arith.mulf %add3A_1715, %add3A_1715 : vector<16xf32>
    %mul3A_1717 = arith.constant -1.000000e+01 : f32
    %mul3A_1718 = vector.broadcast %mul3A_1717 : f32 to vector<16xf32>
    %mul3A_1719 = arith.mulf %mul3A_1716, %mul3A_1718 : vector<16xf32>
    %exp3A_1720 = math.exp %mul3A_1719 : vector<16xf32>
    %swap3A_1721 = arith.constant 1056 : index
    %swap3A_1722 = tpu.vector_load %arg11[%swap3A_1721] {strides = array<i32>} : memref<1632xf32, #tpu.memory_space<vmem>>, vector<16xf32>,
    tpu.vector_store %arg11[%swap3A_1721], %exp3A_1720 {strides = array<i32>} : memref<1632xf32, #tpu.memory_space<vmem>>, vector<16xf32>,
    %add3A_1723 = arith.constant 4.000000e+00 : f32
    %add3A_1724 = vector.broadcast %add3A_1723 : f32 to vector<16xf32>
    %add3A_1725 = arith.addf %add3A_1682, %add3A_1724 : vector<16xf32>
    %mul3A_1726 = arith.mulf %add3A_1725, %add3A_1725 : vector<16xf32>
    %mul3A_1727 = arith.constant -1.000000e+01 : f32
    %mul3A_1728 = vector.broadcast %mul3A_1727 : f32 to vector<16xf32>
    %mul3A_1729 = arith.mulf %mul3A_1726, %mul3A_1728 : vector<16xf32>
    %exp3A_1730 = math.exp %mul3A_1729 : vector<16xf32>
    %swap3A_1731 = arith.constant 1328 : index
    %swap3A_1732 = tpu.vector_load %arg11[%swap3A_1731] {strides = array<i32>} : memref<1632xf32, #tpu.memory_space<vmem>>, vector<16xf32>,
    tpu.vector_store %arg11[%swap3A_1731], %exp3A_1730 {strides = array<i32>} : memref<1632xf32, #tpu.memory_space<vmem>>, vector<16xf32>,
    %add3A_1733 = arith.constant 5.000000e+00 : f32
    %add3A_1734 = vector.broadcast %add3A_1733 : f32 to vector<16xf32>
    %add3A_1735 = arith.addf %add3A_1682, %add3A_1734 : vector<16xf32>
    %mul3A_1736 = arith.mulf %add3A_1735, %add3A_1735 : vector<16xf32>
    %mul3A_1737 = arith.constant -1.000000e+01 : f32
    %mul3A_1738 = vector.broadcast %mul3A_1737 : f32 to vector<16xf32>
    %mul3A_1739 = arith.mulf %mul3A_1736, %mul3A_1738 : vector<16xf32>
    %exp3A_1740 = math.exp %mul3A_1739 : vector<16xf32>
    %swap3A_1741 = arith.constant 1600 : index
    %swap3A_1742 = tpu.vector_load %arg11[%swap3A_1741] {strides = array<i32>} : memref<1632xf32, #tpu.memory_space<vmem>>, vector<16xf32>,
    tpu.vector_store %arg11[%swap3A_1741], %exp3A_1740 {strides = array<i32>} : memref<1632xf32, #tpu.memory_space<vmem>>, vector<16xf32>,
    %add3A_1743 = arith.constant 240 : i32
    %add3A_1744 = arith.addi %mul3A_2, %add3A_1743 : i32
    %broadcast_in_dim3A_1745 = vector.broadcast %add3A_1744 : i32 to vector<16xi32>
    %add3A_1746 = arith.addi %broadcast_in_dim3A_1745, %iota3A : vector<16xi32>
    %broadcast_in_dim3A_1747 = arith.constant 0 : i32
    %broadcast_in_dim3A_1748 = vector.broadcast %broadcast_in_dim3A_1747 : i32 to vector<16xi32>
    %ge3A_1749 = arith.cmpi sge, %add3A_1746, %gather3A : vector<16xi32>
    %convert_element_type3A_1750 = arith.extui %ge3A_1749 : vector<16xi1> to vector<16xi32>
    %add3A_1751 = arith.addi %broadcast_in_dim3A_1748, %convert_element_type3A_1750 : vector<16xi32>
    %ge3A_1752 = arith.cmpi sge, %add3A_1746, %gather3A_9 : vector<16xi32>
    %convert_element_type3A_1753 = arith.extui %ge3A_1752 : vector<16xi1> to vector<16xi32>
    %add3A_1754 = arith.addi %add3A_1751, %convert_element_type3A_1753 : vector<16xi32>
    %ge3A_1755 = arith.cmpi sge, %add3A_1746, %gather3A_12 : vector<16xi32>
    %convert_element_type3A_1756 = arith.extui %ge3A_1755 : vector<16xi1> to vector<16xi32>
    %add3A_1757 = arith.addi %add3A_1754, %convert_element_type3A_1756 : vector<16xi32>
    %ge3A_1758 = arith.cmpi sge, %add3A_1746, %gather3A_15 : vector<16xi32>
    %convert_element_type3A_1759 = arith.extui %ge3A_1758 : vector<16xi1> to vector<16xi32>
    %add3A_1760 = arith.addi %add3A_1757, %convert_element_type3A_1759 : vector<16xi32>
    %ge3A_1761 = arith.cmpi sge, %add3A_1746, %gather3A_18 : vector<16xi32>
    %convert_element_type3A_1762 = arith.extui %ge3A_1761 : vector<16xi1> to vector<16xi32>
    %add3A_1763 = arith.addi %add3A_1760, %convert_element_type3A_1762 : vector<16xi32>
    %ge3A_1764 = arith.cmpi sge, %add3A_1746, %gather3A_21 : vector<16xi32>
    %convert_element_type3A_1765 = arith.extui %ge3A_1764 : vector<16xi1> to vector<16xi32>
    %add3A_1766 = arith.addi %add3A_1763, %convert_element_type3A_1765 : vector<16xi32>
    %ge3A_1767 = arith.cmpi sge, %add3A_1746, %gather3A_24 : vector<16xi32>
    %convert_element_type3A_1768 = arith.extui %ge3A_1767 : vector<16xi1> to vector<16xi32>
    %add3A_1769 = arith.addi %add3A_1766, %convert_element_type3A_1768 : vector<16xi32>
    %mul3A_1770 = arith.constant 8960 : i32
    %mul3A_1771 = vector.broadcast %mul3A_1770 : i32 to vector<16xi32>
    %mul3A_1772 = arith.muli %add3A_1769, %mul3A_1771 : vector<16xi32>
    %add3A_1773 = arith.addi %mul3A_1772, %min3A_1677 : vector<16xi32>
    %swap3A_1774 = arith.constant 240 : index
    %swap3A_1775 = tpu.vector_load %arg10[%swap3A_1774] {strides = array<i32>} : memref<272xi32, #tpu.memory_space<vmem>>, vector<16xi32>,
    tpu.vector_store %arg10[%swap3A_1774], %add3A_1773 {strides = array<i32>} : memref<272xi32, #tpu.memory_space<vmem>>, vector<16xi32>,
    %scan3A = arith.constant 0 : i32
    %scan3A_1776 = arith.constant 256 : i32
    %scan3A_1777 = arith.addi %scan3A, %scan3A_1776 : i32
    %scan3A_1778 = arith.constant 4 : i32
    scf.for %scan3A_1780 = %scan3A to %scan3A_1777 step %scan3A_1778  : i32 {
      %broadcast_in_dim3A_1781 = vector.broadcast %scan3A_1780 : i32 to vector<16xi32>
      %gather3A_1782 = tpu.vector_load_idx %arg10[%broadcast_in_dim3A_1781] : memref<272xi32, #tpu.memory_space<vmem>>[vector<16xi32>], vector<16xi32>,
      %gather3A_1783 = tpu.vector_load_idx %arg8[%broadcast_in_dim3A_1781, %iota3A] : memref<256x16xf32, #tpu.memory_space<vmem>>[vector<16xi32>, vector<16xi32>], vector<16xf32>,
      %add3A_1784 = arith.addi %gather3A_1782, %mul3A_5 : vector<16xi32>
      %add3A_1785 = arith.constant 0 : i32
      %add3A_1786 = vector.broadcast %add3A_1785 : i32 to vector<16xi32>
      %add3A_1787 = arith.addi %broadcast_in_dim3A_1781, %add3A_1786 : vector<16xi32>
      %gather3A_1788 = tpu.vector_load_idx %arg11[%add3A_1787] : memref<1632xf32, #tpu.memory_space<vmem>>[vector<16xi32>], vector<16xf32>,
      %add3A_1789 = arith.constant 0 : i32
      %add3A_1790 = vector.broadcast %add3A_1789 : i32 to vector<16xi32>
      %add3A_1791 = arith.addi %add3A_1784, %add3A_1790 : vector<16xi32>
      %mul3A_1792 = arith.mulf %gather3A_1783, %gather3A_1788 : vector<16xf32>
      tpu.vector_store_idx %arg12[%add3A_1791], %mul3A_1792 {add = true} : memref<71680xf32, #tpu.memory_space<vmem>>[vector<16xi32>], vector<16xf32>,
      %add3A_1793 = arith.constant 272 : i32
      %add3A_1794 = vector.broadcast %add3A_1793 : i32 to vector<16xi32>
      %add3A_1795 = arith.addi %broadcast_in_dim3A_1781, %add3A_1794 : vector<16xi32>
      %gather3A_1796 = tpu.vector_load_idx %arg11[%add3A_1795] : memref<1632xf32, #tpu.memory_space<vmem>>[vector<16xi32>], vector<16xf32>,
      %add3A_1797 = arith.constant 1 : i32
      %add3A_1798 = vector.broadcast %add3A_1797 : i32 to vector<16xi32>
      %add3A_1799 = arith.addi %add3A_1784, %add3A_1798 : vector<16xi32>
      %mul3A_1800 = arith.mulf %gather3A_1783, %gather3A_1796 : vector<16xf32>
      tpu.vector_store_idx %arg12[%add3A_1799], %mul3A_1800 {add = true} : memref<71680xf32, #tpu.memory_space<vmem>>[vector<16xi32>], vector<16xf32>,
      %add3A_1801 = arith.constant 544 : i32
      %add3A_1802 = vector.broadcast %add3A_1801 : i32 to vector<16xi32>
      %add3A_1803 = arith.addi %broadcast_in_dim3A_1781, %add3A_1802 : vector<16xi32>
      %gather3A_1804 = tpu.vector_load_idx %arg11[%add3A_1803] : memref<1632xf32, #tpu.memory_space<vmem>>[vector<16xi32>], vector<16xf32>,
      %add3A_1805 = arith.constant 2 : i32
      %add3A_1806 = vector.broadcast %add3A_1805 : i32 to vector<16xi32>
      %add3A_1807 = arith.addi %add3A_1784, %add3A_1806 : vector<16xi32>
      %mul3A_1808 = arith.mulf %gather3A_1783, %gather3A_1804 : vector<16xf32>
      tpu.vector_store_idx %arg12[%add3A_1807], %mul3A_1808 {add = true} : memref<71680xf32, #tpu.memory_space<vmem>>[vector<16xi32>], vector<16xf32>,
      %add3A_1809 = arith.constant 816 : i32
      %add3A_1810 = vector.broadcast %add3A_1809 : i32 to vector<16xi32>
      %add3A_1811 = arith.addi %broadcast_in_dim3A_1781, %add3A_1810 : vector<16xi32>
      %gather3A_1812 = tpu.vector_load_idx %arg11[%add3A_1811] : memref<1632xf32, #tpu.memory_space<vmem>>[vector<16xi32>], vector<16xf32>,
      %add3A_1813 = arith.constant 3 : i32
      %add3A_1814 = vector.broadcast %add3A_1813 : i32 to vector<16xi32>
      %add3A_1815 = arith.addi %add3A_1784, %add3A_1814 : vector<16xi32>
      %mul3A_1816 = arith.mulf %gather3A_1783, %gather3A_1812 : vector<16xf32>
      tpu.vector_store_idx %arg12[%add3A_1815], %mul3A_1816 {add = true} : memref<71680xf32, #tpu.memory_space<vmem>>[vector<16xi32>], vector<16xf32>,
      %add3A_1817 = arith.constant 1088 : i32
      %add3A_1818 = vector.broadcast %add3A_1817 : i32 to vector<16xi32>
      %add3A_1819 = arith.addi %broadcast_in_dim3A_1781, %add3A_1818 : vector<16xi32>
      %gather3A_1820 = tpu.vector_load_idx %arg11[%add3A_1819] : memref<1632xf32, #tpu.memory_space<vmem>>[vector<16xi32>], vector<16xf32>,
      %add3A_1821 = arith.constant 4 : i32
      %add3A_1822 = vector.broadcast %add3A_1821 : i32 to vector<16xi32>
      %add3A_1823 = arith.addi %add3A_1784, %add3A_1822 : vector<16xi32>
      %mul3A_1824 = arith.mulf %gather3A_1783, %gather3A_1820 : vector<16xf32>
      tpu.vector_store_idx %arg12[%add3A_1823], %mul3A_1824 {add = true} : memref<71680xf32, #tpu.memory_space<vmem>>[vector<16xi32>], vector<16xf32>,
      %add3A_1825 = arith.constant 1360 : i32
      %add3A_1826 = vector.broadcast %add3A_1825 : i32 to vector<16xi32>
      %add3A_1827 = arith.addi %broadcast_in_dim3A_1781, %add3A_1826 : vector<16xi32>
      %gather3A_1828 = tpu.vector_load_idx %arg11[%add3A_1827] : memref<1632xf32, #tpu.memory_space<vmem>>[vector<16xi32>], vector<16xf32>,
      %add3A_1829 = arith.constant 5 : i32
      %add3A_1830 = vector.broadcast %add3A_1829 : i32 to vector<16xi32>
      %add3A_1831 = arith.addi %add3A_1784, %add3A_1830 : vector<16xi32>
      %mul3A_1832 = arith.mulf %gather3A_1783, %gather3A_1828 : vector<16xf32>
      tpu.vector_store_idx %arg12[%add3A_1831], %mul3A_1832 {add = true} : memref<71680xf32, #tpu.memory_space<vmem>>[vector<16xi32>], vector<16xf32>,
      %scan3A_1833 = arith.constant 1 : i32
      %scan3A_1834 = arith.addi %scan3A_1780, %scan3A_1833 : i32
      %broadcast_in_dim3A_1835 = vector.broadcast %scan3A_1834 : i32 to vector<16xi32>
      %gather3A_1836 = tpu.vector_load_idx %arg10[%broadcast_in_dim3A_1835] : memref<272xi32, #tpu.memory_space<vmem>>[vector<16xi32>], vector<16xi32>,
      %gather3A_1837 = tpu.vector_load_idx %arg8[%broadcast_in_dim3A_1835, %iota3A] : memref<256x16xf32, #tpu.memory_space<vmem>>[vector<16xi32>, vector<16xi32>], vector<16xf32>,
      %add3A_1838 = arith.addi %gather3A_1836, %mul3A_5 : vector<16xi32>
      %add3A_1839 = arith.constant 0 : i32
      %add3A_1840 = vector.broadcast %add3A_1839 : i32 to vector<16xi32>
      %add3A_1841 = arith.addi %broadcast_in_dim3A_1835, %add3A_1840 : vector<16xi32>
      %gather3A_1842 = tpu.vector_load_idx %arg11[%add3A_1841] : memref<1632xf32, #tpu.memory_space<vmem>>[vector<16xi32>], vector<16xf32>,
      %add3A_1843 = arith.constant 0 : i32
      %add3A_1844 = vector.broadcast %add3A_1843 : i32 to vector<16xi32>
      %add3A_1845 = arith.addi %add3A_1838, %add3A_1844 : vector<16xi32>
      %mul3A_1846 = arith.mulf %gather3A_1837, %gather3A_1842 : vector<16xf32>
      tpu.vector_store_idx %arg12[%add3A_1845], %mul3A_1846 {add = true} : memref<71680xf32, #tpu.memory_space<vmem>>[vector<16xi32>], vector<16xf32>,
      %add3A_1847 = arith.constant 272 : i32
      %add3A_1848 = vector.broadcast %add3A_1847 : i32 to vector<16xi32>
      %add3A_1849 = arith.addi %broadcast_in_dim3A_1835, %add3A_1848 : vector<16xi32>
      %gather3A_1850 = tpu.vector_load_idx %arg11[%add3A_1849] : memref<1632xf32, #tpu.memory_space<vmem>>[vector<16xi32>], vector<16xf32>,
      %add3A_1851 = arith.constant 1 : i32
      %add3A_1852 = vector.broadcast %add3A_1851 : i32 to vector<16xi32>
      %add3A_1853 = arith.addi %add3A_1838, %add3A_1852 : vector<16xi32>
      %mul3A_1854 = arith.mulf %gather3A_1837, %gather3A_1850 : vector<16xf32>
      tpu.vector_store_idx %arg12[%add3A_1853], %mul3A_1854 {add = true} : memref<71680xf32, #tpu.memory_space<vmem>>[vector<16xi32>], vector<16xf32>,
      %add3A_1855 = arith.constant 544 : i32
      %add3A_1856 = vector.broadcast %add3A_1855 : i32 to vector<16xi32>
      %add3A_1857 = arith.addi %broadcast_in_dim3A_1835, %add3A_1856 : vector<16xi32>
      %gather3A_1858 = tpu.vector_load_idx %arg11[%add3A_1857] : memref<1632xf32, #tpu.memory_space<vmem>>[vector<16xi32>], vector<16xf32>,
      %add3A_1859 = arith.constant 2 : i32
      %add3A_1860 = vector.broadcast %add3A_1859 : i32 to vector<16xi32>
      %add3A_1861 = arith.addi %add3A_1838, %add3A_1860 : vector<16xi32>
      %mul3A_1862 = arith.mulf %gather3A_1837, %gather3A_1858 : vector<16xf32>
      tpu.vector_store_idx %arg12[%add3A_1861], %mul3A_1862 {add = true} : memref<71680xf32, #tpu.memory_space<vmem>>[vector<16xi32>], vector<16xf32>,
      %add3A_1863 = arith.constant 816 : i32
      %add3A_1864 = vector.broadcast %add3A_1863 : i32 to vector<16xi32>
      %add3A_1865 = arith.addi %broadcast_in_dim3A_1835, %add3A_1864 : vector<16xi32>
      %gather3A_1866 = tpu.vector_load_idx %arg11[%add3A_1865] : memref<1632xf32, #tpu.memory_space<vmem>>[vector<16xi32>], vector<16xf32>,
      %add3A_1867 = arith.constant 3 : i32
      %add3A_1868 = vector.broadcast %add3A_1867 : i32 to vector<16xi32>
      %add3A_1869 = arith.addi %add3A_1838, %add3A_1868 : vector<16xi32>
      %mul3A_1870 = arith.mulf %gather3A_1837, %gather3A_1866 : vector<16xf32>
      tpu.vector_store_idx %arg12[%add3A_1869], %mul3A_1870 {add = true} : memref<71680xf32, #tpu.memory_space<vmem>>[vector<16xi32>], vector<16xf32>,
      %add3A_1871 = arith.constant 1088 : i32
      %add3A_1872 = vector.broadcast %add3A_1871 : i32 to vector<16xi32>
      %add3A_1873 = arith.addi %broadcast_in_dim3A_1835, %add3A_1872 : vector<16xi32>
      %gather3A_1874 = tpu.vector_load_idx %arg11[%add3A_1873] : memref<1632xf32, #tpu.memory_space<vmem>>[vector<16xi32>], vector<16xf32>,
      %add3A_1875 = arith.constant 4 : i32
      %add3A_1876 = vector.broadcast %add3A_1875 : i32 to vector<16xi32>
      %add3A_1877 = arith.addi %add3A_1838, %add3A_1876 : vector<16xi32>
      %mul3A_1878 = arith.mulf %gather3A_1837, %gather3A_1874 : vector<16xf32>
      tpu.vector_store_idx %arg12[%add3A_1877], %mul3A_1878 {add = true} : memref<71680xf32, #tpu.memory_space<vmem>>[vector<16xi32>], vector<16xf32>,
      %add3A_1879 = arith.constant 1360 : i32
      %add3A_1880 = vector.broadcast %add3A_1879 : i32 to vector<16xi32>
      %add3A_1881 = arith.addi %broadcast_in_dim3A_1835, %add3A_1880 : vector<16xi32>
      %gather3A_1882 = tpu.vector_load_idx %arg11[%add3A_1881] : memref<1632xf32, #tpu.memory_space<vmem>>[vector<16xi32>], vector<16xf32>,
      %add3A_1883 = arith.constant 5 : i32
      %add3A_1884 = vector.broadcast %add3A_1883 : i32 to vector<16xi32>
      %add3A_1885 = arith.addi %add3A_1838, %add3A_1884 : vector<16xi32>
      %mul3A_1886 = arith.mulf %gather3A_1837, %gather3A_1882 : vector<16xf32>
      tpu.vector_store_idx %arg12[%add3A_1885], %mul3A_1886 {add = true} : memref<71680xf32, #tpu.memory_space<vmem>>[vector<16xi32>], vector<16xf32>,
      %scan3A_1887 = arith.constant 2 : i32
      %scan3A_1888 = arith.addi %scan3A_1780, %scan3A_1887 : i32
      %broadcast_in_dim3A_1889 = vector.broadcast %scan3A_1888 : i32 to vector<16xi32>
      %gather3A_1890 = tpu.vector_load_idx %arg10[%broadcast_in_dim3A_1889] : memref<272xi32, #tpu.memory_space<vmem>>[vector<16xi32>], vector<16xi32>,
      %gather3A_1891 = tpu.vector_load_idx %arg8[%broadcast_in_dim3A_1889, %iota3A] : memref<256x16xf32, #tpu.memory_space<vmem>>[vector<16xi32>, vector<16xi32>], vector<16xf32>,
      %add3A_1892 = arith.addi %gather3A_1890, %mul3A_5 : vector<16xi32>
      %add3A_1893 = arith.constant 0 : i32
      %add3A_1894 = vector.broadcast %add3A_1893 : i32 to vector<16xi32>
      %add3A_1895 = arith.addi %broadcast_in_dim3A_1889, %add3A_1894 : vector<16xi32>
      %gather3A_1896 = tpu.vector_load_idx %arg11[%add3A_1895] : memref<1632xf32, #tpu.memory_space<vmem>>[vector<16xi32>], vector<16xf32>,
      %add3A_1897 = arith.constant 0 : i32
      %add3A_1898 = vector.broadcast %add3A_1897 : i32 to vector<16xi32>
      %add3A_1899 = arith.addi %add3A_1892, %add3A_1898 : vector<16xi32>
      %mul3A_1900 = arith.mulf %gather3A_1891, %gather3A_1896 : vector<16xf32>
      tpu.vector_store_idx %arg12[%add3A_1899], %mul3A_1900 {add = true} : memref<71680xf32, #tpu.memory_space<vmem>>[vector<16xi32>], vector<16xf32>,
      %add3A_1901 = arith.constant 272 : i32
      %add3A_1902 = vector.broadcast %add3A_1901 : i32 to vector<16xi32>
      %add3A_1903 = arith.addi %broadcast_in_dim3A_1889, %add3A_1902 : vector<16xi32>
      %gather3A_1904 = tpu.vector_load_idx %arg11[%add3A_1903] : memref<1632xf32, #tpu.memory_space<vmem>>[vector<16xi32>], vector<16xf32>,
      %add3A_1905 = arith.constant 1 : i32
      %add3A_1906 = vector.broadcast %add3A_1905 : i32 to vector<16xi32>
      %add3A_1907 = arith.addi %add3A_1892, %add3A_1906 : vector<16xi32>
      %mul3A_1908 = arith.mulf %gather3A_1891, %gather3A_1904 : vector<16xf32>
      tpu.vector_store_idx %arg12[%add3A_1907], %mul3A_1908 {add = true} : memref<71680xf32, #tpu.memory_space<vmem>>[vector<16xi32>], vector<16xf32>,
      %add3A_1909 = arith.constant 544 : i32
      %add3A_1910 = vector.broadcast %add3A_1909 : i32 to vector<16xi32>
      %add3A_1911 = arith.addi %broadcast_in_dim3A_1889, %add3A_1910 : vector<16xi32>
      %gather3A_1912 = tpu.vector_load_idx %arg11[%add3A_1911] : memref<1632xf32, #tpu.memory_space<vmem>>[vector<16xi32>], vector<16xf32>,
      %add3A_1913 = arith.constant 2 : i32
      %add3A_1914 = vector.broadcast %add3A_1913 : i32 to vector<16xi32>
      %add3A_1915 = arith.addi %add3A_1892, %add3A_1914 : vector<16xi32>
      %mul3A_1916 = arith.mulf %gather3A_1891, %gather3A_1912 : vector<16xf32>
      tpu.vector_store_idx %arg12[%add3A_1915], %mul3A_1916 {add = true} : memref<71680xf32, #tpu.memory_space<vmem>>[vector<16xi32>], vector<16xf32>,
      %add3A_1917 = arith.constant 816 : i32
      %add3A_1918 = vector.broadcast %add3A_1917 : i32 to vector<16xi32>
      %add3A_1919 = arith.addi %broadcast_in_dim3A_1889, %add3A_1918 : vector<16xi32>
      %gather3A_1920 = tpu.vector_load_idx %arg11[%add3A_1919] : memref<1632xf32, #tpu.memory_space<vmem>>[vector<16xi32>], vector<16xf32>,
      %add3A_1921 = arith.constant 3 : i32
      %add3A_1922 = vector.broadcast %add3A_1921 : i32 to vector<16xi32>
      %add3A_1923 = arith.addi %add3A_1892, %add3A_1922 : vector<16xi32>
      %mul3A_1924 = arith.mulf %gather3A_1891, %gather3A_1920 : vector<16xf32>
      tpu.vector_store_idx %arg12[%add3A_1923], %mul3A_1924 {add = true} : memref<71680xf32, #tpu.memory_space<vmem>>[vector<16xi32>], vector<16xf32>,
      %add3A_1925 = arith.constant 1088 : i32
      %add3A_1926 = vector.broadcast %add3A_1925 : i32 to vector<16xi32>
      %add3A_1927 = arith.addi %broadcast_in_dim3A_1889, %add3A_1926 : vector<16xi32>
      %gather3A_1928 = tpu.vector_load_idx %arg11[%add3A_1927] : memref<1632xf32, #tpu.memory_space<vmem>>[vector<16xi32>], vector<16xf32>,
      %add3A_1929 = arith.constant 4 : i32
      %add3A_1930 = vector.broadcast %add3A_1929 : i32 to vector<16xi32>
      %add3A_1931 = arith.addi %add3A_1892, %add3A_1930 : vector<16xi32>
      %mul3A_1932 = arith.mulf %gather3A_1891, %gather3A_1928 : vector<16xf32>
      tpu.vector_store_idx %arg12[%add3A_1931], %mul3A_1932 {add = true} : memref<71680xf32, #tpu.memory_space<vmem>>[vector<16xi32>], vector<16xf32>,
      %add3A_1933 = arith.constant 1360 : i32
      %add3A_1934 = vector.broadcast %add3A_1933 : i32 to vector<16xi32>
      %add3A_1935 = arith.addi %broadcast_in_dim3A_1889, %add3A_1934 : vector<16xi32>
      %gather3A_1936 = tpu.vector_load_idx %arg11[%add3A_1935] : memref<1632xf32, #tpu.memory_space<vmem>>[vector<16xi32>], vector<16xf32>,
      %add3A_1937 = arith.constant 5 : i32
      %add3A_1938 = vector.broadcast %add3A_1937 : i32 to vector<16xi32>
      %add3A_1939 = arith.addi %add3A_1892, %add3A_1938 : vector<16xi32>
      %mul3A_1940 = arith.mulf %gather3A_1891, %gather3A_1936 : vector<16xf32>
      tpu.vector_store_idx %arg12[%add3A_1939], %mul3A_1940 {add = true} : memref<71680xf32, #tpu.memory_space<vmem>>[vector<16xi32>], vector<16xf32>,
      %scan3A_1941 = arith.constant 3 : i32
      %scan3A_1942 = arith.addi %scan3A_1780, %scan3A_1941 : i32
      %broadcast_in_dim3A_1943 = vector.broadcast %scan3A_1942 : i32 to vector<16xi32>
      %gather3A_1944 = tpu.vector_load_idx %arg10[%broadcast_in_dim3A_1943] : memref<272xi32, #tpu.memory_space<vmem>>[vector<16xi32>], vector<16xi32>,
      %gather3A_1945 = tpu.vector_load_idx %arg8[%broadcast_in_dim3A_1943, %iota3A] : memref<256x16xf32, #tpu.memory_space<vmem>>[vector<16xi32>, vector<16xi32>], vector<16xf32>,
      %add3A_1946 = arith.addi %gather3A_1944, %mul3A_5 : vector<16xi32>
      %add3A_1947 = arith.constant 0 : i32
      %add3A_1948 = vector.broadcast %add3A_1947 : i32 to vector<16xi32>
      %add3A_1949 = arith.addi %broadcast_in_dim3A_1943, %add3A_1948 : vector<16xi32>
      %gather3A_1950 = tpu.vector_load_idx %arg11[%add3A_1949] : memref<1632xf32, #tpu.memory_space<vmem>>[vector<16xi32>], vector<16xf32>,
      %add3A_1951 = arith.constant 0 : i32
      %add3A_1952 = vector.broadcast %add3A_1951 : i32 to vector<16xi32>
      %add3A_1953 = arith.addi %add3A_1946, %add3A_1952 : vector<16xi32>
      %mul3A_1954 = arith.mulf %gather3A_1945, %gather3A_1950 : vector<16xf32>
      tpu.vector_store_idx %arg12[%add3A_1953], %mul3A_1954 {add = true} : memref<71680xf32, #tpu.memory_space<vmem>>[vector<16xi32>], vector<16xf32>,
      %add3A_1955 = arith.constant 272 : i32
      %add3A_1956 = vector.broadcast %add3A_1955 : i32 to vector<16xi32>
      %add3A_1957 = arith.addi %broadcast_in_dim3A_1943, %add3A_1956 : vector<16xi32>
      %gather3A_1958 = tpu.vector_load_idx %arg11[%add3A_1957] : memref<1632xf32, #tpu.memory_space<vmem>>[vector<16xi32>], vector<16xf32>,
      %add3A_1959 = arith.constant 1 : i32
      %add3A_1960 = vector.broadcast %add3A_1959 : i32 to vector<16xi32>
      %add3A_1961 = arith.addi %add3A_1946, %add3A_1960 : vector<16xi32>
      %mul3A_1962 = arith.mulf %gather3A_1945, %gather3A_1958 : vector<16xf32>
      tpu.vector_store_idx %arg12[%add3A_1961], %mul3A_1962 {add = true} : memref<71680xf32, #tpu.memory_space<vmem>>[vector<16xi32>], vector<16xf32>,
      %add3A_1963 = arith.constant 544 : i32
      %add3A_1964 = vector.broadcast %add3A_1963 : i32 to vector<16xi32>
      %add3A_1965 = arith.addi %broadcast_in_dim3A_1943, %add3A_1964 : vector<16xi32>
      %gather3A_1966 = tpu.vector_load_idx %arg11[%add3A_1965] : memref<1632xf32, #tpu.memory_space<vmem>>[vector<16xi32>], vector<16xf32>,
      %add3A_1967 = arith.constant 2 : i32
      %add3A_1968 = vector.broadcast %add3A_1967 : i32 to vector<16xi32>
      %add3A_1969 = arith.addi %add3A_1946, %add3A_1968 : vector<16xi32>
      %mul3A_1970 = arith.mulf %gather3A_1945, %gather3A_1966 : vector<16xf32>
      tpu.vector_store_idx %arg12[%add3A_1969], %mul3A_1970 {add = true} : memref<71680xf32, #tpu.memory_space<vmem>>[vector<16xi32>], vector<16xf32>,
      %add3A_1971 = arith.constant 816 : i32
      %add3A_1972 = vector.broadcast %add3A_1971 : i32 to vector<16xi32>
      %add3A_1973 = arith.addi %broadcast_in_dim3A_1943, %add3A_1972 : vector<16xi32>
      %gather3A_1974 = tpu.vector_load_idx %arg11[%add3A_1973] : memref<1632xf32, #tpu.memory_space<vmem>>[vector<16xi32>], vector<16xf32>,
      %add3A_1975 = arith.constant 3 : i32
      %add3A_1976 = vector.broadcast %add3A_1975 : i32 to vector<16xi32>
      %add3A_1977 = arith.addi %add3A_1946, %add3A_1976 : vector<16xi32>
      %mul3A_1978 = arith.mulf %gather3A_1945, %gather3A_1974 : vector<16xf32>
      tpu.vector_store_idx %arg12[%add3A_1977], %mul3A_1978 {add = true} : memref<71680xf32, #tpu.memory_space<vmem>>[vector<16xi32>], vector<16xf32>,
      %add3A_1979 = arith.constant 1088 : i32
      %add3A_1980 = vector.broadcast %add3A_1979 : i32 to vector<16xi32>
      %add3A_1981 = arith.addi %broadcast_in_dim3A_1943, %add3A_1980 : vector<16xi32>
      %gather3A_1982 = tpu.vector_load_idx %arg11[%add3A_1981] : memref<1632xf32, #tpu.memory_space<vmem>>[vector<16xi32>], vector<16xf32>,
      %add3A_1983 = arith.constant 4 : i32
      %add3A_1984 = vector.broadcast %add3A_1983 : i32 to vector<16xi32>
      %add3A_1985 = arith.addi %add3A_1946, %add3A_1984 : vector<16xi32>
      %mul3A_1986 = arith.mulf %gather3A_1945, %gather3A_1982 : vector<16xf32>
      tpu.vector_store_idx %arg12[%add3A_1985], %mul3A_1986 {add = true} : memref<71680xf32, #tpu.memory_space<vmem>>[vector<16xi32>], vector<16xf32>,
      %add3A_1987 = arith.constant 1360 : i32
      %add3A_1988 = vector.broadcast %add3A_1987 : i32 to vector<16xi32>
      %add3A_1989 = arith.addi %broadcast_in_dim3A_1943, %add3A_1988 : vector<16xi32>
      %gather3A_1990 = tpu.vector_load_idx %arg11[%add3A_1989] : memref<1632xf32, #tpu.memory_space<vmem>>[vector<16xi32>], vector<16xf32>,
      %add3A_1991 = arith.constant 5 : i32
      %add3A_1992 = vector.broadcast %add3A_1991 : i32 to vector<16xi32>
      %add3A_1993 = arith.addi %add3A_1946, %add3A_1992 : vector<16xi32>
      %mul3A_1994 = arith.mulf %gather3A_1945, %gather3A_1990 : vector<16xf32>
      tpu.vector_store_idx %arg12[%add3A_1993], %mul3A_1994 {add = true} : memref<71680xf32, #tpu.memory_space<vmem>>[vector<16xi32>], vector<16xf32>,
    }
    %scan3A_1779 = arith.constant 256 : i32
    "tpu.region"() ({
      %run_scoped3A = tpu.sem_alloc : memref<!tpu.dma_semaphore, #tpu.memory_space<semaphore_mem>>
      %dma_start3A = arith.constant 0 : i32
      %dma_start3A_1780 = tpu.memref_slice %arg6[%add3A, %dma_start3A] : memref<32x71680xf32, #tpu.memory_space<hbm>> -> memref<1x71680xf32, #tpu.memory_space<hbm>>
      %dma_start3A_1781 = tpu.memref_squeeze %dma_start3A_1780 : memref<1x71680xf32, #tpu.memory_space<hbm>> -> memref<71680xf32, #tpu.memory_space<hbm>>
      %dma_start3A_1782 = arith.constant 0 : i32
      %dma_start3A_1783 = tpu.memref_slice %arg6[%add3A, %dma_start3A_1782] : memref<32x71680xf32, #tpu.memory_space<hbm>> -> memref<1x71680xf32, #tpu.memory_space<hbm>>
      %dma_start3A_1784 = tpu.memref_squeeze %dma_start3A_1783 : memref<1x71680xf32, #tpu.memory_space<hbm>> -> memref<71680xf32, #tpu.memory_space<hbm>>
      tpu.enqueue_dma source(%arg12 : memref<71680xf32, #tpu.memory_space<vmem>>) target(%dma_start3A_1784 : memref<71680xf32, #tpu.memory_space<hbm>>) target_semaphore(%run_scoped3A : memref<!tpu.dma_semaphore, #tpu.memory_space<semaphore_mem>>)
      %dma_wait3A = arith.constant 0 : i32
      %dma_wait3A_1785 = tpu.memref_slice %arg6[%add3A, %dma_wait3A] : memref<32x71680xf32, #tpu.memory_space<hbm>> -> memref<1x71680xf32, #tpu.memory_space<hbm>>
      %dma_wait3A_1786 = tpu.memref_squeeze %dma_wait3A_1785 : memref<1x71680xf32, #tpu.memory_space<hbm>> -> memref<71680xf32, #tpu.memory_space<hbm>>
      %dma_wait3A_1787 = arith.constant 0 : i32
      %dma_wait3A_1788 = tpu.memref_slice %arg6[%add3A, %dma_wait3A_1787] : memref<32x71680xf32, #tpu.memory_space<hbm>> -> memref<1x71680xf32, #tpu.memory_space<hbm>>
      %dma_wait3A_1789 = tpu.memref_squeeze %dma_wait3A_1788 : memref<1x71680xf32, #tpu.memory_space<hbm>> -> memref<71680xf32, #tpu.memory_space<hbm>>
      tpu.wait_dma2 semaphore(%run_scoped3A : memref<!tpu.dma_semaphore, #tpu.memory_space<semaphore_mem>>) src(%arg12 : memref<71680xf32, #tpu.memory_space<vmem>>) dst(%dma_wait3A_1789 : memref<71680xf32, #tpu.memory_space<hbm>>)
      tpu.yield
    }) : () -> ()
    return
  }
}

</mosaic_0001>

<sc_bundles>
// kernel: _sc_scatter.3.cloned.1.call-start
scs
__scs_entry_jumppad:
0x0: {  	(pc) =	sbr.rel $0x88, $3  }
0x1: {  	(tag) =	ssettag $0x0;
	lr =	simm.s32 $0x1  }
0x2: {  	[smem:$0x3F9D] =	sst lr;
	_ =	strace $0xD0000000  }
0x3: {  	_ = 	snop  }
0x4: {  	_ = 	snop  }
0x5: {  	_ = 	snop  }
0x6: {  	_ = 	snop  }
0x7: {  	_ = 	snop  }
__scs_overlays_trampoline_lowered:
0x8: {  	[smem:$0x3FAC] =	sst s0  }
0x9: {  	[smem:$0x3FAD] =	sst s1  }
0xa: {  	[smem:$0x3FAE] =	sst s2  }
0xb: {  	[smem:$0x3FAF] =	sst s3  }
0xc: {  	[smem:$0x3FB0] =	sst s4  }
0xd: {  	[smem:$0x3FB1] =	sst s5  }
0xe: {  	[smem:$0x3FB2] =	sst s6  }
0xf: {  	[smem:$0x3FB3] =	sst s7  }
0x10: {  	[smem:$0x3FB4] =	sst s8  }
0x11: {  	[smem:$0x3FB5] =	sst s9;
	s0 =	simm.s32 @!p0 $0x0  }
0x12: {  	s1 =	sld [smem:$0x3F9B];
	s0 =	simm.s32 @p0 $0x1  }
0x13: {  	[smem:$0x3FB6] =	sst s0;
	s0 =	simm.s32 @!p1 $0x0  }
0x14: {  	s2 =	sld [smem:$0x3F9A];
	s0 =	simm.s32 @p1 $0x1  }
0x15: {  	[smem:$0x3FB7] =	sst s0;
	s0 =	simm.s32 @!p2 $0x0  }
0x16: {  	s3 =	sld [smem:$0x3FDB];
	s0 =	simm.s32 @p2 $0x1  }
0x17: {  	s4 =	simm.s32 $0x1BF5;
	[smem:$0x3FB9] =	sst s0  }
0x18: {  	s0 =	sld [smem:$0x3F9C];
	_ =	swait.ge [sflag:s4], $0x0  }
0x19: {  	s7 =	sld [smem:$0x3F9D]  }
0x1a: {  	s8 =	sadd.s32 $0xFFFFE003, lr  }
0x1b: {  	s9 =	sadd.s32 $0xFFFFFEF7, lr;
	s5 =	simm.s32 $0xFFFFFFFF;
	p2 =	slt.u32 s8, $0xFFFFF086  }
0x1c: {  	p1 =	slt.u32 s9, $0xF7A;
	s5 =	simm.s32 @!p2 $0x0  }
0x1d: {  	s5 =	simm.s32 @p1 $0x1;
	p0 =	seq.s32 s7, s2  }
0x1e: {  	s7 =	smul.u32 @!p0 $0xF7A, s2;
	p2 =	seq.s32 @!p0 s5, $0x0  }
0x1f: {  	s9 =	smul.u32 $0xF7A, s1;
	s8 =	simm.s32 @!p0 $0x1BF5;
	p2 =	por !p2, p0  }
0x20: {  	[sflag:s8] =	ssyncset.s32 @!p0 $0xFFFFF086;
	s6 =	sadd.s32 @!p0 s3, s7;
	s7 =	simm.s32 @!p0 $0x108  }
0x21: {  	s3 =	sadd.s32 s3, s9;
	s6 =	sadd.s32 @!p0 $0x88, s6;
	s7 =	simm.s32 @p2 $0x1082  }
0x22: {  	[simem:s7], [sflag:s8] =	dma.local @!p0 [hbm:s6], $0xF7A  }
0x23: {  	s9 =	sor.u32 $0xD0000000, s2;
	s6 =	simm.s32 $0x108;
	_ =	swait.ge @!p0 [sflag:s8], $0x0  }
0x24: {  	s3 =	sadd.s32 $0x88, s3;
	s6 =	simm.s32 @!p1 $0x1082;
	[sflag:s4] =	ssyncset.s32 $0xFFFFF086  }
0x25: {  	[simem:s6], [sflag:s4] =	dma.local [hbm:s3], $0xF7A  }
0x26: {  	[smem:$0x3F9D] =	sst s1;
	(tag) =	ssettag s2;
	_ =	strace s9  }
0x27: {  	s1 =	sld [smem:$0x3FAD]  }
0x28: {  	s2 =	sld [smem:$0x3FAE]  }
0x29: {  	s4 =	sld [smem:$0x3FB0]  }
0x2a: {  	p0 =	seq.s32 s5, $0x0;
	s5 =	sld [smem:$0x3FB1]  }
0x2b: {  	s6 =	sld [smem:$0x3FB2]  }
0x2c: {  	s7 =	sld [smem:$0x3FB3]  }
0x2d: {  	s3 =	simm.s32 $0x108;
	s8 =	sld [smem:$0x3FB4]  }
0x2e: {  	s3 =	simm.s32 @!p0 $0x1082;
	s9 =	sld [smem:$0x3FB5]  }
0x2f: {  	lr =	sadd.s32 s0, s3;
	s0 =	sld [smem:$0x3FAC]  }
0x30: {  	s3 =	sld [smem:$0x3FAF]  }
0x31: {  	[smem:$0x3FB8] =	sst s10  }
0x32: {  	s10 =	sld [smem:$0x3FB6];
	_ =	sdelay $0x3  }
0x33: {  	p0 =	seq.s32 s10, $0x1;
	s10 =	sld [smem:$0x3FB8];
	_ =	sdelay $0x3  }
0x34: {  	[smem:$0x3FB8] =	sst s10  }
0x35: {  	s10 =	sld [smem:$0x3FB7];
	_ =	sdelay $0x3  }
0x36: {  	p1 =	seq.s32 s10, $0x1;
	s10 =	sld [smem:$0x3FB8];
	_ =	sdelay $0x3  }
0x37: {  	[smem:$0x3FB8] =	sst s10  }
0x38: {  	s10 =	sld [smem:$0x3FB9]  }
0x39: {  	_ = 	snop;
	(pc) =	sbr.ind lr, $3  }
0x3a: {  	_ = 	snop  }
0x3b: {  	_ = 	snop  }
0x3c: {  	p2 =	seq.s32 s10, $0x1;
	s10 =	sld [smem:$0x3FB8]  }
0x3d: {  	_ =	shalt  }
0x3e: {  	_ =	shalt  }
0x3f: {  	_ =	shalt  }
0x40: {  	_ =	shalt  }
0x41: {  	_ =	shalt  }
0x42: {  	_ =	shalt  }
0x43: {  	_ =	shalt  }
0x44: {  	_ =	shalt  }
0x45: {  	_ =	shalt  }
0x46: {  	_ =	shalt  }
0x47: {  	_ =	shalt  }
0x48: {  	_ =	shalt  }
0x49: {  	_ =	shalt  }
0x4a: {  	_ =	shalt  }
0x4b: {  	_ =	shalt  }
0x4c: {  	_ =	shalt  }
0x4d: {  	_ =	shalt  }
0x4e: {  	_ =	shalt  }
0x4f: {  	_ =	shalt  }
0x50: {  	_ =	shalt  }
0x51: {  	_ =	shalt  }
0x52: {  	_ =	shalt  }
0x53: {  	_ =	shalt  }
0x54: {  	_ =	shalt  }
0x55: {  	_ =	shalt  }
0x56: {  	_ =	shalt  }
0x57: {  	_ =	shalt  }
0x58: {  	_ =	shalt  }
0x59: {  	_ =	shalt  }
0x5a: {  	_ =	shalt  }
0x5b: {  	_ =	shalt  }
0x5c: {  	_ =	shalt  }
0x5d: {  	_ =	shalt  }
0x5e: {  	_ =	shalt  }
0x5f: {  	_ =	shalt  }
0x60: {  	_ =	shalt  }
0x61: {  	_ =	shalt  }
0x62: {  	_ =	shalt  }
0x63: {  	_ =	shalt  }
0x64: {  	_ =	shalt  }
0x65: {  	_ =	shalt  }
0x66: {  	_ =	shalt  }
0x67: {  	_ =	shalt  }
0x68: {  	_ =	shalt  }
0x69: {  	_ =	shalt  }
0x6a: {  	_ =	shalt  }
0x6b: {  	_ =	shalt  }
0x6c: {  	_ =	shalt  }
0x6d: {  	_ =	shalt  }
0x6e: {  	_ =	shalt  }
0x6f: {  	_ =	shalt  }
0x70: {  	_ =	shalt  }
0x71: {  	_ =	shalt  }
0x72: {  	_ =	shalt  }
0x73: {  	_ =	shalt  }
0x74: {  	_ =	shalt  }
0x75: {  	_ =	shalt  }
0x76: {  	_ =	shalt  }
0x77: {  	_ =	shalt  }
0x78: {  	_ =	shalt  }
0x79: {  	_ =	shalt  }
0x7a: {  	_ =	shalt  }
0x7b: {  	_ =	shalt  }
0x7c: {  	_ =	shalt  }
0x7d: {  	_ =	shalt  }
0x7e: {  	_ =	shalt  }
0x7f: {  	_ =	shalt  }
0x80: {  	_ =	shalt  }
0x81: {  	_ =	shalt  }
0x82: {  	_ =	shalt  }
0x83: {  	_ =	shalt  }
0x84: {  	_ =	shalt  }
0x85: {  	_ =	shalt  }
0x86: {  	_ =	shalt  }
0x87: {  	_ =	shalt  }
.Lfunc_end0:
.L_simem_size_0:
called_computation_lowered:
.L_overlay_start_0:
0x88: {  	s2 =	sld [smem:$0x3FD9]  }
0x89: {  	s3 =	sld [smem:$0x3FFE];
	_ =	sdelay $0x1  }
0x8a: {  	s1 =	srdreg.scid  }
0x8b: {  	s0 =	sand.u32 $0x1, s1  }
0x8c: {  	s17 =	sshll.u32 s0, $0xA;
	s2 =	sadd.s32 s3, s2  }
0x8d: {  	s2 =	sadd.s32 s2, s17  }
0x8e: {  	[smem:$0x3FC4] =	sst s2  }
0x8f: {  	_ = 	snop  }
0x90: {  	s2 =	sld [smem:$0x3FC9]  }
0x91: {  	s18 =	sld [smem:$0x3FC7]  }
0x92: {  	s4 =	sld [smem:$0x3FC6]  }
0x93: {  	s5 =	sld [smem:$0x3FD0];
	(tm) =	ssettm $0x1  }
0x94: {  	s6 =	sld [smem:$0x3FFB];
	_ =	sdelay $0x3  }
0x95: {  	_ =	strace s6  }
0x96: {  	s6 =	sld [smem:$0x3FFC];
	_ =	sdelay $0x3  }
0x97: {  	_ =	strace s6  }
0x98: {  	s6 =	sld [smem:$0x3FFD];
	_ =	sdelay $0x3  }
0x99: {  	_ =	strace s6  }
0x9a: {  	_ =	strace $0x8FFFFFFF  }
0x9b: {  	s19 =	sld [smem:$0x3FDB];
	_ =	sdelay $0x1  }
0x9c: {  	s7 =	simm.s32 $_scs_section_size  }
0x9d: {  	s8 =	simm.s32 $_size__tile_overlayer_lowered;
	s9 =	simm.s32 $_tile_overlayer_lowered  }
0x9e: {  	s22 =	simm.s32 $0x1BFF;
	s21 =	sshll.u32 s9, $0x1;
	s6 =	sadd.s32 s7, s19  }
0x9f: {  	s10 =	simm.s32 $0x0;
	s20 =	sshll.u32 s8, $0x1;
	s8 =	sadd.s32 s21, s6  }
0xa0: {  	[timem:s10], [sflag:s22] =	dma.local [hbm:s8], s20  }
0xa1: {  	_ =	swait.ge [sflag:s22], s20  }
0xa2: {  	s7 =	ssub.s32 $0x0, s20;
	[sflag:s22] =	ssyncset.done $0x0  }
0xa3: {  	[sflag:s22] =	ssyncadd.s32 s7;
	_ =	sdelay $0x1  }
0xa4: {  	s23 =	simm.s32 $0x1B8B  }
0xa5: {  	_ =	swait.ge [sflag:s23], $0x1  }
0xa6: {  	[sflag:s23] =	ssyncset.done $0x0  }
0xa7: {  	s25 =	simm.s32 $0x1B8E;
	s24 =	sld [smem:$0x3FFE];
	[sflag:s23] =	ssyncadd.s32 $0xFFFFFFFF  }
0xa8: {  	s26 =	simm.s32 $execute0_lowered;
	[smem:$0x3FD2] =	sst s25  }
0xa9: {  	s8 =	sshll.u32 s26, $0x1;
	_ =	strace $0x80000046;
	[dreg:$0x1] =	wrdreg $0xFFFFFFFF  }
0xaa: {  	s28 =	simm.s32 $_size_execute0_lowered;
	s6 =	sadd.s32 s6, s8;
	[dreg:$0x0] =	wrdreg $0x0  }
0xab: {  	s8 =	sshll.u32 s28, $0x1;
	[dreg:$0x2] =	wrdreg s6  }
0xac: {  	[dreg:$0x3] =	wrdreg s8  }
0xad: {  	[dreg:$0x4] =	wrdreg $0xC0  }
0xae: {  	_ =	task [dreg:s10], $0x5FFFF  }
0xaf: {  	[dreg:$0x1] =	wrdreg $0xFFFFFFFF  }
0xb0: {  	[dreg:$0x0] =	wrdreg $0x60  }
0xb1: {  	[dreg:$0x2] =	wrdreg s2  }
0xb2: {  	[dreg:$0x3] =	wrdreg s24  }
0xb3: {  	[dreg:$0x4] =	wrdreg s18  }
0xb4: {  	[dreg:$0x5] =	wrdreg s4  }
0xb5: {  	[dreg:$0x6] =	wrdreg s5  }
0xb6: {  	[dreg:$0x7] =	wrdreg $0x9  }
0xb7: {  	_ =	task.clear_ibuf [dreg:s10], $0x8FFFF;
	_ =	strace $0x90000046  }
0xb8: {  	s29 =	simm.s32 $0x9;
	_ =	strace $0x80000048  }
0xb9: {  	_ =	swait.ge [sflag:s29], $0x1  }
0xba: {  	[sflag:s29] =	ssyncadd.s32 $0xFFFFFFFF  }
0xbb: {  	_ =	strace $0x90000048  }
0xbc: {  	_ =	sfence  }
0xbd: {  	s30 =	sld [smem:$0x0];
	_ =	sdelay $0x2  }
0xbe: {  	s31 =	sshll.u32 s1, $0xD;
	s1 =	sshrl.u32 s1, $0x2  }
0xbf: {  	s3 =	sand.u32 $0x4000, s31;
	s1 =	sadd.s32 s1, s30  }
0xc0: {  	s0 =	sor.u32 s3, s0;
	s1 =	sshll.u32 s1, $0x11  }
0xc1: {  	s0 =	sor.u32 s1, s0  }
0xc2: {  	s0 =	sadd.s32 $0x8F2B, s0  }
0xc3: {  	[sflag:s0] =	ssyncadd.remote.s32 $0x1  }
0xc4: {  	_ =	sfence.sel $0xFFFF  }
0xc5: {  	[dreg:$0x0] =	wrdreg $0xFFFFFFFF;
	(pc) =	sbr.abs _section_cstart, $3  }
0xc6: {  	[dreg:$0x1] =	wrdreg $0xFFFFFFFF  }
0xc7: {  	_ =	task.clear_ibuf [dreg:s10], $0x2FFFF;
	_ =	strace $0x9FFFFFFF  }
0xc8: {  	(tm) =	ssettm $0x7FFFFFFF  }
0xc9: {  	_ =	shalt  }
tec
execute0_lowered:
.L_overlay_start_1:
0x0: {  	(tag) =	ssettag $0x1  }
0x1: {  	s5 =	rddreg [dreg:$0x0]  }
0x2: {  	s6 =	rddreg [dreg:$0x1]  }
0x3: {  	s1 =	rddreg [dreg:$0x2]  }
0x4: {  	s3 =	rddreg [dreg:$0x3]  }
0x5: {  	s7 =	rddreg [dreg:$0x4]  }
0x6: {  	s0 =	rddreg [dreg:$0x5];
	s8 =	srdreg.scid  }
0x7: {  	s2 =	stileid.u32;
	s4 =	simm.s32 $0x0;
	s8 =	sand.u32 $0x1, s8  }
0x8: {  	s9 =	sshll.u32 s2, $0x1;
	[smem:$0x7FF] =	sst s4;
	s18 =	sshrl.u32 s2, $0x2  }
0x9: {  	s9 =	sor.u32 s8, s9;
	_ =	strace $0x80000047;
	s8 =	ssub.s32 $0x2, s8  }
0xa: {  	s24 =	smul.u32 $0x8C000, s18;
	s10 =	sshll.u32 s9, $0xC;
	s20 =	sshrl.u32 s8, $0x1  }
0xb: {  	s11 =	sshll.u32 s9, $0x5;
	s21 =	sshll.u32 s9, $0x8;
	s9 =	sshll.u32 s9, $0x7  }
0xc: {  	s6 =	sadd.s32 s10, s6;
	s8 =	ssub.s32 s8, s20;
	s5 =	sadd.s32 s5, s11  }
0xd: {  	v0 =	vlaneseq.u32;
	s22 =	sor.u32 $0x10, s21;
	s12 =	sor.u32 $0x20, s21;
	s13 =	sor.u32 $0x30, s21  }
0xe: {  	s14 =	sor.u32 $0x40, s21;
	s15 =	sor.u32 $0x50, s21;
	s16 =	sor.u32 $0x60, s21;
	v1 =	vor.u32 s22, v0  }
0xf: {  	s17 =	sor.u32 $0x70, s21;
	s23 =	sor.u32 $0x80, s21;
	s25 =	sor.u32 $0x90, s21;
	[tilespmem:$0x1FF80] =	vst v1;
	v1 =	vor.u32 s21, v0  }
0x10: {  	s26 =	sor.u32 $0xA0, s21;
	s9 =	sand.u32 $0x380, s9;
	s28 =	sor.u32 $0xB0, s21;
	[tilespmem:$0x1FF90] =	vst v1;
	v1 =	vor.u32 s12, v0  }
0x11: {  	s29 =	sor.u32 $0xC0, s21;
	s30 =	sor.u32 $0xD0, s21;
	s31 =	sor.u32 $0xE0, s21;
	[tilespmem:$0x1FFA0] =	vst v1;
	v1 =	vor.u32 s13, v0  }
0x12: {  	s10 =	sor.u32 $0xF0, s21;
	s11 =	simm.s32 $0x8180;
	s9 =	sor.u32 s24, s9;
	[tilespmem:$0x1FFB0] =	vst v1;
	v1 =	vor.u32 s14, v0  }
0x13: {  	v24 =	vimm.s32 $0x0;
	s6 =	sadd.s32 $0x400, s6;
	v9 =	vor.u32 s23, v0;
	s8 =	smax.u32 s8, $0x1;
	s9 =	sshrl.u32 s9, $0x3;
	[tilespmem:$0x1FFC0] =	vst v1;
	v1 =	vor.u32 s15, v0  }
0x14: {  	v10 =	vor.u32 s25, v0;
	v16 =	vor.u32 s10, v0;
	s10 =	simm.s32 $0x180;
	s7 =	sadd.s32 s7, s9;
	s9 =	simm.s32 $0x1;
	[tilespmem:$0x1FFD0] =	vst v1;
	v1 =	vor.u32 s16, v0  }
0x15: {  	v11 =	vor.u32 s26, v0;
	v12 =	vor.u32 s28, v0;
	s12 =	simm.s32 $0x8A00;
	s13 =	simm.s32 $0x8200;
	s14 =	simm.s32 $0x8380;
	[tilespmem:$0x1FFE0] =	vst v1;
	v1 =	vor.u32 s17, v0  }
0x16: {  	v13 =	vor.u32 s29, v0;
	v14 =	vor.u32 s30, v0;
	v15 =	vor.u32 s31, v0;
	s15 =	simm.s32 $0x80;
	s16 =	simm.s32 $0x400;
	s17 =	simm.s32 $0x0;
	[tilespmem:$0x1FFF0] =	vst v1  }
.LBB2_1:
0x17: {  	[tilespmem:s4], [sflag:$0x1] =	stream.linear.gather [hbm4b:s5+s4], $0x100, $0x38;
	[tilespmem:$0x1A200] =	vst v63  }
0x18: {  	_ =	swait.ge [sflag:s9], $0x100  }
0x19: {  	[sflag:s9] =	ssyncset.done $0x0  }
0x1a: {  	[sflag:s9] =	ssyncadd.s32 $0xFFFFFF00  }
0x1b: {  	[tilespmem:s10], [sflag:$0x1] =	stream.linear.gather [hbm4b:s6+s4], $0x8000, $0x38;
	[tilespmem:$0x1A200] =	vst v63  }
0x1c: {  	_ =	swait.ge [sflag:s9], $0x8000  }
0x1d: {  	[sflag:s9] =	ssyncset.done $0x0  }
0x1e: {  	[sflag:s9] =	ssyncadd.s32 $0xFFFF8000  }
0x1f: {  	[tilespmem:s11], [sflag:$0x1] =	stream.linear.gather [hbm4b:s1+s4], $0x80, $0x38;
	[tilespmem:$0x1A200] =	vst v63  }
0x20: {  	_ =	swait.ge [sflag:s9], $0x80  }
0x21: {  	[sflag:s9] =	ssyncset.done $0x0  }
0x22: {  	[sflag:s9] =	ssyncadd.s32 $0xFFFFFF80  }
0x23: {  	[tilespmem:s12], [sflag:$0x1] =	stream.linear.gather [hbm4b:s3+s4], $0x11800, $0x38;
	[tilespmem:$0x1A200] =	vst v63  }
0x24: {  	_ =	swait.ge [sflag:s9], $0x11800  }
0x25: {  	v2 =	vimm.s32 $0x1;
	[sflag:s9] =	ssyncset.done $0x0  }
0x26: {  	[sflag:s9] =	ssyncadd.s32 $0xFFFEE800  }
0x27: {  	v17 =	vld [tilespmem:$0x0];
	_ =	sdelay $0x1  }
0x28: {  	v22 =	vld [tilespmem:$0x10]  }
0x29: {  	v28 =	vld.idx.msk [tilespmem:v2+s11+$0x0], $0xffff;
	v2 =	vimm.s32 $0x2;
	_ =	sdelay $0x1  }
0x2a: {  	v1 =	vtrunc.f32 v17  }
0x2b: {  	v1 =	vcvt.f32.s32 v1  }
0x2c: {  	v25 =	vtrunc.f32 v22  }
0x2d: {  	v26 =	vcvt.f32.s32 v25;
	v25 =	vld.idx.msk [tilespmem:v2+s11+$0x0], $0xffff;
	v2 =	vimm.s32 $0x3;
	v1 =	vadd.s32 $0xFFFFFFFE, v1  }
0x2e: {  	vm0 =	vgt.s32 v1, $0x0  }
0x2f: {  	v1 =	vnsel vm0, $0x0, v1  }
0x30: {  	v1 =	vmin.u32 v1, $0x22A  }
0x31: {  	v17 =	vsub.f32 $5.000000000e-01, v17;
	v18 =	vcvt.s32.f32 v1  }
0x32: {  	v27 =	vld.idx.msk [tilespmem:v2+s11+$0x0], $0xffff;
	v2 =	vimm.s32 $0x4  }
0x33: {  	v17 =	vadd.f32 v18, v17  }
0x34: {  	v50 =	vld [tilespmem:$0x20]  }
0x35: {  	v18 =	vmul.f32 v17, v17  }
0x36: {  	v3 =	vimm.s32 $0x6;
	v19 =	vadd.f32 $1.000000000e+00, v17  }
0x37: {  	v36 =	vadd.s32 $0xFFFFFFFE, v26;
	v26 =	vld.idx.msk [tilespmem:v2+s11+$0x0], $0xffff;
	v2 =	vimm.s32 $0x5;
	v18 =	vmul.f32 $-1.000000000e+01, v18  }
0x38: {  	v20 =	vadd.f32 $2.000000000e+00, v17;
	v19 =	vmul.f32 v19, v19  }
0x39: {  	v55 =	vtrunc.f32 v50;
	v18 =	vmul.f32 $1.442695020e+00, v18  }
0x3a: {  	v20 =	vmul.f32 v20, v20;
	v19 =	vmul.f32 $-1.000000000e+01, v19  }
0x3b: {  	v30 =	vld.idx.msk [tilespmem:v3+s11+$0x0], $0xffff;
	v23 =	vadd.f32 $4.000000000e+00, v17;
	(erf) = vpow2.f32 v18;
	v18 =	vadd.f32 $3.000000000e+00, v17  }
0x3c: {  	v3 =	vimm.s32 $0x7;
	v20 =	vmul.f32 $-1.000000000e+01, v20;
	v29 =	vld.idx.msk [tilespmem:v2+s11+$0x0], $0xffff;
	v19 =	vmul.f32 $1.442695020e+00, v19  }
0x3d: {  	v23 =	vmul.f32 v23, v23;
	v2 =	vld [tilespmem:$0x1FF90];
	v17 =	vadd.f32 $5.000000000e+00, v17;
	v18 =	vmul.f32 v18, v18  }
0x3e: {  	v38 =	vsub.f32 $5.000000000e-01, v22;
	(erf) = vpow2.f32 v19;
	v19 =	vmul.f32 $1.442695020e+00, v20  }
0x3f: {  	v61 =	vsub.f32 $5.000000000e-01, v50;
	v35 =	vmul.f32 $-1.000000000e+01, v23;
	v17 =	vmul.f32 v17, v17  }
0x40: {  	vm11 =	vgt.s32 v36, $0x0;
	v18 =	vmul.f32 $-1.000000000e+01, v18;
	(erf) = vpow2.f32 v19  }
0x41: {  	v37 =	vnsel vm11, $0x0, v36;
	v19 =	vmul.f32 $1.442695020e+00, v35;
	v17 =	vmul.f32 $-1.000000000e+01, v17  }
0x42: {  	vm12 =	vge.s32 v2, v28;
	vm1 =	vge.s32 v2, v25;
	v18 =	vmul.f32 $1.442695020e+00, v18  }
0x43: {  	vm13 =	vge.s32 v2, v27;
	vm14 =	vge.s32 v2, v26;
	vm15 =	vge.s32 v2, v29  }
0x44: {  	vm4 =	vge.s32 v2, v30;
	(erf) = vpow2.f32 v18;
	v18 =	vmin.u32 v37, $0x22A  }
0x45: {  	v39 =	vsel vm12, $0x1, v24;
	(erf) = vpow2.f32 v19;
	v19 =	vcvt.s32.f32 v18  }
0x46: {  	v40 =	vsel vm1, $0x1, v24;
	v42 =	vsel vm13, $0x1, v24;
	v44 =	vsel vm14, $0x1, v24  }
0x47: {  	v46 =	vsel vm15, $0x1, v24;
	v41 =	vadd.s32 v39, v40;
	v19 =	vadd.f32 v19, v38  }
0x48: {  	v51 =	vsel vm4, $0x1, v24;
	v17 =	vmul.f32 $1.442695020e+00, v17;
	v20 =	vadd.s32 v42, v41  }
0x49: {  	v35 =	vld [tilespmem:$0x30];
	v20 =	vadd.s32 v44, v20;
	v43 =	vadd.f32 $1.000000000e+00, v19;
	v31 =	vmul.f32 v19, v19  }
0x4a: {  	(erf) = vpow2.f32 v17;
	v33 =	vadd.f32 $2.000000000e+00, v19;
	v34 =	vadd.f32 $3.000000000e+00, v19  }
0x4b: {  	v53 =	vadd.f32 $4.000000000e+00, v19;
	v45 =	vmul.f32 v43, v43;
	v32 =	vmul.f32 $-1.000000000e+01, v31  }
0x4c: {  	v19 =	vadd.f32 $5.000000000e+00, v19;
	v31 =	vld.idx.msk [tilespmem:v3+s11+$0x0], $0xffff;
	v49 =	vmul.f32 v33, v33;
	v54 =	vmul.f32 v34, v34  }
0x4d: {  	v17 =	vadd.s32 v46, v20;
	v23 =	vmul.f32 v53, v53;
	v33 =	vcvt.f32.s32 v55  }
0x4e: {  	v46 =	vsub.f32 $5.000000000e-01, v35;
	v19 =	vmul.f32 v19, v19;
	v47 =	vmul.f32 $-1.000000000e+01, v45  }
0x4f: {  	v17 =	vadd.s32 v51, v17;
	v48 =	vmul.f32 $1.442695020e+00, v32;
	v52 =	vmul.f32 $-1.000000000e+01, v49  }
0x50: {  	v23 =	vmul.f32 $-1.000000000e+01, v23;
	v58 =	vadd.s32 $0xFFFFFFFE, v33;
	v20 =	vmul.f32 $1.442695020e+00, v47  }
0x51: {  	v19 =	vmul.f32 $-1.000000000e+01, v19;
	(erf) = vpow2.f32 v48;
	vm5 =	vge.s32 v2, v31;
	v2 =	vld [tilespmem:$0x1FF80]  }
0x52: {  	vm6 =	vgt.s32 v58, $0x0;
	(erf) = vpow2.f32 v20;
	v20 =	vmul.f32 $-1.000000000e+01, v54  }
0x53: {  	v22 =	vmul.f32 $1.442695020e+00, v52;
	v57 =	vmul.f32 $1.442695020e+00, v23;
	v56 =	vsel vm5, $0x1, v24  }
0x54: {  	v19 =	vmul.f32 $1.442695020e+00, v19;
	v17 =	vadd.s32 v56, v17;
	v20 =	vmul.f32 $1.442695020e+00, v20  }
0x55: {  	(erf) = vpow2.f32 v22;
	v59 =	vmul.u32 $0x2300, v17;
	v17 =	vnsel vm6, $0x0, v58  }
0x56: {  	v17 =	vmin.u32 v17, $0x22A;
	(erf) = vpow2.f32 v20;
	vm7 =	vge.s32 v2, v28  }
0x57: {  	vm8 =	vge.s32 v2, v25;
	v60 =	vcvt.s32.f32 v17;
	vm9 =	vge.s32 v2, v27  }
0x58: {  	vm10 =	vge.s32 v2, v26;
	vm11 =	vge.s32 v2, v29;
	vm12 =	vge.s32 v2, v30  }
0x59: {  	vm13 =	vge.s32 v2, v31;
	v3 =	vadd.s32 v59, v1;
	(erf) = vpow2.f32 v57  }
0x5a: {  	v62 =	vsel vm7, $0x1, v24;
	v63 =	vsel vm8, $0x1, v24;
	v4 =	vsel vm9, $0x1, v24  }
0x5b: {  	v2 =	vld [tilespmem:$0x1FFA0];
	v5 =	vsel vm10, $0x1, v24;
	v7 =	vsel vm11, $0x1, v24;
	v22 =	vadd.f32 v60, v61  }
0x5c: {  	v38 =	vsel vm12, $0x1, v24;
	v40 =	vsel vm13, $0x1, v24;
	v32 =	vadd.s32 v62, v63  }
0x5d: {  	(erf) = vpow2.f32 v19;
	v19 =	vadd.s32 v4, v32;
	v36 =	vadd.f32 $1.000000000e+00, v22  }
0x5e: {  	v6 =	vmul.f32 v22, v22;
	v39 =	vadd.f32 $2.000000000e+00, v22;
	v41 =	vadd.f32 $3.000000000e+00, v22  }
0x5f: {  	v19 =	vadd.s32 v5, v19;
	v44 =	vadd.f32 $4.000000000e+00, v22;
	v22 =	vadd.f32 $5.000000000e+00, v22  }
0x60: {  	v19 =	vadd.s32 v7, v19;
	vm15 =	vge.s32 v2, v28;
	vm4 =	vge.s32 v2, v25  }
0x61: {  	vm5 =	vge.s32 v2, v27;
	vm6 =	vge.s32 v2, v26;
	vm7 =	vge.s32 v2, v29  }
0x62: {  	vm8 =	vge.s32 v2, v30;
	vm9 =	vge.s32 v2, v31;
	v37 =	vmul.f32 $-1.000000000e+01, v6  }
0x63: {  	v33 =	vmul.f32 v36, v36;
	v19 =	vadd.s32 v38, v19;
	v34 =	vmul.f32 v39, v39  }
0x64: {  	v36 =	vtrunc.f32 v35;
	v1 =	vmul.f32 v44, v44;
	v47 =	vsel vm15, $0x1, v24  }
0x65: {  	v48 =	vsel vm4, $0x1, v24;
	v50 =	vsel vm5, $0x1, v24;
	v52 =	vsel vm6, $0x1, v24  }
0x66: {  	v61 =	vld [tilespmem:$0x40];
	v56 =	vsel vm7, $0x1, v24;
	v45 =	vcvt.f32.s32 v36;
	v23 =	vmul.f32 $1.442695020e+00, v37  }
0x67: {  	v19 =	vadd.s32 v40, v19;
	v33 =	vmul.f32 $-1.000000000e+01, v33;
	v43 =	vmul.f32 $-1.000000000e+01, v34  }
0x68: {  	v4 =	vpop (erf);
	v19 =	vmul.u32 $0x2300, v19;
	(erf) = vpow2.f32 v23;
	v23 =	vmul.f32 v41, v41  }
0x69: {  	v63 =	vsel vm8, $0x1, v24;
	v6 =	vpop (erf);
	v1 =	vmul.f32 $-1.000000000e+01, v1;
	v42 =	vmul.f32 $1.442695020e+00, v33  }
0x6a: {  	v21 =	vpop (erf);
	v5 =	vadd.s32 v19, v18;
	v19 =	vmul.f32 $1.442695020e+00, v43;
	v18 =	vmul.f32 $-1.000000000e+01, v23  }
0x6b: {  	v20 =	vadd.s32 $0xFFFFFFFE, v45;
	v7 =	vpop (erf);
	v1 =	vmul.f32 $1.442695020e+00, v1;
	v41 =	vtrunc.f32 v61  }
0x6c: {  	vm14 =	vgt.s32 v20, $0x0;
	v8 =	vpop (erf);
	(erf) = vpow2.f32 v42;
	v18 =	vmul.f32 $1.442695020e+00, v18  }
0x6d: {  	v33 =	vcvt.f32.s32 v41;
	v55 =	vpop (erf);
	(erf) = vpow2.f32 v19;
	v19 =	vnsel vm14, $0x0, v20  }
0x6e: {  	v62 =	vpop (erf);
	v19 =	vmin.u32 v19, $0x22A;
	(erf) = vpow2.f32 v18;
	v18 =	vmul.f32 v22, v22  }
0x6f: {  	v49 =	vadd.s32 v47, v48;
	v37 =	vpop (erf);
	(erf) = vpow2.f32 v1;
	v1 =	vcvt.s32.f32 v19  }
0x70: {  	v47 =	vsub.f32 $5.000000000e-01, v61;
	v20 =	vadd.s32 v50, v49;
	v44 =	vadd.s32 $0xFFFFFFFE, v33;
	v2 =	vpop (erf)  }
0x71: {  	vm10 =	vgt.s32 v44, $0x0;
	[tilespmem:$0x1FE10] =	vst v2;
	v2 =	vpop (erf);
	v18 =	vmul.f32 $-1.000000000e+01, v18;
	v1 =	vadd.f32 v1, v46  }
0x72: {  	v42 =	vsel vm9, $0x1, v24;
	v20 =	vadd.s32 v52, v20;
	v45 =	vnsel vm10, $0x0, v44;
	[tilespmem:$0x1FE20] =	vst v2;
	v2 =	vpop (erf)  }
0x73: {  	[tilespmem:$0x1FE30] =	vst v2;
	v2 =	vld [tilespmem:$0x1FFB0];
	v18 =	vmul.f32 $1.442695020e+00, v18;
	v51 =	vadd.f32 $1.000000000e+00, v1;
	v57 =	vadd.f32 $2.000000000e+00, v1  }
0x74: {  	v53 =	vmul.f32 v1, v1;
	v36 =	vadd.f32 $3.000000000e+00, v1;
	v39 =	vadd.f32 $4.000000000e+00, v1  }
0x75: {  	v1 =	vadd.f32 $5.000000000e+00, v1;
	(erf) = vpow2.f32 v18;
	v54 =	vmul.f32 v51, v51  }
0x76: {  	v18 =	vadd.s32 v56, v20;
	v32 =	vmul.f32 $-1.000000000e+01, v53;
	v60 =	vmul.f32 v57, v57  }
0x77: {  	v18 =	vadd.s32 v63, v18;
	v40 =	vmul.f32 v36, v36;
	v23 =	vmul.f32 v39, v39  }
0x78: {  	v1 =	vmul.f32 v1, v1;
	vm11 =	vge.s32 v2, v28;
	vm12 =	vge.s32 v2, v25  }
0x79: {  	vm13 =	vge.s32 v2, v27;
	vm14 =	vge.s32 v2, v26;
	vm15 =	vge.s32 v2, v29  }
0x7a: {  	vm4 =	vge.s32 v2, v30;
	vm5 =	vge.s32 v2, v31;
	v18 =	vadd.s32 v42, v18  }
0x7b: {  	v48 =	vsel vm11, $0x1, v24;
	v49 =	vsel vm12, $0x1, v24;
	v58 =	vmul.f32 $-1.000000000e+01, v54  }
0x7c: {  	v51 =	vsel vm13, $0x1, v24;
	v59 =	vmul.f32 $1.442695020e+00, v32;
	v38 =	vmul.f32 $-1.000000000e+01, v60  }
0x7d: {  	v53 =	vsel vm14, $0x1, v24;
	v1 =	vmul.f32 $-1.000000000e+01, v1;
	v20 =	vmul.f32 $1.442695020e+00, v58  }
0x7e: {  	[tilespmem:$0x1FDE0] =	vst v55;
	v55 =	vsel vm15, $0x1, v24;
	(erf) = vpow2.f32 v59;
	v22 =	vmul.f32 $1.442695020e+00, v38  }
0x7f: {  	v32 =	vadd.s32 v48, v49;
	(erf) = vpow2.f32 v20;
	v20 =	vmul.f32 $-1.000000000e+01, v40  }
0x80: {  	v61 =	vsel vm5, $0x1, v24;
	v52 =	vadd.s32 v51, v32;
	v46 =	vmul.f32 $1.442695020e+00, v1  }
0x81: {  	v60 =	vld [tilespmem:$0x50];
	(erf) = vpow2.f32 v22;
	v22 =	vadd.s32 v53, v52;
	v20 =	vmul.f32 $1.442695020e+00, v20  }
0x82: {  	v1 =	vmin.u32 v45, $0x22A;
	v58 =	vsel vm4, $0x1, v24;
	v22 =	vadd.s32 v55, v22  }
0x83: {  	v50 =	vpop (erf);
	v22 =	vadd.s32 v58, v22;
	(erf) = vpow2.f32 v20;
	v20 =	vcvt.s32.f32 v1  }
0x84: {  	v2 =	vpop (erf);
	v23 =	vmul.f32 $-1.000000000e+01, v23;
	v18 =	vmul.u32 $0x2300, v18;
	v22 =	vadd.s32 v61, v22  }
0x85: {  	[tilespmem:$0x1FE50] =	vst v2;
	v2 =	vpop (erf);
	v22 =	vmul.u32 $0x2300, v22;
	v20 =	vadd.f32 v20, v47  }
0x86: {  	[tilespmem:$0x1FE60] =	vst v2;
	v43 =	vmul.f32 $1.442695020e+00, v23;
	v2 =	vadd.s32 v18, v17;
	v42 =	vtrunc.f32 v60  }
0x87: {  	[tilespmem:$0x1FEB0] =	vst v2;
	v18 =	vcvt.f32.s32 v42;
	v2 =	vadd.s32 v22, v19;
	v54 =	vmul.f32 v20, v20  }
0x88: {  	(erf) = vpow2.f32 v43;
	v56 =	vadd.f32 $1.000000000e+00, v20;
	v59 =	vadd.f32 $2.000000000e+00, v20  }
0x89: {  	[tilespmem:$0x1FDF0] =	vst v62;
	(erf) = vpow2.f32 v46;
	v41 =	vadd.f32 $4.000000000e+00, v20;
	v57 =	vmul.f32 $-1.000000000e+01, v54  }
0x8a: {  	[tilespmem:$0x1FF20] =	vst v2;
	v33 =	vmul.f32 v56, v56;
	v34 =	vmul.f32 v59, v59;
	v2 =	vpop (erf)  }
0x8b: {  	v44 =	vsub.f32 $5.000000000e-01, v60;
	v17 =	vmul.f32 v41, v41;
	v59 =	vld [tilespmem:$0x60];
	[tilespmem:$0x1FE70] =	vst v2;
	v2 =	vpop (erf);
	v23 =	vmul.f32 $1.442695020e+00, v57  }
0x8c: {  	v62 =	vadd.f32 $3.000000000e+00, v20;
	v33 =	vmul.f32 $-1.000000000e+01, v33;
	v40 =	vmul.f32 $-1.000000000e+01, v34;
	[tilespmem:$0x1FE80] =	vst v2;
	v2 =	vpop (erf)  }
0x8d: {  	v18 =	vadd.s32 $0xFFFFFFFE, v18;
	v17 =	vmul.f32 $-1.000000000e+01, v17;
	[tilespmem:$0x1FE90] =	vst v2;
	v2 =	vld [tilespmem:$0x1FFC0];
	(erf) = vpow2.f32 v23  }
0x8e: {  	vm6 =	vgt.s32 v18, $0x0;
	v63 =	vmul.f32 $1.442695020e+00, v33;
	v23 =	vmul.f32 v62, v62  }
0x8f: {  	v18 =	vnsel vm6, $0x0, v18;
	v43 =	vmul.f32 $1.442695020e+00, v40;
	v17 =	vmul.f32 $1.442695020e+00, v17  }
0x90: {  	v18 =	vmin.u32 v18, $0x22A;
	v39 =	vtrunc.f32 v59;
	v19 =	vmul.f32 $-1.000000000e+01, v23  }
0x91: {  	v20 =	vadd.f32 $5.000000000e+00, v20;
	(erf) = vpow2.f32 v63;
	v33 =	vcvt.f32.s32 v39  }
0x92: {  	(erf) = vpow2.f32 v43;
	v19 =	vmul.f32 $1.442695020e+00, v19;
	vm7 =	vge.s32 v2, v28  }
0x93: {  	vm8 =	vge.s32 v2, v25;
	vm9 =	vge.s32 v2, v27;
	vm10 =	vge.s32 v2, v26  }
0x94: {  	vm11 =	vge.s32 v2, v29;
	vm12 =	vge.s32 v2, v30;
	vm13 =	vge.s32 v2, v31  }
0x95: {  	v42 =	vadd.s32 $0xFFFFFFFE, v33;
	v45 =	vsel vm7, $0x1, v24;
	v46 =	vsel vm8, $0x1, v24  }
0x96: {  	[tilespmem:$0x1FE40] =	vst v50;
	v53 =	vpop (erf);
	v48 =	vsel vm9, $0x1, v24;
	v50 =	vsel vm10, $0x1, v24;
	v54 =	vsel vm11, $0x1, v24  }
0x97: {  	v60 =	vpop (erf);
	v61 =	vsel vm12, $0x1, v24;
	(erf) = vpow2.f32 v19;
	v19 =	vmul.f32 v20, v20  }
0x98: {  	v63 =	vpop (erf);
	v40 =	vsel vm13, $0x1, v24;
	(erf) = vpow2.f32 v17;
	v17 =	vcvt.s32.f32 v18  }
0x99: {  	v2 =	vpop (erf);
	vm14 =	vgt.s32 v42, $0x0;
	v47 =	vadd.s32 v45, v46;
	v19 =	vmul.f32 $-1.000000000e+01, v19  }
0x9a: {  	[tilespmem:$0x1FEE0] =	vst v2;
	v2 =	vpop (erf);
	v43 =	vnsel vm14, $0x0, v42;
	v20 =	vadd.s32 v48, v47;
	v17 =	vadd.f32 v17, v44  }
0x9b: {  	v45 =	vsub.f32 $5.000000000e-01, v59;
	[tilespmem:$0x1FEF0] =	vst v2;
	v2 =	vpop (erf);
	v20 =	vadd.s32 v50, v20;
	v19 =	vmul.f32 $1.442695020e+00, v19  }
0x9c: {  	[tilespmem:$0x1FF00] =	vst v2;
	v2 =	vld [tilespmem:$0x1FFD0];
	v49 =	vadd.f32 $1.000000000e+00, v17;
	v51 =	vmul.f32 v17, v17;
	v55 =	vadd.f32 $2.000000000e+00, v17  }
0x9d: {  	[tilespmem:$0x1FE00] =	vst v37;
	v62 =	vadd.f32 $3.000000000e+00, v17;
	v37 =	vadd.f32 $4.000000000e+00, v17;
	(erf) = vpow2.f32 v19  }
0x9e: {  	v17 =	vadd.f32 $5.000000000e+00, v17;
	v52 =	vmul.f32 v49, v49;
	v32 =	vmul.f32 $-1.000000000e+01, v51  }
0x9f: {  	v19 =	vadd.s32 v54, v20;
	v58 =	vmul.f32 v55, v55;
	v38 =	vmul.f32 v62, v62  }
0xa0: {  	v19 =	vadd.s32 v61, v19;
	v23 =	vmul.f32 v37, v37;
	v17 =	vmul.f32 v17, v17  }
0xa1: {  	vm15 =	vge.s32 v2, v28;
	vm4 =	vge.s32 v2, v25;
	v56 =	vmul.f32 $-1.000000000e+01, v52  }
0xa2: {  	vm5 =	vge.s32 v2, v27;
	vm6 =	vge.s32 v2, v26;
	v57 =	vmul.f32 $1.442695020e+00, v32  }
0xa3: {  	vm7 =	vge.s32 v2, v29;
	vm8 =	vge.s32 v2, v30;
	v20 =	vmul.f32 $1.442695020e+00, v56  }
0xa4: {  	vm9 =	vge.s32 v2, v31;
	v36 =	vmul.f32 $-1.000000000e+01, v58;
	(erf) = vpow2.f32 v57  }
0xa5: {  	v19 =	vadd.s32 v40, v19;
	(erf) = vpow2.f32 v20;
	v20 =	vmul.f32 $-1.000000000e+01, v38  }
0xa6: {  	v46 =	vsel vm15, $0x1, v24;
	v47 =	vsel vm4, $0x1, v24;
	v22 =	vmul.f32 $1.442695020e+00, v36  }
0xa7: {  	v49 =	vsel vm5, $0x1, v24;
	v23 =	vmul.f32 $-1.000000000e+01, v23;
	v20 =	vmul.f32 $1.442695020e+00, v20  }
0xa8: {  	v50 =	vsel vm6, $0x1, v24;
	v17 =	vmul.f32 $-1.000000000e+01, v17;
	(erf) = vpow2.f32 v22  }
0xa9: {  	v41 =	vmul.f32 $1.442695020e+00, v23;
	(erf) = vpow2.f32 v20;
	v20 =	vmin.u32 v43, $0x22A  }
0xaa: {  	v55 =	vsel vm8, $0x1, v24;
	v17 =	vmul.f32 $1.442695020e+00, v17;
	v57 =	vld [tilespmem:$0x70];
	v44 =	vcvt.s32.f32 v20  }
0xab: {  	v19 =	vmul.u32 $0x2300, v19;
	v32 =	vadd.s32 v46, v47;
	(erf) = vpow2.f32 v41  }
0xac: {  	v48 =	vpop (erf);
	(erf) = vpow2.f32 v17;
	v17 =	vadd.s32 v49, v32;
	v22 =	vadd.f32 v44, v45  }
0xad: {  	v52 =	vsel vm7, $0x1, v24;
	v58 =	vsel vm9, $0x1, v24;
	v17 =	vadd.s32 v50, v17  }
0xae: {  	[tilespmem:$0x1FEA0] =	vst v53;
	v1 =	vadd.s32 v19, v1;
	v17 =	vadd.s32 v52, v17;
	v51 =	vmul.f32 v22, v22  }
0xaf: {  	[tilespmem:$0x1FED0] =	vst v63;
	v63 =	vtrunc.f32 v57;
	v53 =	vadd.f32 $1.000000000e+00, v22;
	v17 =	vadd.s32 v55, v17  }
0xb0: {  	v56 =	vadd.f32 $2.000000000e+00, v22;
	v17 =	vadd.s32 v58, v17;
	v54 =	vmul.f32 $-1.000000000e+01, v51  }
0xb1: {  	v2 =	vpop (erf);
	v19 =	vcvt.f32.s32 v63;
	v33 =	vmul.f32 v53, v53;
	v17 =	vmul.u32 $0x2300, v17  }
0xb2: {  	[tilespmem:$0x1FF30] =	vst v2;
	v2 =	vpop (erf);
	v45 =	vld [tilespmem:$0x80];
	v34 =	vmul.f32 v56, v56;
	v23 =	vmul.f32 $1.442695020e+00, v54  }
0xb3: {  	[tilespmem:$0x1FF40] =	vst v2;
	v59 =	vadd.f32 $3.000000000e+00, v22;
	v33 =	vmul.f32 $-1.000000000e+01, v33;
	v2 =	vadd.s32 v17, v18  }
0xb4: {  	[tilespmem:$0x1FEC0] =	vst v60;
	v63 =	vpop (erf);
	v62 =	vadd.f32 $4.000000000e+00, v22;
	v61 =	vmul.f32 $-1.000000000e+01, v34;
	(erf) = vpow2.f32 v23  }
0xb5: {  	[tilespmem:$0x1FF60] =	vst v1;
	v60 =	vmul.f32 $1.442695020e+00, v33;
	v23 =	vmul.f32 v59, v59;
	v33 =	vadd.s32 $0xFFFFFFFE, v19;
	v19 =	vpop (erf)  }
0xb6: {  	vm2 =	vge.s32 v11, v27;
	v22 =	vadd.f32 $5.000000000e+00, v22;
	v1 =	vmul.f32 v62, v62;
	[tilespmem:$0x1FF70] =	vst v2;
	v2 =	vpop (erf)  }
0xb7: {  	v62 =	vsub.f32 $5.000000000e-01, v45;
	v18 =	vmul.f32 $1.442695020e+00, v61;
	v17 =	vmul.f32 $-1.000000000e+01, v23;
	[tilespmem:$0x1FF50] =	vst v2;
	v2 =	vld [tilespmem:$0x1FFE0]  }
0xb8: {  	v1 =	vmul.f32 $-1.000000000e+01, v1;
	vm10 =	vgt.s32 v33, $0x0;
	(erf) = vpow2.f32 v60  }
0xb9: {  	(erf) = vpow2.f32 v18;
	v18 =	vnsel vm10, $0x0, v33;
	v17 =	vmul.f32 $1.442695020e+00, v17  }
0xba: {  	v54 =	vtrunc.f32 v45;
	v1 =	vmul.f32 $1.442695020e+00, v1;
	v38 =	vmin.u32 v18, $0x22A  }
0xbb: {  	v18 =	vsub.f32 $5.000000000e-01, v57;
	(erf) = vpow2.f32 v17;
	v17 =	vmul.f32 v22, v22  }
0xbc: {  	(erf) = vpow2.f32 v1;
	v1 =	vcvt.s32.f32 v38;
	vm11 =	vge.s32 v2, v28  }
0xbd: {  	vm12 =	vge.s32 v2, v25;
	vm13 =	vge.s32 v2, v27;
	vm14 =	vge.s32 v2, v26  }
0xbe: {  	vm15 =	vge.s32 v2, v29;
	vm4 =	vge.s32 v2, v30;
	vm5 =	vge.s32 v2, v31  }
0xbf: {  	v17 =	vmul.f32 $-1.000000000e+01, v17;
	v34 =	vsel vm11, $0x1, v24;
	v35 =	vsel vm12, $0x1, v24  }
0xc0: {  	v36 =	vsel vm13, $0x1, v24;
	v39 =	vsel vm14, $0x1, v24;
	v41 =	vsel vm15, $0x1, v24  }
0xc1: {  	v2 =	vld [tilespmem:$0x1FFF0];
	v46 =	vsel vm4, $0x1, v24;
	v55 =	vsel vm5, $0x1, v24;
	vm15 =	vge.s32 v9, v28  }
0xc2: {  	vm4 =	vge.s32 v9, v25;
	vm5 =	vge.s32 v9, v27;
	v1 =	vadd.f32 v1, v18  }
0xc3: {  	v18 =	vmul.f32 $1.442695020e+00, v17;
	v17 =	vadd.s32 v34, v35;
	v35 =	vcvt.f32.s32 v54  }
0xc4: {  	v37 =	vadd.f32 $1.000000000e+00, v1;
	v17 =	vadd.s32 v36, v17;
	v40 =	vmul.f32 v1, v1  }
0xc5: {  	v42 =	vadd.f32 $2.000000000e+00, v1;
	v49 =	vadd.f32 $4.000000000e+00, v1;
	v22 =	vadd.s32 v39, v17  }
0xc6: {  	v35 =	vadd.s32 $0xFFFFFFFE, v35;
	vm7 =	vge.s32 v2, v28;
	vm8 =	vge.s32 v2, v25  }
0xc7: {  	vm9 =	vge.s32 v2, v27;
	vm10 =	vge.s32 v2, v26;
	vm11 =	vge.s32 v2, v29  }
0xc8: {  	vm12 =	vge.s32 v2, v30;
	vm13 =	vge.s32 v2, v31;
	v23 =	vmul.f32 v37, v37  }
0xc9: {  	v32 =	vmul.f32 $-1.000000000e+01, v40;
	v44 =	vmul.f32 v42, v42;
	v37 =	vadd.f32 $3.000000000e+00, v1  }
0xca: {  	v52 =	vmul.f32 v49, v49;
	v1 =	vadd.f32 $5.000000000e+00, v1;
	vm6 =	vgt.s32 v35, $0x0  }
0xcb: {  	v45 =	vsel vm9, $0x1, v24;
	vm9 =	vge.s32 v9, v31;
	v17 =	vpop (erf);
	(erf) = vpow2.f32 v18  }
0xcc: {  	v18 =	vadd.s32 v41, v22;
	v41 =	vsel vm8, $0x1, v24;
	v43 =	vmul.f32 $-1.000000000e+01, v23  }
0xcd: {  	[tilespmem:$0x1FF10] =	vst v48;
	vm8 =	vge.s32 v9, v30;
	v32 =	vmul.f32 $1.442695020e+00, v32;
	v48 =	vmul.f32 $-1.000000000e+01, v44  }
0xce: {  	v18 =	vadd.s32 v46, v18;
	v50 =	vmul.f32 v37, v37;
	v39 =	vmul.f32 $-1.000000000e+01, v52  }
0xcf: {  	v40 =	vmul.f32 v1, v1;
	v44 =	vsel vm7, $0x1, v24;
	v47 =	vmul.f32 $1.442695020e+00, v43  }
0xd0: {  	vm7 =	vge.s32 v9, v29;
	v23 =	vpop (erf);
	(erf) = vpow2.f32 v32;
	v51 =	vmul.f32 $1.442695020e+00, v48  }
0xd1: {  	v18 =	vadd.s32 v55, v18;
	v53 =	vmul.f32 $-1.000000000e+01, v50;
	v57 =	vmul.f32 $1.442695020e+00, v39  }
0xd2: {  	v58 =	vmul.f32 $-1.000000000e+01, v40;
	v59 =	vmul.u32 $0x2300, v18;
	v18 =	vnsel vm6, $0x0, v35  }
0xd3: {  	v40 =	vadd.s32 v44, v41;
	v48 =	vsel vm11, $0x1, v24;
	v44 =	vsel vm13, $0x1, v24  }
0xd4: {  	vm6 =	vge.s32 v9, v26;
	vm11 =	vge.s32 v10, v28;
	vm13 =	vge.s32 v10, v27  }
0xd5: {  	v22 =	vpop (erf);
	v18 =	vmin.u32 v18, $0x22A;
	v46 =	vadd.s32 v45, v40;
	(erf) = vpow2.f32 v47  }
0xd6: {  	v43 =	vld [tilespmem:$0x90];
	v56 =	vmul.f32 $1.442695020e+00, v53;
	v60 =	vmul.f32 $1.442695020e+00, v58;
	v47 =	vsel vm10, $0x1, v24  }
0xd7: {  	v32 =	vpop (erf);
	v61 =	vcvt.s32.f32 v18;
	(erf) = vpow2.f32 v51;
	v35 =	vadd.s32 v47, v46  }
0xd8: {  	v33 =	vpop (erf);
	v51 =	vsel vm12, $0x1, v24;
	vm12 =	vge.s32 v10, v25;
	(erf) = vpow2.f32 v56  }
0xd9: {  	v42 =	vadd.f32 v61, v62;
	v35 =	vadd.s32 v48, v35;
	v62 =	vsel vm15, $0x1, v24  }
0xda: {  	v48 =	vsel vm4, $0x1, v24;
	vm15 =	vge.s32 v10, v29;
	vm4 =	vge.s32 v10, v30  }
0xdb: {  	v1 =	vpop (erf);
	(erf) = vpow2.f32 v57;
	v35 =	vadd.s32 v51, v35;
	v47 =	vtrunc.f32 v43  }
0xdc: {  	v34 =	vpop (erf);
	v43 =	vsub.f32 $5.000000000e-01, v43;
	(erf) = vpow2.f32 v60;
	v37 =	vmul.f32 v42, v42  }
0xdd: {  	v49 =	vadd.f32 $1.000000000e+00, v42;
	v52 =	vadd.f32 $2.000000000e+00, v42;
	v35 =	vadd.s32 v44, v35  }
0xde: {  	v54 =	vadd.f32 $3.000000000e+00, v42;
	v55 =	vadd.f32 $4.000000000e+00, v42;
	v57 =	vcvt.f32.s32 v47  }
0xdf: {  	v42 =	vadd.f32 $5.000000000e+00, v42;
	v45 =	vmul.u32 $0x2300, v35;
	v50 =	vmul.f32 $-1.000000000e+01, v37  }
0xe0: {  	v35 =	vadd.s32 v59, v20;
	v40 =	vmul.f32 v49, v49;
	v41 =	vmul.f32 v52, v52  }
0xe1: {  	v46 =	vmul.f32 v54, v54;
	v56 =	vmul.f32 v55, v55;
	v44 =	vadd.s32 $0xFFFFFFFE, v57  }
0xe2: {  	v42 =	vmul.f32 v42, v42;
	v52 =	vsel vm6, $0x1, v24;
	v53 =	vmul.f32 $1.442695020e+00, v50  }
0xe3: {  	v20 =	vadd.s32 v45, v38;
	v40 =	vmul.f32 $-1.000000000e+01, v40;
	v41 =	vmul.f32 $-1.000000000e+01, v41  }
0xe4: {  	vm14 =	vgt.s32 v44, $0x0;
	v58 =	vmul.f32 $-1.000000000e+01, v46;
	v59 =	vmul.f32 $-1.000000000e+01, v56  }
0xe5: {  	v44 =	vnsel vm14, $0x0, v44;
	v42 =	vmul.f32 $-1.000000000e+01, v42;
	v50 =	vsel vm5, $0x1, v24  }
0xe6: {  	v36 =	vpop (erf);
	vm14 =	vge.s32 v10, v26;
	(erf) = vpow2.f32 v53;
	v40 =	vmul.f32 $1.442695020e+00, v40  }
0xe7: {  	vm5 =	vge.s32 v10, v31;
	v41 =	vmul.f32 $1.442695020e+00, v41;
	v46 =	vmul.f32 $1.442695020e+00, v58  }
0xe8: {  	v60 =	vmul.f32 $1.442695020e+00, v59;
	v53 =	vmin.u32 v44, $0x22A;
	v44 =	vadd.s32 v62, v48  }
0xe9: {  	v37 =	vpop (erf);
	v58 =	vsel vm7, $0x1, v24;
	v61 =	vcvt.s32.f32 v53;
	(erf) = vpow2.f32 v40  }
0xea: {  	v38 =	vpop (erf);
	vm7 =	vge.s32 v11, v28;
	v44 =	vadd.s32 v50, v44;
	(erf) = vpow2.f32 v41  }
0xeb: {  	v39 =	vpop (erf);
	v55 =	vadd.s32 v52, v44;
	v41 =	vadd.f32 v61, v43;
	(erf) = vpow2.f32 v46;
	v46 =	vld [tilespmem:$0xA0]  }
0xec: {  	[tilespmem:$0x8490] =	vst v6;
	v49 =	vmul.f32 $1.442695020e+00, v42;
	v6 =	vsel vm7, $0x1, v24;
	v47 =	vadd.s32 v58, v55  }
0xed: {  	v40 =	vpop (erf);
	(erf) = vpow2.f32 v60;
	v51 =	vmul.f32 v41, v41;
	v54 =	vadd.f32 $1.000000000e+00, v41  }
0xee: {  	v55 =	vsel vm9, $0x1, v24;
	v42 =	vpop (erf);
	v48 =	vadd.f32 $2.000000000e+00, v41;
	(erf) = vpow2.f32 v49  }
0xef: {  	v61 =	vadd.f32 $3.000000000e+00, v41;
	v56 =	vmul.f32 $-1.000000000e+01, v51;
	v57 =	vmul.f32 v54, v54  }
0xf0: {  	v62 =	vadd.f32 $4.000000000e+00, v41;
	v59 =	vmul.f32 v48, v48;
	v50 =	vtrunc.f32 v46  }
0xf1: {  	v49 =	vsel vm8, $0x1, v24;
	v51 =	vmul.f32 v61, v61;
	v50 =	vcvt.f32.s32 v50  }
0xf2: {  	v47 =	vadd.s32 v49, v47;
	v49 =	vmul.f32 v62, v62;
	v45 =	vmul.f32 $-1.000000000e+01, v57  }
0xf3: {  	v47 =	vadd.s32 v55, v47;
	v44 =	vmul.f32 $1.442695020e+00, v56;
	v50 =	vadd.s32 $0xFFFFFFFE, v50  }
0xf4: {  	v56 =	vmul.f32 $-1.000000000e+01, v51;
	v60 =	vmul.f32 $1.442695020e+00, v45;
	vm10 =	vgt.s32 v50, $0x0  }
0xf5: {  	v43 =	vpop (erf);
	v57 =	vmul.u32 $0x2300, v47;
	(erf) = vpow2.f32 v44;
	v58 =	vnsel vm10, $0x0, v50  }
0xf6: {  	v44 =	vmul.f32 $-1.000000000e+01, v59;
	v45 =	vpop (erf);
	(erf) = vpow2.f32 v60;
	v60 =	vmin.u32 v58, $0x22A  }
0xf7: {  	v61 =	vsub.f32 $5.000000000e-01, v46;
	v59 =	vadd.f32 $5.000000000e+00, v41;
	v62 =	vcvt.s32.f32 v60  }
0xf8: {  	vm8 =	vge.s32 v11, v25;
	v49 =	vmul.f32 $-1.000000000e+01, v49;
	v52 =	vmul.f32 $1.442695020e+00, v44  }
0xf9: {  	v41 =	vadd.s32 v57, v18;
	v18 =	vmul.f32 v59, v59;
	v54 =	vadd.f32 v62, v61  }
0xfa: {  	[tilespmem:$0x8380] =	vst v4;
	v4 =	vsel vm8, $0x1, v24;
	v48 =	vmul.f32 $1.442695020e+00, v56;
	v44 =	vpop (erf);
	(erf) = vpow2.f32 v52  }
0xfb: {  	v55 =	vsel vm12, $0x1, v24;
	v18 =	vmul.f32 $-1.000000000e+01, v18;
	v56 =	vmul.f32 v54, v54  }
0xfc: {  	v49 =	vmul.f32 $1.442695020e+00, v49;
	v59 =	vsel vm13, $0x1, v24;
	v47 =	vpop (erf);
	(erf) = vpow2.f32 v48  }
0xfd: {  	v52 =	vsel vm11, $0x1, v24;
	v18 =	vmul.f32 $1.442695020e+00, v18;
	v58 =	vmul.f32 $-1.000000000e+01, v56;
	v56 =	vld [tilespmem:$0xB0]  }
0xfe: {  	v2 =	vld [tilespmem:$0x1FDE0];
	v46 =	vpop (erf);
	(erf) = vpow2.f32 v49;
	v49 =	vadd.s32 v52, v55;
	v61 =	vsel vm14, $0x1, v24  }
0xff: {  	v48 =	vpop (erf);
	(erf) = vpow2.f32 v18;
	v18 =	vadd.s32 v59, v49;
	v57 =	vadd.f32 $1.000000000e+00, v54  }
0x100: {  	v59 =	vsel vm15, $0x1, v24;
	v18 =	vadd.s32 v61, v18;
	v62 =	vadd.f32 $2.000000000e+00, v54  }
0x101: {  	v55 =	vadd.f32 $3.000000000e+00, v54;
	v18 =	vadd.s32 v59, v18;
	v50 =	vmul.f32 v57, v57  }
0x102: {  	v52 =	vmul.f32 v62, v62;
	v57 =	vsel vm4, $0x1, v24;
	v62 =	vtrunc.f32 v56  }
0x103: {  	[tilespmem:$0x88D0] =	vst v2;
	v2 =	vld [tilespmem:$0x1FDF0];
	v61 =	vadd.f32 $4.000000000e+00, v54;
	v18 =	vadd.s32 v57, v18;
	v57 =	vcvt.f32.s32 v62  }
0x104: {  	v59 =	vsel vm5, $0x1, v24;
	v55 =	vmul.f32 v55, v55;
	v51 =	vmul.f32 $1.442695020e+00, v58  }
0x105: {  	v50 =	vmul.f32 $-1.000000000e+01, v50;
	v59 =	vadd.s32 v59, v18;
	v18 =	vadd.s32 $0xFFFFFFFE, v57  }
0x106: {  	v52 =	vmul.f32 $-1.000000000e+01, v52;
	v55 =	vmul.f32 $-1.000000000e+01, v55;
	vm6 =	vgt.s32 v18, $0x0  }
0x107: {  	v49 =	vpop (erf);
	(erf) = vpow2.f32 v51;
	v58 =	vmul.f32 $1.442695020e+00, v50;
	v18 =	vnsel vm6, $0x0, v18  }
0x108: {  	[tilespmem:$0x8390] =	vst v2;
	v2 =	vld [tilespmem:$0x1FE00];
	v51 =	vmul.f32 v61, v61;
	v52 =	vmul.f32 $1.442695020e+00, v52;
	v18 =	vmin.u32 v18, $0x22A  }
0x109: {  	v55 =	vmul.f32 $1.442695020e+00, v55;
	v56 =	vsub.f32 $5.000000000e-01, v56;
	v61 =	vcvt.s32.f32 v18  }
0x10a: {  	v50 =	vpop (erf);
	(erf) = vpow2.f32 v58;
	v62 =	vsel vm2, $0x1, v24;
	v57 =	vadd.s32 v6, v4  }
0x10b: {  	[tilespmem:$0x85A0] =	vst v21;
	v58 =	vmul.f32 $-1.000000000e+01, v51;
	v21 =	vadd.s32 v62, v57;
	v62 =	vadd.f32 v61, v56  }
0x10c: {  	vm9 =	vge.s32 v11, v26;
	v51 =	vpop (erf);
	(erf) = vpow2.f32 v52;
	v6 =	vadd.f32 $5.000000000e+00, v54  }
0x10d: {  	[tilespmem:$0x84A0] =	vst v2;
	v2 =	vld [tilespmem:$0x1FE10];
	v52 =	vpop (erf);
	(erf) = vpow2.f32 v55;
	v55 =	vmul.f32 $1.442695020e+00, v58;
	v61 =	vadd.f32 $1.000000000e+00, v62  }
0x10e: {  	v4 =	vmul.f32 v6, v6;
	v6 =	vsel vm9, $0x1, v24  }
0x10f: {  	v54 =	vpop (erf);
	(erf) = vpow2.f32 v55;
	v55 =	vadd.s32 v6, v21;
	v6 =	vmul.f32 v61, v61;
	v61 =	vld [tilespmem:$0x1FE30]  }
0x110: {  	vm10 =	vge.s32 v11, v29  }
0x111: {  	[tilespmem:$0x86B0] =	vst v7;
	vm11 =	vge.s32 v11, v30;
	v21 =	vsel vm10, $0x1, v24  }
0x112: {  	[tilespmem:$0x85B0] =	vst v2;
	v2 =	vsel vm11, $0x1, v24;
	v55 =	vadd.s32 v21, v55;
	v7 =	vmul.f32 v62, v62  }
0x113: {  	vm12 =	vge.s32 v11, v31;
	v2 =	vadd.s32 v2, v55;
	v56 =	vmul.f32 $-1.000000000e+01, v4  }
0x114: {  	v4 =	vmul.f32 $-1.000000000e+01, v7;
	v7 =	vadd.f32 $2.000000000e+00, v62;
	[tilespmem:$0x87D0] =	vst v61;
	v61 =	vsel vm12, $0x1, v24  }
0x115: {  	v2 =	vadd.s32 v61, v2;
	v61 =	vld [tilespmem:$0x1FE50]  }
0x116: {  	v55 =	vmul.f32 v7, v7;
	_ =	sdelay $0x1  }
0x117: {  	v55 =	vmul.f32 $-1.000000000e+01, v55;
	_ =	sdelay $0x1  }
0x118: {  	[tilespmem:$0x83A0] =	vst v61;
	v61 =	vmul.f32 $1.442695020e+00, v55;
	v55 =	vld [tilespmem:$0x1FE60];
	_ =	sdelay $0x2  }
0x119: {  	[tilespmem:$0x8200] =	vst v3;
	v3 =	vld [tilespmem:$0x1FE20];
	_ =	sdelay $0x1  }
0x11a: {  	v56 =	vmul.f32 $1.442695020e+00, v56;
	[tilespmem:$0x84B0] =	vst v55;
	v55 =	vld [tilespmem:$0x1FE70];
	_ =	sdelay $0x1  }
0x11b: {  	v21 =	vmul.f32 $1.442695020e+00, v4;
	v58 =	vmul.f32 $-1.000000000e+01, v6  }
0x11c: {  	[tilespmem:$0x86C0] =	vst v3;
	v3 =	vld [tilespmem:$0xC0];
	v59 =	vmul.u32 $0x2300, v59;
	v57 =	vpop (erf);
	(erf) = vpow2.f32 v56  }
0x11d: {  	v56 =	vpop (erf);
	(erf) = vpow2.f32 v21;
	v21 =	vmul.f32 $1.442695020e+00, v58;
	v58 =	vld [tilespmem:$0x1FE40]  }
0x11e: {  	[tilespmem:$0x85C0] =	vst v55;
	v55 =	vadd.s32 v59, v53;
	v53 =	vld [tilespmem:$0x1FE80];
	_ =	sdelay $0x1  }
0x11f: {  	v4 =	vadd.f32 $3.000000000e+00, v62  }
0x120: {  	[tilespmem:$0x8210] =	vst v5;
	v2 =	vmul.u32 $0x2300, v2  }
0x121: {  	v5 =	vtrunc.f32 v3;
	v4 =	vmul.f32 v4, v4;
	[tilespmem:$0x88E0] =	vst v58  }
0x122: {  	v58 =	vpop (erf);
	(erf) = vpow2.f32 v21;
	v21 =	vadd.f32 $4.000000000e+00, v62;
	[tilespmem:$0x86D0] =	vst v53;
	v53 =	vadd.s32 v2, v60;
	v60 =	vld [tilespmem:$0x1FEA0]  }
0x123: {  	v5 =	vcvt.f32.s32 v5;
	v4 =	vmul.f32 $-1.000000000e+01, v4  }
0x124: {  	v21 =	vmul.f32 v21, v21  }
0x125: {  	v5 =	vadd.s32 $0xFFFFFFFE, v5;
	v4 =	vmul.f32 $1.442695020e+00, v4;
	v59 =	vpop (erf);
	(erf) = vpow2.f32 v61;
	v61 =	vld [tilespmem:$0x1FEB0]  }
0x126: {  	vm14 =	vgt.s32 v5, $0x0;
	v2 =	vmul.f32 $-1.000000000e+01, v21;
	v21 =	vld [tilespmem:$0x1FE90]  }
0x127: {  	[tilespmem:$0x88F0] =	vst v60;
	v60 =	vpop (erf);
	(erf) = vpow2.f32 v4;
	v4 =	vnsel vm14, $0x0, v5;
	v5 =	vld [tilespmem:$0x1FEC0];
	_ =	sdelay $0x2  }
0x128: {  	vm13 =	vge.s32 v12, v28;
	[tilespmem:$0x8220] =	vst v61;
	v2 =	vmul.f32 $1.442695020e+00, v2  }
0x129: {  	vm15 =	vge.s32 v12, v25;
	[tilespmem:$0x87E0] =	vst v21;
	v21 =	vsel vm13, $0x1, v24  }
0x12a: {  	v61 =	vpop (erf);
	(erf) = vpow2.f32 v2;
	v2 =	vadd.f32 $5.000000000e+00, v62;
	v62 =	vld [tilespmem:$0x1FED0];
	[tilespmem:$0x83B0] =	vst v5;
	v5 =	vsel vm15, $0x1, v24  }
0x12b: {  	v5 =	vadd.s32 v21, v5;
	v21 =	vld [tilespmem:$0x1FEE0];
	_ =	sdelay $0x3  }
0x12c: {  	[tilespmem:$0x84C0] =	vst v62;
	v62 =	vmin.u32 v4, $0x22A  }
0x12d: {  	v3 =	vsub.f32 $5.000000000e-01, v3;
	[tilespmem:$0x85D0] =	vst v21;
	v21 =	vcvt.s32.f32 v62;
	_ =	sdelay $0x1  }
0x12e: {  	v3 =	vadd.f32 v21, v3;
	v21 =	vld [tilespmem:$0x1FF10]  }
0x12f: {  	[tilespmem:$0x87C0] =	vst v8  }
0x130: {  	[tilespmem:$0x85E0] =	vst v63;
	vm4 =	vge.s32 v12, v27;
	v7 =	vld [tilespmem:$0x1FF30]  }
0x131: {  	vm8 =	vge.s32 v12, v31;
	[tilespmem:$0x8410] =	vst v56;
	v56 =	vld [tilespmem:$0xF0];
	v4 =	vsel vm4, $0x1, v24  }
0x132: {  	v63 =	vsel vm8, $0x1, v24;
	vm8 =	vge.s32 v14, v27;
	[tilespmem:$0x8940] =	vst v48;
	v4 =	vadd.s32 v4, v5;
	v5 =	vld [tilespmem:$0x1FF00]  }
0x133: {  	vm7 =	vge.s32 v12, v30;
	vm11 =	vge.s32 v13, v25;
	v48 =	vsel vm8, $0x1, v24;
	[tilespmem:$0x8900] =	vst v21;
	v21 =	vld [tilespmem:$0x1FF20]  }
0x134: {  	[tilespmem:$0x86F0] =	vst v19;
	vm8 =	vge.s32 v15, v31;
	vm5 =	vge.s32 v12, v26;
	v6 =	vld [tilespmem:$0x1FEF0];
	v2 =	vmul.f32 v2, v2  }
0x135: {  	vm6 =	vge.s32 v12, v29;
	vm10 =	vge.s32 v13, v28;
	vm12 =	vge.s32 v13, v27;
	[tilespmem:$0x83C0] =	vst v7;
	v7 =	vld [tilespmem:$0x1FF40]  }
0x136: {  	vm13 =	vge.s32 v13, v26;
	vm14 =	vge.s32 v13, v29;
	[tilespmem:$0x8850] =	vst v61;
	v2 =	vmul.f32 $-1.000000000e+01, v2  }
0x137: {  	v61 =	vtrunc.f32 v56;
	vm15 =	vge.s32 v13, v30;
	vm4 =	vge.s32 v13, v31;
	[tilespmem:$0x87F0] =	vst v5  }
0x138: {  	v2 =	vmul.f32 $1.442695020e+00, v2;
	v5 =	vsel vm5, $0x1, v24;
	[tilespmem:$0x8230] =	vst v21;
	v21 =	vmul.f32 v3, v3  }
0x139: {  	v19 =	vld [tilespmem:$0x1FF50];
	[tilespmem:$0x86E0] =	vst v6;
	v4 =	vadd.s32 v5, v4;
	v5 =	vsel vm6, $0x1, v24;
	vm6 =	vge.s32 v14, v28  }
0x13a: {  	[tilespmem:$0x84D0] =	vst v7;
	v7 =	vld [tilespmem:$0xD0];
	v4 =	vadd.s32 v5, v4;
	v6 =	vadd.f32 $1.000000000e+00, v3;
	v21 =	vmul.f32 $-1.000000000e+01, v21  }
0x13b: {  	[tilespmem:$0x8830] =	vst v46;
	v5 =	vsel vm7, $0x1, v24;
	v46 =	vsel vm6, $0x1, v24;
	v8 =	vadd.f32 $2.000000000e+00, v3  }
0x13c: {  	v4 =	vadd.s32 v5, v4;
	v6 =	vmul.f32 v6, v6;
	v5 =	vmul.f32 $1.442695020e+00, v21  }
0x13d: {  	v4 =	vadd.s32 v63, v4;
	v63 =	vpop (erf);
	(erf) = vpow2.f32 v2;
	v21 =	vmul.f32 v8, v8;
	v8 =	vld [tilespmem:$0x1FF60]  }
0x13e: {  	[tilespmem:$0x8800] =	vst v19;
	vm7 =	vge.s32 v14, v25;
	v19 =	vpop (erf);
	v6 =	vmul.f32 $-1.000000000e+01, v6;
	(erf) = vpow2.f32 v5  }
0x13f: {  	[tilespmem:$0x8910] =	vst v17;
	v2 =	vmul.u32 $0x2300, v4;
	v4 =	vmul.f32 $-1.000000000e+01, v21;
	v21 =	vtrunc.f32 v7  }
0x140: {  	[tilespmem:$0x83D0] =	vst v23;
	v5 =	vmul.f32 $1.442695020e+00, v6;
	v6 =	vadd.f32 $3.000000000e+00, v3;
	v21 =	vcvt.f32.s32 v21  }
0x141: {  	[tilespmem:$0x8720] =	vst v47;
	vm6 =	vge.s32 v15, v29;
	v47 =	vsel vm7, $0x1, v24;
	v17 =	vadd.s32 v2, v18  }
0x142: {  	v2 =	vmul.f32 v6, v6;
	[tilespmem:$0x8240] =	vst v8;
	v8 =	vadd.f32 $4.000000000e+00, v3;
	v6 =	vadd.s32 $0xFFFFFFFE, v21  }
0x143: {  	[tilespmem:$0x8960] =	vst v63;
	v63 =	vcvt.f32.s32 v61;
	v3 =	vadd.f32 $5.000000000e+00, v3;
	vm9 =	vgt.s32 v6, $0x0  }
0x144: {  	[tilespmem:$0x8810] =	vst v1;
	v23 =	vpop (erf);
	(erf) = vpow2.f32 v5;
	v5 =	vmul.f32 v8, v8;
	v1 =	vnsel vm9, $0x0, v6  }
0x145: {  	[tilespmem:$0x84E0] =	vst v22;
	v2 =	vmul.f32 $-1.000000000e+01, v2;
	v3 =	vmul.f32 v3, v3;
	v18 =	vmin.u32 v1, $0x22A;
	v1 =	vld [tilespmem:$0x1FF70]  }
0x146: {  	[tilespmem:$0x85F0] =	vst v32;
	vm7 =	vge.s32 v15, v30;
	v4 =	vmul.f32 $1.442695020e+00, v4;
	v5 =	vmul.f32 $-1.000000000e+01, v5  }
0x147: {  	[tilespmem:$0x82A0] =	vst v53;
	v53 =	vsel vm7, $0x1, v24;
	v2 =	vmul.f32 $1.442695020e+00, v2;
	v3 =	vmul.f32 $-1.000000000e+01, v3  }
0x148: {  	[tilespmem:$0x8700] =	vst v33;
	v22 =	vpop (erf);
	(erf) = vpow2.f32 v4;
	v8 =	vsel vm15, $0x1, v24;
	v21 =	vmul.f32 $1.442695020e+00, v5  }
0x149: {  	[tilespmem:$0x8920] =	vst v34;
	v32 =	vpop (erf);
	vm9 =	vge.s32 v14, v26;
	(erf) = vpow2.f32 v2;
	v3 =	vmul.f32 $1.442695020e+00, v3  }
0x14a: {  	v33 =	vpop (erf);
	v2 =	vsub.f32 $5.000000000e-01, v7;
	[tilespmem:$0x8250] =	vst v1;
	v1 =	vcvt.s32.f32 v18;
	(erf) = vpow2.f32 v21  }
0x14b: {  	[tilespmem:$0x8400] =	vst v49;
	v34 =	vpop (erf);
	vm15 =	vge.s32 v15, v25;
	v49 =	vsel vm9, $0x1, v24;
	(erf) = vpow2.f32 v3  }
0x14c: {  	[tilespmem:$0x8710] =	vst v39;
	v3 =	vsel vm11, $0x1, v24;
	vm11 =	vge.s32 v14, v30;
	v1 =	vadd.f32 v1, v2  }
0x14d: {  	[tilespmem:$0x8420] =	vst v19;
	v2 =	vsel vm10, $0x1, v24;
	vm10 =	vge.s32 v14, v29;
	v19 =	vsel vm11, $0x1, v24  }
0x14e: {  	[tilespmem:$0x8730] =	vst v52;
	v7 =	vld [tilespmem:$0xE0];
	v2 =	vadd.s32 v2, v3;
	v3 =	vsel vm12, $0x1, v24;
	v52 =	vsel vm10, $0x1, v24  }
0x14f: {  	[tilespmem:$0x8820] =	vst v40;
	v39 =	vadd.f32 $1.000000000e+00, v1;
	v40 =	vmul.f32 v1, v1;
	v21 =	vadd.f32 $2.000000000e+00, v1  }
0x150: {  	[tilespmem:$0x83E0] =	vst v36;
	v2 =	vadd.s32 v3, v2;
	v3 =	vsel vm13, $0x1, v24;
	v36 =	vadd.f32 $3.000000000e+00, v1  }
0x151: {  	[tilespmem:$0x84F0] =	vst v37;
	v37 =	vadd.f32 $4.000000000e+00, v1;
	v1 =	vadd.f32 $5.000000000e+00, v1;
	v4 =	vmul.f32 v39, v39  }
0x152: {  	v2 =	vadd.s32 v3, v2;
	v5 =	vmul.f32 $-1.000000000e+01, v40;
	v6 =	vmul.f32 v21, v21  }
0x153: {  	[tilespmem:$0x8600] =	vst v38;
	v3 =	vsel vm14, $0x1, v24;
	v38 =	vmul.f32 v36, v36;
	v39 =	vtrunc.f32 v7  }
0x154: {  	v2 =	vadd.s32 v3, v2;
	v1 =	vmul.f32 v1, v1;
	v6 =	vmul.f32 $-1.000000000e+01, v6  }
0x155: {  	[tilespmem:$0x8260] =	vst v35;
	v40 =	vsel vm4, $0x1, v24;
	v4 =	vmul.f32 $-1.000000000e+01, v4;
	v5 =	vmul.f32 $1.442695020e+00, v5  }
0x156: {  	[tilespmem:$0x8270] =	vst v20;
	v2 =	vadd.s32 v8, v2;
	v35 =	vmul.f32 $1.442695020e+00, v6;
	v6 =	vcvt.f32.s32 v39  }
0x157: {  	[tilespmem:$0x8930] =	vst v42;
	v2 =	vadd.s32 v40, v2;
	v1 =	vmul.f32 $-1.000000000e+01, v1;
	v4 =	vmul.f32 $1.442695020e+00, v4  }
0x158: {  	[tilespmem:$0x83F0] =	vst v43;
	v3 =	vpop (erf);
	v2 =	vmul.u32 $0x2300, v2;
	(erf) = vpow2.f32 v5;
	v6 =	vadd.s32 $0xFFFFFFFE, v6  }
0x159: {  	[tilespmem:$0x8280] =	vst v41;
	v21 =	vpop (erf);
	(erf) = vpow2.f32 v4;
	v4 =	vmul.f32 v37, v37;
	vm5 =	vgt.s32 v6, $0x0  }
0x15a: {  	[tilespmem:$0x8500] =	vst v45;
	v5 =	vmul.f32 $-1.000000000e+01, v38;
	v20 =	vadd.s32 v2, v62;
	v2 =	vnsel vm5, $0x0, v6  }
0x15b: {  	[tilespmem:$0x8610] =	vst v44;
	v44 =	vmul.f32 $1.442695020e+00, v1;
	v4 =	vmul.f32 $-1.000000000e+01, v4;
	v1 =	vmin.u32 v2, $0x22A  }
0x15c: {  	[tilespmem:$0x8510] =	vst v50;
	v7 =	vsub.f32 $5.000000000e-01, v7;
	v5 =	vmul.f32 $1.442695020e+00, v5;
	v45 =	vcvt.s32.f32 v1  }
0x15d: {  	[tilespmem:$0x8620] =	vst v51;
	vm12 =	vge.s32 v14, v31;
	v8 =	vpop (erf);
	(erf) = vpow2.f32 v35;
	v4 =	vmul.f32 $1.442695020e+00, v4  }
0x15e: {  	[tilespmem:$0x8840] =	vst v54;
	vm14 =	vge.s32 v15, v28;
	v42 =	vpop (erf);
	(erf) = vpow2.f32 v5;
	v6 =	vadd.f32 v45, v7  }
0x15f: {  	vm4 =	vge.s32 v15, v27;
	v43 =	vpop (erf);
	[tilespmem:$0x8760] =	vst v42;
	v42 =	vsub.f32 $5.000000000e-01, v56;
	(erf) = vpow2.f32 v4  }
0x160: {  	[tilespmem:$0x8950] =	vst v57;
	v2 =	vpop (erf);
	v4 =	vadd.s32 v46, v47;
	(erf) = vpow2.f32 v44;
	v51 =	vadd.f32 $1.000000000e+00, v6  }
0x161: {  	[tilespmem:$0x8520] =	vst v58;
	v4 =	vadd.s32 v48, v4;
	v50 =	vmul.f32 v6, v6;
	v54 =	vadd.f32 $2.000000000e+00, v6  }
0x162: {  	[tilespmem:$0x8740] =	vst v60;
	v4 =	vadd.s32 v49, v4;
	v60 =	vadd.f32 $3.000000000e+00, v6;
	v7 =	vmul.f32 v51, v51  }
0x163: {  	[tilespmem:$0x8630] =	vst v59;
	v38 =	vadd.f32 $4.000000000e+00, v6;
	v36 =	vmul.f32 $-1.000000000e+01, v50;
	v57 =	vmul.f32 v54, v54  }
0x164: {  	[tilespmem:$0x8290] =	vst v55;
	v4 =	vadd.s32 v52, v4;
	v37 =	vmul.f32 v60, v60;
	v7 =	vmul.f32 $-1.000000000e+01, v7  }
0x165: {  	[tilespmem:$0x8530] =	vst v23;
	v4 =	vadd.s32 v19, v4;
	v36 =	vmul.f32 $1.442695020e+00, v36;
	v59 =	vmul.f32 $-1.000000000e+01, v57  }
0x166: {  	[tilespmem:$0x8640] =	vst v22;
	v19 =	vsel vm12, $0x1, v24;
	v40 =	vmul.f32 v38, v38;
	v7 =	vmul.f32 $1.442695020e+00, v7  }
0x167: {  	[tilespmem:$0x82B0] =	vst v17;
	v58 =	vpop (erf);
	v4 =	vadd.s32 v19, v4;
	(erf) = vpow2.f32 v36;
	v19 =	vmul.f32 $1.442695020e+00, v59  }
0x168: {  	[tilespmem:$0x8430] =	vst v3;
	v56 =	vsel vm8, $0x1, v24;
	v62 =	vpop (erf);
	v3 =	vmul.f32 $-1.000000000e+01, v37;
	(erf) = vpow2.f32 v7  }
0x169: {  	[tilespmem:$0x8750] =	vst v32;
	vm5 =	vge.s32 v15, v26;
	v36 =	vpop (erf);
	(erf) = vpow2.f32 v19;
	v19 =	vadd.s32 $0xFFFFFFFE, v63  }
0x16a: {  	[tilespmem:$0x8860] =	vst v33;
	v3 =	vmul.f32 $1.442695020e+00, v3;
	v7 =	vmul.f32 $-1.000000000e+01, v40;
	vm13 =	vgt.s32 v19, $0x0  }
0x16b: {  	[tilespmem:$0x8970] =	vst v34;
	v6 =	vadd.f32 $5.000000000e+00, v6;
	v4 =	vmul.u32 $0x2300, v4;
	v19 =	vnsel vm13, $0x0, v19  }
0x16c: {  	[tilespmem:$0x8650] =	vst v8;
	v8 =	vpop (erf);
	(erf) = vpow2.f32 v3;
	v3 =	vmul.f32 $1.442695020e+00, v7;
	v19 =	vmin.u32 v19, $0x22A  }
0x16d: {  	[tilespmem:$0x8870] =	vst v43;
	v45 =	vsel vm15, $0x1, v24;
	v6 =	vmul.f32 v6, v6;
	v43 =	vpop (erf);
	v41 =	vcvt.s32.f32 v19  }
0x16e: {  	[tilespmem:$0x8540] =	vst v21;
	v4 =	vadd.s32 v4, v18;
	v44 =	vpop (erf);
	(erf) = vpow2.f32 v3;
	v3 =	vsel vm14, $0x1, v24  }
0x16f: {  	[tilespmem:$0x8980] =	vst v2;
	v18 =	vsel vm4, $0x1, v24;
	v3 =	vadd.s32 v3, v45;
	v2 =	vadd.f32 v41, v42  }
0x170: {  	v6 =	vmul.f32 $-1.000000000e+01, v6;
	[tilespmem:$0x8770] =	vst v8;
	v8 =	vsel vm5, $0x1, v24;
	v3 =	vadd.s32 v18, v3  }
0x171: {  	[tilespmem:$0x82C0] =	vst v20;
	v48 =	vsel vm6, $0x1, v24;
	v3 =	vadd.s32 v8, v3;
	v17 =	vadd.f32 $1.000000000e+00, v2  }
0x172: {  	[tilespmem:$0x8440] =	vst v58;
	v6 =	vmul.f32 $1.442695020e+00, v6;
	v3 =	vadd.s32 v48, v3;
	v46 =	vmul.f32 v2, v2  }
0x173: {  	[tilespmem:$0x8550] =	vst v62;
	v8 =	vadd.f32 $2.000000000e+00, v2;
	v3 =	vadd.s32 v53, v3;
	v17 =	vmul.f32 v17, v17  }
0x174: {  	[tilespmem:$0x82D0] =	vst v4;
	(erf) = vpow2.f32 v6;
	v49 =	vadd.f32 $3.000000000e+00, v2;
	v3 =	vadd.s32 v56, v3  }
0x175: {  	[tilespmem:$0x8660] =	vst v36;
	v6 =	vmul.f32 $-1.000000000e+01, v46;
	v50 =	vmul.f32 v8, v8;
	v8 =	vadd.f32 $4.000000000e+00, v2  }
0x176: {  	[tilespmem:$0x8880] =	vst v43;
	v51 =	vmul.f32 v49, v49;
	v2 =	vadd.f32 $5.000000000e+00, v2;
	v47 =	vmul.f32 $-1.000000000e+01, v17  }
0x177: {  	[tilespmem:$0x8990] =	vst v44;
	v3 =	vmul.u32 $0x2300, v3;
	v6 =	vmul.f32 $1.442695020e+00, v6;
	v8 =	vmul.f32 v8, v8;
	v17 =	vpop (erf)  }
0x178: {  	v2 =	vmul.f32 v2, v2;
	v5 =	vmul.f32 $1.442695020e+00, v47;
	[tilespmem:$0x8450] =	vst v17;
	v17 =	vpop (erf)  }
0x179: {  	v1 =	vadd.s32 v3, v1;
	(erf) = vpow2.f32 v6;
	v6 =	vmul.f32 $-1.000000000e+01, v50;
	[tilespmem:$0x8560] =	vst v17;
	v17 =	vpop (erf)  }
0x17a: {  	[tilespmem:$0x82E0] =	vst v1;
	(erf) = vpow2.f32 v5;
	v5 =	vmul.f32 $-1.000000000e+01, v51;
	v52 =	vpop (erf)  }
0x17b: {  	v54 =	vmul.f32 $-1.000000000e+01, v8;
	v6 =	vmul.f32 $1.442695020e+00, v6;
	[tilespmem:$0x8670] =	vst v17;
	v17 =	vpop (erf)  }
0x17c: {  	v2 =	vmul.f32 $-1.000000000e+01, v2;
	[tilespmem:$0x8780] =	vst v52;
	v5 =	vmul.f32 $1.442695020e+00, v5;
	v18 =	vpop (erf)  }
0x17d: {  	v7 =	vmul.f32 $1.442695020e+00, v54;
	[tilespmem:$0x8890] =	vst v17;
	v55 =	vpop (erf);
	(erf) = vpow2.f32 v6  }
0x17e: {  	vm9 =	vge.s32 v16, v28;
	v2 =	vmul.f32 $1.442695020e+00, v2;
	[tilespmem:$0x89A0] =	vst v18;
	v57 =	vpop (erf);
	(erf) = vpow2.f32 v5  }
0x17f: {  	vm11 =	vge.s32 v16, v27;
	vm10 =	vge.s32 v16, v25;
	[tilespmem:$0x8460] =	vst v55;
	v58 =	vpop (erf);
	(erf) = vpow2.f32 v7  }
0x180: {  	v3 =	vsel vm10, $0x1, v24;
	[tilespmem:$0x8570] =	vst v57;
	v59 =	vpop (erf);
	(erf) = vpow2.f32 v2;
	v2 =	vsel vm9, $0x1, v24  }
0x181: {  	vm12 =	vge.s32 v16, v26;
	[tilespmem:$0x8680] =	vst v58;
	v2 =	vadd.s32 v2, v3;
	v3 =	vsel vm11, $0x1, v24  }
0x182: {  	vm13 =	vge.s32 v16, v29;
	v60 =	vpop (erf);
	[tilespmem:$0x8790] =	vst v59;
	v2 =	vadd.s32 v3, v2;
	v3 =	vsel vm12, $0x1, v24  }
0x183: {  	vm14 =	vge.s32 v16, v30;
	v61 =	vpop (erf);
	[tilespmem:$0x88A0] =	vst v60;
	v1 =	vadd.s32 v3, v2;
	v2 =	vsel vm13, $0x1, v24  }
0x184: {  	vm15 =	vge.s32 v16, v31;
	[tilespmem:$0x89B0] =	vst v61;
	v62 =	vpop (erf);
	v1 =	vadd.s32 v2, v1;
	v2 =	vsel vm14, $0x1, v24  }
0x185: {  	[tilespmem:$0x8470] =	vst v62;
	v3 =	vpop (erf);
	v1 =	vadd.s32 v2, v1;
	v2 =	vsel vm15, $0x1, v24  }
0x186: {  	v63 =	vpop (erf);
	[tilespmem:$0x8580] =	vst v3  }
0x187: {  	v1 =	vadd.s32 v2, v1;
	v3 =	vpop (erf);
	[tilespmem:$0x8690] =	vst v63  }
0x188: {  	v1 =	vmul.u32 $0x2300, v1;
	v2 =	vpop (erf);
	[tilespmem:$0x87A0] =	vst v3  }
0x189: {  	[tilespmem:$0x88B0] =	vst v2;
	v2 =	vpop (erf)  }
0x18a: {  	v1 =	vadd.s32 v1, v19;
	[tilespmem:$0x89C0] =	vst v2  }
0x18b: {  	s18 =	simm.s32 $0x0;
	[tilespmem:$0x82F0] =	vst v1  }
.LBB2_2:
0x18c: {  	v1 =	vmov s18;
	_ =	sdelay $0x1  }
0x18d: {  	v2 =	vshll.u32 v1, $0x7  }
0x18e: {  	v2 =	vor.u32 v0, v2;
	_ =	sdelay $0x1  }
0x18f: {  	v3 =	vld.idx.msk [tilespmem:v1+s13+$0x0], $0xffff;
	_ =	sdelay $0x1  }
0x190: {  	v5 =	vld.idx.msk [tilespmem:v1+s14+$0x0], $0xffff  }
0x191: {  	v4 =	vmul.u32 $0x230, v0;
	v2 =	vld.idx.msk [tilespmem:v2+s10+$0x0], $0xffff;
	_ =	sdelay $0x1  }
0x192: {  	v6 =	vadd.s32 v4, v3  }
0x193: {  	v7 =	vadd.s32 $0x110, v1;
	_ =	sdelay $0x1  }
0x194: {  	v5 =	vmul.f32 v5, v2;
	_ =	sdelay $0x1  }
0x195: {  	[tilespmem:v6+s12+$0x0] =	vst.idx.add.f32.msk $0xffff, v5  }
0x196: {  	v5 =	vld.idx.msk [tilespmem:v7+s14+$0x0], $0xffff  }
0x197: {  	v45 =	vor.u32 $0x1, v4  }
0x198: {  	v46 =	vadd.s32 v45, v3  }
0x199: {  	v8 =	vadd.s32 $0x220, v1;
	_ =	sdelay $0x1  }
0x19a: {  	v5 =	vmul.f32 v5, v2;
	_ =	sdelay $0x1  }
0x19b: {  	[tilespmem:v46+s12+$0x0] =	vst.idx.add.f32.msk $0xffff, v5  }
0x19c: {  	v5 =	vld.idx.msk [tilespmem:v8+s14+$0x0], $0xffff  }
0x19d: {  	v47 =	vor.u32 $0x2, v4  }
0x19e: {  	v8 =	vadd.s32 v47, v3  }
0x19f: {  	v17 =	vadd.s32 $0x330, v1;
	_ =	sdelay $0x1  }
0x1a0: {  	v5 =	vmul.f32 v5, v2;
	_ =	sdelay $0x1  }
0x1a1: {  	[tilespmem:v8+s12+$0x0] =	vst.idx.add.f32.msk $0xffff, v5  }
0x1a2: {  	v5 =	vld.idx.msk [tilespmem:v17+s14+$0x0], $0xffff  }
0x1a3: {  	v8 =	vor.u32 $0x3, v4  }
0x1a4: {  	v17 =	vadd.s32 v8, v3  }
0x1a5: {  	v18 =	vadd.s32 $0x440, v1;
	_ =	sdelay $0x1  }
0x1a6: {  	v5 =	vmul.f32 v5, v2;
	_ =	sdelay $0x1  }
0x1a7: {  	[tilespmem:v17+s12+$0x0] =	vst.idx.add.f32.msk $0xffff, v5  }
0x1a8: {  	v5 =	vld.idx.msk [tilespmem:v18+s14+$0x0], $0xffff  }
0x1a9: {  	v17 =	vor.u32 $0x4, v4  }
0x1aa: {  	v18 =	vadd.s32 v17, v3  }
0x1ab: {  	v1 =	vadd.s32 $0x550, v1;
	_ =	sdelay $0x1  }
0x1ac: {  	v5 =	vmul.f32 v5, v2;
	_ =	sdelay $0x1  }
0x1ad: {  	[tilespmem:v18+s12+$0x0] =	vst.idx.add.f32.msk $0xffff, v5  }
0x1ae: {  	v1 =	vld.idx.msk [tilespmem:v1+s14+$0x0], $0xffff  }
0x1af: {  	v48 =	vor.u32 $0x5, v4  }
0x1b0: {  	s19 =	sadd.s32 $0x1, s18;
	v3 =	vadd.s32 v48, v3  }
0x1b1: {  	v18 =	vmov s19;
	_ =	sdelay $0x1  }
0x1b2: {  	v19 =	vshll.u32 v18, $0x7;
	v1 =	vmul.f32 v1, v2  }
0x1b3: {  	v2 =	vor.u32 v0, v19  }
0x1b4: {  	[tilespmem:v3+s12+$0x0] =	vst.idx.add.f32.msk $0xffff, v1  }
0x1b5: {  	v1 =	vld.idx.msk [tilespmem:v18+s13+$0x0], $0xffff;
	_ =	sdelay $0x1  }
0x1b6: {  	v3 =	vld.idx.msk [tilespmem:v18+s14+$0x0], $0xffff  }
0x1b7: {  	v2 =	vld.idx.msk [tilespmem:v2+s10+$0x0], $0xffff;
	_ =	sdelay $0x1  }
0x1b8: {  	v19 =	vadd.s32 v4, v1  }
0x1b9: {  	v20 =	vadd.s32 $0x110, v18;
	_ =	sdelay $0x1  }
0x1ba: {  	v3 =	vmul.f32 v3, v2;
	_ =	sdelay $0x1  }
0x1bb: {  	[tilespmem:v19+s12+$0x0] =	vst.idx.add.f32.msk $0xffff, v3  }
0x1bc: {  	v3 =	vld.idx.msk [tilespmem:v20+s14+$0x0], $0xffff;
	_ =	sdelay $0x1  }
0x1bd: {  	v19 =	vadd.s32 v45, v1  }
0x1be: {  	v49 =	vadd.s32 $0x220, v18;
	_ =	sdelay $0x1  }
0x1bf: {  	v3 =	vmul.f32 v3, v2;
	_ =	sdelay $0x1  }
0x1c0: {  	[tilespmem:v19+s12+$0x0] =	vst.idx.add.f32.msk $0xffff, v3  }
0x1c1: {  	v3 =	vld.idx.msk [tilespmem:v49+s14+$0x0], $0xffff;
	_ =	sdelay $0x1  }
0x1c2: {  	v19 =	vadd.s32 v47, v1  }
0x1c3: {  	v50 =	vadd.s32 $0x330, v18;
	_ =	sdelay $0x1  }
0x1c4: {  	v3 =	vmul.f32 v3, v2;
	_ =	sdelay $0x1  }
0x1c5: {  	[tilespmem:v19+s12+$0x0] =	vst.idx.add.f32.msk $0xffff, v3  }
0x1c6: {  	v3 =	vld.idx.msk [tilespmem:v50+s14+$0x0], $0xffff;
	_ =	sdelay $0x1  }
0x1c7: {  	v19 =	vadd.s32 v8, v1  }
0x1c8: {  	v51 =	vadd.s32 $0x440, v18;
	_ =	sdelay $0x1  }
0x1c9: {  	v3 =	vmul.f32 v3, v2;
	_ =	sdelay $0x1  }
0x1ca: {  	[tilespmem:v19+s12+$0x0] =	vst.idx.add.f32.msk $0xffff, v3  }
0x1cb: {  	v3 =	vld.idx.msk [tilespmem:v51+s14+$0x0], $0xffff;
	_ =	sdelay $0x1  }
0x1cc: {  	v19 =	vadd.s32 v17, v1  }
0x1cd: {  	v18 =	vadd.s32 $0x550, v18;
	_ =	sdelay $0x1  }
0x1ce: {  	v3 =	vmul.f32 v3, v2;
	_ =	sdelay $0x1  }
0x1cf: {  	[tilespmem:v19+s12+$0x0] =	vst.idx.add.f32.msk $0xffff, v3  }
0x1d0: {  	v3 =	vld.idx.msk [tilespmem:v18+s14+$0x0], $0xffff;
	_ =	sdelay $0x1  }
0x1d1: {  	s30 =	sadd.s32 $0x2, s18;
	v1 =	vadd.s32 v48, v1  }
0x1d2: {  	v18 =	vmov s30  }
0x1d3: {  	v19 =	vshll.u32 v18, $0x7  }
0x1d4: {  	v2 =	vmul.f32 v3, v2;
	v3 =	vor.u32 v0, v19;
	_ =	sdelay $0x1  }
0x1d5: {  	[tilespmem:v1+s12+$0x0] =	vst.idx.add.f32.msk $0xffff, v2  }
0x1d6: {  	v1 =	vld.idx.msk [tilespmem:v18+s13+$0x0], $0xffff;
	_ =	sdelay $0x1  }
0x1d7: {  	v2 =	vld.idx.msk [tilespmem:v3+s10+$0x0], $0xffff  }
0x1d8: {  	v3 =	vld.idx.msk [tilespmem:v18+s14+$0x0], $0xffff;
	_ =	sdelay $0x1  }
0x1d9: {  	v19 =	vadd.s32 v4, v1  }
0x1da: {  	v52 =	vadd.s32 $0x110, v18;
	_ =	sdelay $0x1  }
0x1db: {  	v3 =	vmul.f32 v3, v2;
	_ =	sdelay $0x1  }
0x1dc: {  	[tilespmem:v19+s12+$0x0] =	vst.idx.add.f32.msk $0xffff, v3  }
0x1dd: {  	v3 =	vld.idx.msk [tilespmem:v52+s14+$0x0], $0xffff;
	_ =	sdelay $0x1  }
0x1de: {  	v19 =	vadd.s32 v45, v1  }
0x1df: {  	v53 =	vadd.s32 $0x220, v18;
	_ =	sdelay $0x1  }
0x1e0: {  	v3 =	vmul.f32 v3, v2;
	_ =	sdelay $0x1  }
0x1e1: {  	[tilespmem:v19+s12+$0x0] =	vst.idx.add.f32.msk $0xffff, v3  }
0x1e2: {  	v3 =	vld.idx.msk [tilespmem:v53+s14+$0x0], $0xffff;
	_ =	sdelay $0x1  }
0x1e3: {  	v19 =	vadd.s32 v47, v1  }
0x1e4: {  	v54 =	vadd.s32 $0x330, v18;
	_ =	sdelay $0x1  }
0x1e5: {  	v3 =	vmul.f32 v3, v2;
	_ =	sdelay $0x1  }
0x1e6: {  	[tilespmem:v19+s12+$0x0] =	vst.idx.add.f32.msk $0xffff, v3  }
0x1e7: {  	v3 =	vld.idx.msk [tilespmem:v54+s14+$0x0], $0xffff;
	_ =	sdelay $0x1  }
0x1e8: {  	v19 =	vadd.s32 v8, v1  }
0x1e9: {  	v55 =	vadd.s32 $0x440, v18;
	_ =	sdelay $0x1  }
0x1ea: {  	v3 =	vmul.f32 v3, v2;
	_ =	sdelay $0x1  }
0x1eb: {  	[tilespmem:v19+s12+$0x0] =	vst.idx.add.f32.msk $0xffff, v3  }
0x1ec: {  	v3 =	vld.idx.msk [tilespmem:v55+s14+$0x0], $0xffff;
	_ =	sdelay $0x1  }
0x1ed: {  	v19 =	vadd.s32 v17, v1  }
0x1ee: {  	v18 =	vadd.s32 $0x550, v18;
	_ =	sdelay $0x1  }
0x1ef: {  	v3 =	vmul.f32 v3, v2;
	_ =	sdelay $0x1  }
0x1f0: {  	[tilespmem:v19+s12+$0x0] =	vst.idx.add.f32.msk $0xffff, v3  }
0x1f1: {  	v3 =	vld.idx.msk [tilespmem:v18+s14+$0x0], $0xffff;
	_ =	sdelay $0x1  }
0x1f2: {  	s31 =	sadd.s32 $0x3, s18;
	v1 =	vadd.s32 v48, v1  }
0x1f3: {  	v18 =	vmov s31  }
0x1f4: {  	v19 =	vshll.u32 v18, $0x7  }
0x1f5: {  	v2 =	vmul.f32 v3, v2;
	v3 =	vor.u32 v0, v19;
	_ =	sdelay $0x1  }
0x1f6: {  	[tilespmem:v1+s12+$0x0] =	vst.idx.add.f32.msk $0xffff, v2  }
0x1f7: {  	v1 =	vld.idx.msk [tilespmem:v18+s13+$0x0], $0xffff;
	_ =	sdelay $0x1  }
0x1f8: {  	v2 =	vld.idx.msk [tilespmem:v3+s10+$0x0], $0xffff  }
0x1f9: {  	v3 =	vld.idx.msk [tilespmem:v18+s14+$0x0], $0xffff;
	_ =	sdelay $0x1  }
0x1fa: {  	v4 =	vadd.s32 v4, v1  }
0x1fb: {  	v19 =	vadd.s32 $0x110, v18;
	_ =	sdelay $0x1  }
0x1fc: {  	v3 =	vmul.f32 v3, v2;
	_ =	sdelay $0x1  }
0x1fd: {  	[tilespmem:v4+s12+$0x0] =	vst.idx.add.f32.msk $0xffff, v3  }
0x1fe: {  	v3 =	vld.idx.msk [tilespmem:v19+s14+$0x0], $0xffff;
	_ =	sdelay $0x1  }
0x1ff: {  	v56 =	vadd.s32 v45, v1  }
0x200: {  	v57 =	vadd.s32 $0x220, v18;
	_ =	sdelay $0x1  }
0x201: {  	v3 =	vmul.f32 v3, v2;
	_ =	sdelay $0x1  }
0x202: {  	[tilespmem:v56+s12+$0x0] =	vst.idx.add.f32.msk $0xffff, v3  }
0x203: {  	v3 =	vld.idx.msk [tilespmem:v57+s14+$0x0], $0xffff;
	_ =	sdelay $0x1  }
0x204: {  	v58 =	vadd.s32 v47, v1  }
0x205: {  	v59 =	vadd.s32 $0x330, v18;
	_ =	sdelay $0x1  }
0x206: {  	v3 =	vmul.f32 v3, v2;
	_ =	sdelay $0x1  }
0x207: {  	[tilespmem:v58+s12+$0x0] =	vst.idx.add.f32.msk $0xffff, v3  }
0x208: {  	v3 =	vld.idx.msk [tilespmem:v59+s14+$0x0], $0xffff;
	_ =	sdelay $0x1  }
0x209: {  	v60 =	vadd.s32 v8, v1  }
0x20a: {  	v61 =	vadd.s32 $0x440, v18;
	_ =	sdelay $0x1  }
0x20b: {  	v3 =	vmul.f32 v3, v2;
	_ =	sdelay $0x1  }
0x20c: {  	[tilespmem:v60+s12+$0x0] =	vst.idx.add.f32.msk $0xffff, v3  }
0x20d: {  	v3 =	vld.idx.msk [tilespmem:v61+s14+$0x0], $0xffff;
	_ =	sdelay $0x1  }
0x20e: {  	v62 =	vadd.s32 v17, v1  }
0x20f: {  	v63 =	vadd.s32 $0x550, v18;
	_ =	sdelay $0x1  }
0x210: {  	v3 =	vmul.f32 v3, v2;
	_ =	sdelay $0x1  }
0x211: {  	[tilespmem:v62+s12+$0x0] =	vst.idx.add.f32.msk $0xffff, v3  }
0x212: {  	v3 =	vld.idx.msk [tilespmem:v63+s14+$0x0], $0xffff;
	_ =	sdelay $0x1  }
0x213: {  	p0 =	slt.u32 s18, $0xFC;
	v1 =	vadd.s32 v48, v1  }
.Ltmp0:
0x214: {  	_ = 	snop;
	(pc) =	sbr.rel @p0 .LBB2_2-.Ltmp0, $3  }
0x215: {  	_ = 	snop  }
0x216: {  	v2 =	vmul.f32 v3, v2;
	_ =	sdelay $0x1  }
0x217: {  	s18 =	sadd.s32 $0x4, s18;
	[tilespmem:v1+s12+$0x0] =	vst.idx.add.f32.msk $0xffff, v2  }
0x218: {  	s17 =	sadd.s32 $0x1, s17  }
0x219: {  	p0 =	sne.s32 s17, s8  }
.Ltmp1:
0x21a: {  	_ = 	snop;
	(pc) =	sbr.rel @p0 .LBB2_1-.Ltmp1, $4  }
0x21b: {  	[hbm4b:s7+s15] =	stream.strided.scatter [tilespmem:s12], [sflag:$0x1], $0x11800, s16, s15, $0x38;
	[tilespmem:$0x1A200] =	vst v63  }
0x21c: {  	_ =	swait.ge [sflag:s9], $0x11800  }
0x21d: {  	[sflag:s9] =	ssyncset.done $0x0  }
0x21e: {  	[sflag:s9] =	ssyncadd.s32 $0xFFFEE800  }
0x21f: {  	_ =	sfence.sel $0x180000  }
0x220: {  	[bflag:$0x0] =	sbarrier.arrive $0xFFFF  }
0x221: {  	p0 =	sne.s32 s2, $0x0;
	_ =	strace $0x90000047  }
0x222: {  	s0 =	sadd.s32 @!p0 $0x100000, s0;
	[bflag:$0x2] =	sbarrier.arrive $0xFFFF  }
0x223: {  	[sflag:s0] =	ssyncadd.tile.s32 @!p0 $0x1;
	_ =	shalt  }
.Lfunc_end2:
_tile_overlayer_lowered:
.L_overlay_start_2:
0x224: {  	(tag) =	ssettag $0x2  }
0x225: {  	s0 =	rddreg [dreg:$0x0];
	s2 =	stileid.u32  }
0x226: {  	s1 =	rddreg [dreg:$0x1];
	p0 =	sne.s32 s2, $0x0  }
0x227: {  	s3 =	rddreg [dreg:$0x2];
	[bflag:$0x3] =	sbarrier.arrive $0xFFFF;
	s2 =	simm.s32 @!p0 $0x1C01  }
0x228: {  	[timem:s3], [sflag:s2] =	dma.local @!p0 [hbm:s0], s1  }
0x229: {  	s0 =	simm.s32 @!p0 $0x1  }
0x22a: {  	_ =	swait.ge @!p0 [sflag:s0], s1  }
0x22b: {  	s1 =	ssub.s32 @!p0 $0x0, s1;
	[sflag:s0] =	ssyncset.done @!p0 $0x0  }
0x22c: {  	[sflag:s0] =	ssyncadd.s32 @!p0 s1  }
0x22d: {  	[bflag:$0x3] =	sbarrier.arrive $0xFFFF  }
0x22e: {  	_ =	shalt  }

</sc_bundles>
